<compile_context>
chip_gen: v7x
topology: tpu7x:2x2x1
jax: 0.10.2.dev20260603
libtpu: 0.0.44.dev20260713+nightly
codegen_flags: <defaults>
</compile_context>

<pallas_src>
import functools

import jax
import jax.numpy as jnp
from jax import lax
from jax.experimental import pallas as pl
from jax.experimental.pallas import tpu as pltpu
from jax.experimental.pallas import tpu_sc as plsc

N = 10000
E = 320000
D_IN = 128
HIDDEN = 128
CLASSES = 64

NC = 2
NS = 16
NW = NC * NS
CHUNK = 128
E_PAD = 327680
NCHUNK_T = E_PAD // (16 * CHUNK)
NCHUNK = NCHUNK_T // 2
N_PAD = 10240
RPT = N_PAD // NS
TCB = 1024
DEGW = 16


_SC_PARAMS = pltpu.CompilerParams(use_tc_tiling_on_sc=False)


def _sc_mesh():
  return plsc.VectorSubcoreMesh(
      core_axis_name="c", subcore_axis_name="s", num_cores=NC,
      num_subcores=NS)


def _deg_body(dsts_hbm, ones_hbm, zeros_hbm, out_hbm, acc, dsts_v, ones_v,
              zbuf_v):
  c = lax.axis_index("c")
  s = lax.axis_index("s")
  pltpu.sync_copy(zeros_hbm, zbuf_v)
  pltpu.sync_copy(ones_hbm, ones_v)
  pltpu.sync_copy(dsts_hbm.at[s].at[pl.ds(c * NCHUNK, NCHUNK)], dsts_v)
  for k in range(RPT // CHUNK):
    pltpu.sync_copy(zbuf_v, acc.at[pl.ds(s * RPT + k * CHUNK, CHUNK)])
  plsc.subcore_barrier()

  def body(j, carry):
    pltpu.sync_copy(ones_v, acc.at[dsts_v.at[j]], add=True)
    return carry

  lax.fori_loop(0, NCHUNK, body, 0)
  plsc.subcore_barrier()
  for k in range(RPT // CHUNK):
    pltpu.sync_copy(acc.at[pl.ds(s * RPT + k * CHUNK, CHUNK)], zbuf_v)
    pltpu.sync_copy(
        zbuf_v, out_hbm.at[pl.ds(c * N_PAD + s * RPT + k * CHUNK, CHUNK)])


_deg_call = functools.partial(
    pl.kernel,
    out_type=jax.ShapeDtypeStruct((NC * N_PAD, DEGW), jnp.float32),
    mesh=_sc_mesh(),
    compiler_params=_SC_PARAMS,
    scratch_types=[
        pltpu.VMEM_SHARED((N_PAD, DEGW), jnp.float32),
        pltpu.VMEM((NCHUNK, CHUNK), jnp.int32),
        pltpu.VMEM((CHUNK, DEGW), jnp.float32),
        pltpu.VMEM((CHUNK, DEGW), jnp.float32),
    ],
)(_deg_body)




def _make_sprop(w):
  def body(ha_hbm, hb_hbm, srcs_hbm, dsts_hbm, zeros_hbm, out_hbm,
           h_sh, acc, srcs_v, dst0_v, dst1_v, rows0_v, rows1_v,
           semg0, semg1, semd0, semd1):
    c = lax.axis_index("c")
    s = lax.axis_index("s")
    rows = (rows0_v, rows1_v)
    dstb = (dst0_v, dst1_v)
    semg = (semg0, semg1)
    semd = (semd0, semd1)
    pltpu.sync_copy(zeros_hbm, rows0_v)
    pltpu.sync_copy(srcs_hbm.at[s], srcs_v)

    @pl.when(c == 0)
    def _():
      pltpu.sync_copy(ha_hbm.at[pl.ds(s * RPT, RPT)],
                      h_sh.at[pl.ds(s * RPT, RPT)])

    @pl.when(c == 1)
    def _():
      pltpu.sync_copy(hb_hbm.at[pl.ds(s * RPT, RPT)],
                      h_sh.at[pl.ds(s * RPT, RPT)])

    for k in range(RPT // CHUNK):
      pltpu.sync_copy(rows0_v, acc.at[pl.ds(s * RPT + k * CHUNK, CHUNK)])
    plsc.subcore_barrier()

    def gather(j, b):
      pltpu.async_copy(h_sh.at[srcs_v.at[j]], rows[b], semg[b])
      pltpu.async_copy(dsts_hbm.at[s].at[j], dstb[b], semd[b])

    def wait(b):
      pltpu.make_async_copy(
          h_sh.at[pl.ds(0, CHUNK)], rows[b], semg[b]).wait()
      pltpu.make_async_copy(dsts_hbm.at[s].at[0], dstb[b], semd[b]).wait()

    def scatter(b):
      pltpu.sync_copy(rows[b], acc.at[dstb[b]], add=True)

    gather(0, 0)
    gather(1, 1)

    def loop(j2, carry):
      j = 2 * j2
      wait(0)
      scatter(0)
      gather(j, 0)
      wait(1)
      scatter(1)
      gather(j + 1, 1)
      return carry

    lax.fori_loop(1, NCHUNK_T // 2, loop, 0, unroll=False)
    wait(0)
    scatter(0)
    wait(1)
    scatter(1)
    plsc.subcore_barrier()
    for k in range(RPT // CHUNK):
      pltpu.sync_copy(acc.at[pl.ds(s * RPT + k * CHUNK, CHUNK)], rows0_v)
      pltpu.sync_copy(
          rows0_v, out_hbm.at[pl.ds(c * N_PAD + s * RPT + k * CHUNK, CHUNK)])

  return pl.kernel(
      body,
      out_type=jax.ShapeDtypeStruct((NC * N_PAD, w), jnp.float32),
      mesh=_sc_mesh(),
      compiler_params=_SC_PARAMS,
      scratch_types=[
          pltpu.VMEM_SHARED((N_PAD, w), jnp.float32),
          pltpu.VMEM_SHARED((N_PAD, w), jnp.float32),
          pltpu.VMEM((NCHUNK_T, CHUNK), jnp.int32),
          pltpu.VMEM((CHUNK,), jnp.int32),
          pltpu.VMEM((CHUNK,), jnp.int32),
          pltpu.VMEM((CHUNK, w), jnp.float32),
          pltpu.VMEM((CHUNK, w), jnp.float32),
          pltpu.SemaphoreType.DMA,
          pltpu.SemaphoreType.DMA,
          pltpu.SemaphoreType.DMA,
          pltpu.SemaphoreType.DMA,
      ],
  )


_sprop64 = _make_sprop(HIDDEN // 2)
_sprop32 = _make_sprop(CLASSES // 2)


def _norm_of(d0_ref, d1_ref):
  deg = d0_ref[:, 0:1] + d1_ref[:, 0:1]
  return lax.rsqrt(jnp.maximum(deg, 1.0))


def _tc1_body(d0_ref, d1_ref, feat_ref, w_ref, oa_ref, ob_ref):
  norm = _norm_of(d0_ref, d1_ref)
  h = jnp.dot(feat_ref[...], w_ref[...], preferred_element_type=jnp.float32)
  h = h * norm
  oa_ref[...] = h[:, :HIDDEN // 2]
  ob_ref[...] = h[:, HIDDEN // 2:]


def _tc2_body(d0_ref, d1_ref, pa_ref, pb_ref, b_ref, w_ref, oa_ref, ob_ref):
  norm = _norm_of(d0_ref, d1_ref)
  agg = jnp.concatenate([pa_ref[...], pb_ref[...]], axis=1)
  x = agg * norm + b_ref[...]
  x = jnp.where(x > 0.0, x, jnp.exp(x) - 1.0)
  y = jnp.dot(x, w_ref[...], preferred_element_type=jnp.float32) * norm
  oa_ref[...] = y[:, :CLASSES // 2]
  ob_ref[...] = y[:, CLASSES // 2:]


def _tc3_body(d0_ref, d1_ref, pa_ref, pb_ref, b_ref, o_ref):
  norm = _norm_of(d0_ref, d1_ref)
  agg = jnp.concatenate([pa_ref[...], pb_ref[...]], axis=1)
  o_ref[...] = agg * norm + b_ref[...]


_NB = N_PAD // TCB


def _deg_specs():
  return [
      pl.BlockSpec((TCB, DEGW), lambda i: (i, 0)),
      pl.BlockSpec((TCB, DEGW), lambda i: (_NB + i, 0)),
  ]


def _half_specs(w):
  return [
      pl.BlockSpec((TCB, w), lambda i: (i, 0)),
      pl.BlockSpec((TCB, w), lambda i: (_NB + i, 0)),
  ]


def _tc1(deg_parts, feats, w1t):
  grid = (N_PAD // TCB,)
  return pl.pallas_call(
      _tc1_body,
      grid=grid,
      in_specs=_deg_specs() + [
          pl.BlockSpec((TCB, D_IN), lambda i: (i, 0)),
          pl.BlockSpec((D_IN, HIDDEN), lambda i: (0, 0)),
      ],
      out_specs=[
          pl.BlockSpec((TCB, HIDDEN // 2), lambda i: (i, 0)),
          pl.BlockSpec((TCB, HIDDEN // 2), lambda i: (i, 0)),
      ],
      out_shape=[
          jax.ShapeDtypeStruct((N_PAD, HIDDEN // 2), jnp.float32),
          jax.ShapeDtypeStruct((N_PAD, HIDDEN // 2), jnp.float32),
      ],
  )(deg_parts, deg_parts, feats, w1t)


def _tc2(deg_parts, parts1, b1r, w2t):
  grid = (N_PAD // TCB,)
  return pl.pallas_call(
      _tc2_body,
      grid=grid,
      in_specs=_deg_specs() + _half_specs(HIDDEN // 2) + [
          pl.BlockSpec((1, HIDDEN), lambda i: (0, 0)),
          pl.BlockSpec((HIDDEN, CLASSES), lambda i: (0, 0)),
      ],
      out_specs=[
          pl.BlockSpec((TCB, CLASSES // 2), lambda i: (i, 0)),
          pl.BlockSpec((TCB, CLASSES // 2), lambda i: (i, 0)),
      ],
      out_shape=[
          jax.ShapeDtypeStruct((N_PAD, CLASSES // 2), jnp.float32),
          jax.ShapeDtypeStruct((N_PAD, CLASSES // 2), jnp.float32),
      ],
  )(deg_parts, deg_parts, parts1, parts1, b1r, w2t)


def _tc3(deg_parts, parts2, b2r):
  grid = (N_PAD // TCB,)
  return pl.pallas_call(
      _tc3_body,
      grid=grid,
      in_specs=_deg_specs() + _half_specs(CLASSES // 2) + [
          pl.BlockSpec((1, CLASSES), lambda i: (0, 0)),
      ],
      out_specs=pl.BlockSpec((TCB, CLASSES), lambda i: (i, 0)),
      out_shape=jax.ShapeDtypeStruct((N_PAD, CLASSES), jnp.float32),
  )(deg_parts, deg_parts, parts2, parts2, b2r)


def kernel(features, edge_index, order_attn, W1, b1, W2, b2):
  del order_attn
  src = edge_index[0]
  dst = edge_index[1]
  pad = jnp.full((E_PAD - E,), N, dtype=jnp.int32)
  src_f = jnp.concatenate([src, pad])
  dst_f = jnp.concatenate([dst, pad])
  srcs_t = src_f.reshape(NS, NCHUNK_T, CHUNK)
  dsts_t = dst_f.reshape(NS, NCHUNK_T, CHUNK)
  feats = jnp.pad(features, ((0, N_PAD - N), (0, 0)))

  onesw = jnp.ones((CHUNK, DEGW), jnp.float32)
  zw = jnp.zeros((CHUNK, DEGW), jnp.float32)
  z64 = jnp.zeros((CHUNK, HIDDEN // 2), jnp.float32)
  z32 = jnp.zeros((CHUNK, CLASSES // 2), jnp.float32)

  deg_parts = _deg_call(dsts_t, onesw, zw)

  h1a, h1b = _tc1(deg_parts, feats, W1.T)
  parts1 = _sprop64(h1a, h1b, srcs_t, dsts_t, z64)
  h2a, h2b = _tc2(deg_parts, parts1, b1.reshape(1, HIDDEN), W2.T)
  parts2 = _sprop32(h2a, h2b, srcs_t, dsts_t, z32)
  out = _tc3(deg_parts, parts2, b2.reshape(1, CLASSES))
  return out[:N]

# --- scband reference (transcript-rebuilt; emitter-appended) ---
"""Pipeline reference for scband-dgl-sgc-1099511628223 (READ-ONLY COPY).

The authoritative reference and input builder live on the scoring server;
editing this copy changes nothing except your own understanding.
"""

import jax, jax.numpy as jnp
import numpy as np

N = 10000
E = 320000
D_IN = 128
HIDDEN = 128
CLASSES = 64


def setup_inputs(seed: int = 0) -> dict:
    key = jax.random.key(seed)
    k1, k2, k3, k4, k5, k6, k7 = jax.random.split(key, 7)
    features = jax.random.normal(k1, (N, D_IN), dtype=jnp.float32)
    edge_index = jax.random.randint(k2, (2, E), 0, N, dtype=jnp.int32)
    order_attn = jnp.ones((1,), dtype=jnp.float32)
    # Learned params: two SGConv fc layers (Linear with bias, as in DGL SGConv)
    W1 = jax.random.normal(k3, (HIDDEN, D_IN), dtype=jnp.float32) * (1.0 / np.sqrt(D_IN))
    b1 = jax.random.normal(k4, (HIDDEN,), dtype=jnp.float32) * 0.01
    W2 = jax.random.normal(k5, (CLASSES, HIDDEN), dtype=jnp.float32) * (1.0 / np.sqrt(HIDDEN))
    b2 = jax.random.normal(k6, (CLASSES,), dtype=jnp.float32) * 0.01
    return {"features": features, "edge_index": edge_index, "order_attn": order_attn,
            "W1": W1, "b1": b1, "W2": W2, "b2": b2}


def _sgconv(edge_index, feat, W, b):
    # DGL SGConv with k=1, norm=None, allow_zero_in_degree=True:
    # norm = in_degrees().clamp(min=1) ** -0.5 applied on both sides of A @ feat,
    # then fc(feat).
    src = edge_index[0]
    dst = edge_index[1]
    deg = jnp.zeros((N,), jnp.float32).at[dst].add(1.0)
    norm = jnp.power(jnp.clip(deg, 1.0), -0.5)[:, None]
    h = feat * norm
    msg = jnp.take(h, src, axis=0)
    agg = jnp.zeros((N, feat.shape[1]), feat.dtype).at[dst].add(msg)
    h = agg * norm
    return h @ W.T + b


def reference(features, edge_index, order_attn, W1, b1, W2, b2):
    # len(g_list) == 1 branch of the original forward (order_attn unused there)
    x = _sgconv(edge_index, features, W1, b1)
    x = jax.nn.elu(x)
    x = _sgconv(edge_index, x, W2, b2)
    return x

if __name__ == "__main__":
    import jax
    _d = setup_inputs()
    print(jax.jit(kernel)(*tuple(_d.values())))

</pallas_src>

<mosaic_0001>
#map = affine_map<(d0, d1) -> (0, 0)>
#map1 = affine_map<(d0, d1) -> (0, 0, 0)>
module attributes {stable_mosaic.version = 14 : i64} {
  func.func @body(%arg0: i32, %arg1: i32, %arg2: memref<10240x64xf32, #tpu.memory_space<hbm>>, %arg3: memref<10240x64xf32, #tpu.memory_space<hbm>>, %arg4: memref<16x160x128xi32, #tpu.memory_space<hbm>>, %arg5: memref<16x160x128xi32, #tpu.memory_space<hbm>>, %arg6: memref<128x64xf32, #tpu.memory_space<hbm>>, %arg7: memref<20480x64xf32, #tpu.memory_space<hbm>>, %arg8: memref<10240x64xf32, #tpu.memory_space<vmem_shared>>, %arg9: memref<10240x64xf32, #tpu.memory_space<vmem_shared>>, %arg10: memref<160x128xi32, #tpu.memory_space<vmem>>, %arg11: memref<128xi32, #tpu.memory_space<vmem>>, %arg12: memref<128xi32, #tpu.memory_space<vmem>>, %arg13: memref<128x64xf32, #tpu.memory_space<vmem>>, %arg14: memref<128x64xf32, #tpu.memory_space<vmem>>, %arg15: memref<!tpu.dma_semaphore, #tpu.memory_space<semaphore_mem>>, %arg16: memref<!tpu.dma_semaphore, #tpu.memory_space<semaphore_mem>>, %arg17: memref<!tpu.dma_semaphore, #tpu.memory_space<semaphore_mem>>, %arg18: memref<!tpu.dma_semaphore, #tpu.memory_space<semaphore_mem>>) attributes {dimension_semantics = [#tpu.dimension_semantics<core_parallel>, #tpu.dimension_semantics<subcore_parallel>], iteration_bounds = array<i64: 2, 16>, scalar_prefetch = 0 : i64, scratch_operands = 11 : i64, tpu.core_type = #tpu.core_type<sc_vector_subcore>, window_params = [{transform_indices = #map}, {transform_indices = #map}, {transform_indices = #map1}, {transform_indices = #map1}, {transform_indices = #map}, {transform_indices = #map}]} {
    "tpu.region"() ({
      %run_scoped3A = tpu.sem_alloc : memref<!tpu.dma_semaphore, #tpu.memory_space<semaphore_mem>>
      tpu.enqueue_dma source(%arg6 : memref<128x64xf32, #tpu.memory_space<hbm>>) target(%arg13 : memref<128x64xf32, #tpu.memory_space<vmem>>) target_semaphore(%run_scoped3A : memref<!tpu.dma_semaphore, #tpu.memory_space<semaphore_mem>>)
      tpu.wait_dma2 semaphore(%run_scoped3A : memref<!tpu.dma_semaphore, #tpu.memory_space<semaphore_mem>>) src(%arg6 : memref<128x64xf32, #tpu.memory_space<hbm>>) dst(%arg13 : memref<128x64xf32, #tpu.memory_space<vmem>>)
      tpu.yield
    }) : () -> ()
    "tpu.region"() ({
      %run_scoped3A = tpu.sem_alloc : memref<!tpu.dma_semaphore, #tpu.memory_space<semaphore_mem>>
      %dma_start3A_170 = arith.constant 0 : i32
      %dma_start3A_171 = arith.constant 0 : i32
      %dma_start3A_172 = tpu.memref_slice %arg4[%arg1, %dma_start3A_170, %dma_start3A_171] : memref<16x160x128xi32, #tpu.memory_space<hbm>> -> memref<1x160x128xi32, #tpu.memory_space<hbm>>
      %dma_start3A_173 = tpu.memref_squeeze %dma_start3A_172 : memref<1x160x128xi32, #tpu.memory_space<hbm>> -> memref<160x128xi32, #tpu.memory_space<hbm>>
      %dma_start3A_174 = arith.constant 0 : i32
      %dma_start3A_175 = arith.constant 0 : i32
      %dma_start3A_176 = tpu.memref_slice %arg4[%arg1, %dma_start3A_174, %dma_start3A_175] : memref<16x160x128xi32, #tpu.memory_space<hbm>> -> memref<1x160x128xi32, #tpu.memory_space<hbm>>
      %dma_start3A_177 = tpu.memref_squeeze %dma_start3A_176 : memref<1x160x128xi32, #tpu.memory_space<hbm>> -> memref<160x128xi32, #tpu.memory_space<hbm>>
      tpu.enqueue_dma source(%dma_start3A_177 : memref<160x128xi32, #tpu.memory_space<hbm>>) target(%arg10 : memref<160x128xi32, #tpu.memory_space<vmem>>) target_semaphore(%run_scoped3A : memref<!tpu.dma_semaphore, #tpu.memory_space<semaphore_mem>>)
      %dma_wait3A_178 = arith.constant 0 : i32
      %dma_wait3A_179 = arith.constant 0 : i32
      %dma_wait3A_180 = tpu.memref_slice %arg4[%arg1, %dma_wait3A_178, %dma_wait3A_179] : memref<16x160x128xi32, #tpu.memory_space<hbm>> -> memref<1x160x128xi32, #tpu.memory_space<hbm>>
      %dma_wait3A_181 = tpu.memref_squeeze %dma_wait3A_180 : memref<1x160x128xi32, #tpu.memory_space<hbm>> -> memref<160x128xi32, #tpu.memory_space<hbm>>
      %dma_wait3A_182 = arith.constant 0 : i32
      %dma_wait3A_183 = arith.constant 0 : i32
      %dma_wait3A_184 = tpu.memref_slice %arg4[%arg1, %dma_wait3A_182, %dma_wait3A_183] : memref<16x160x128xi32, #tpu.memory_space<hbm>> -> memref<1x160x128xi32, #tpu.memory_space<hbm>>
      %dma_wait3A_185 = tpu.memref_squeeze %dma_wait3A_184 : memref<1x160x128xi32, #tpu.memory_space<hbm>> -> memref<160x128xi32, #tpu.memory_space<hbm>>
      tpu.wait_dma2 semaphore(%run_scoped3A : memref<!tpu.dma_semaphore, #tpu.memory_space<semaphore_mem>>) src(%dma_wait3A_185 : memref<160x128xi32, #tpu.memory_space<hbm>>) dst(%arg10 : memref<160x128xi32, #tpu.memory_space<vmem>>)
      tpu.yield
    }) : () -> ()
    %eq3A = arith.constant 0 : i32
    %eq3A_0 = arith.cmpi eq, %arg0, %eq3A : i32
    %convert_element_type3A = arith.extui %eq3A_0 : i1 to i32
    %cond3A = arith.constant 0 : i32
    %cond3A_1 = arith.cmpi ne, %convert_element_type3A, %cond3A : i32
    scf.if %cond3A_1 {
      %mul3A_170 = arith.constant 640 : i32
      %mul3A_171 = arith.muli %arg1, %mul3A_170 : i32
      %mul3A_172 = arith.constant 640 : i32
      %mul3A_173 = arith.muli %arg1, %mul3A_172 : i32
      "tpu.region"() ({
        %run_scoped3A = tpu.sem_alloc : memref<!tpu.dma_semaphore, #tpu.memory_space<semaphore_mem>>
        %dma_start3A_174 = arith.constant 0 : i32
        %dma_start3A_175 = tpu.memref_slice %arg8[%mul3A_173, %dma_start3A_174] : memref<10240x64xf32, #tpu.memory_space<vmem_shared>> -> memref<640x64xf32, #tpu.memory_space<vmem_shared>>
        %dma_start3A_176 = arith.constant 0 : i32
        %dma_start3A_177 = tpu.memref_slice %arg2[%mul3A_171, %dma_start3A_176] : memref<10240x64xf32, #tpu.memory_space<hbm>> -> memref<640x64xf32, #tpu.memory_space<hbm>>
        tpu.enqueue_dma source(%dma_start3A_177 : memref<640x64xf32, #tpu.memory_space<hbm>>) target(%dma_start3A_175 : memref<640x64xf32, #tpu.memory_space<vmem_shared>>) target_semaphore(%run_scoped3A : memref<!tpu.dma_semaphore, #tpu.memory_space<semaphore_mem>>)
        %dma_wait3A_178 = arith.constant 0 : i32
        %dma_wait3A_179 = tpu.memref_slice %arg8[%mul3A_173, %dma_wait3A_178] : memref<10240x64xf32, #tpu.memory_space<vmem_shared>> -> memref<640x64xf32, #tpu.memory_space<vmem_shared>>
        %dma_wait3A_180 = arith.constant 0 : i32
        %dma_wait3A_181 = tpu.memref_slice %arg2[%mul3A_171, %dma_wait3A_180] : memref<10240x64xf32, #tpu.memory_space<hbm>> -> memref<640x64xf32, #tpu.memory_space<hbm>>
        tpu.wait_dma2 semaphore(%run_scoped3A : memref<!tpu.dma_semaphore, #tpu.memory_space<semaphore_mem>>) src(%dma_wait3A_181 : memref<640x64xf32, #tpu.memory_space<hbm>>) dst(%dma_wait3A_179 : memref<640x64xf32, #tpu.memory_space<vmem_shared>>)
        tpu.yield
      }) : () -> ()
    } else {
    }
    %eq3A_2 = arith.constant 1 : i32
    %eq3A_3 = arith.cmpi eq, %arg0, %eq3A_2 : i32
    %convert_element_type3A_4 = arith.extui %eq3A_3 : i1 to i32
    %cond3A_5 = arith.constant 0 : i32
    %cond3A_6 = arith.cmpi ne, %convert_element_type3A_4, %cond3A_5 : i32
    scf.if %cond3A_6 {
      %mul3A_170 = arith.constant 640 : i32
      %mul3A_171 = arith.muli %arg1, %mul3A_170 : i32
      %mul3A_172 = arith.constant 640 : i32
      %mul3A_173 = arith.muli %arg1, %mul3A_172 : i32
      "tpu.region"() ({
        %run_scoped3A = tpu.sem_alloc : memref<!tpu.dma_semaphore, #tpu.memory_space<semaphore_mem>>
        %dma_start3A_174 = arith.constant 0 : i32
        %dma_start3A_175 = tpu.memref_slice %arg8[%mul3A_173, %dma_start3A_174] : memref<10240x64xf32, #tpu.memory_space<vmem_shared>> -> memref<640x64xf32, #tpu.memory_space<vmem_shared>>
        %dma_start3A_176 = arith.constant 0 : i32
        %dma_start3A_177 = tpu.memref_slice %arg3[%mul3A_171, %dma_start3A_176] : memref<10240x64xf32, #tpu.memory_space<hbm>> -> memref<640x64xf32, #tpu.memory_space<hbm>>
        tpu.enqueue_dma source(%dma_start3A_177 : memref<640x64xf32, #tpu.memory_space<hbm>>) target(%dma_start3A_175 : memref<640x64xf32, #tpu.memory_space<vmem_shared>>) target_semaphore(%run_scoped3A : memref<!tpu.dma_semaphore, #tpu.memory_space<semaphore_mem>>)
        %dma_wait3A_178 = arith.constant 0 : i32
        %dma_wait3A_179 = tpu.memref_slice %arg8[%mul3A_173, %dma_wait3A_178] : memref<10240x64xf32, #tpu.memory_space<vmem_shared>> -> memref<640x64xf32, #tpu.memory_space<vmem_shared>>
        %dma_wait3A_180 = arith.constant 0 : i32
        %dma_wait3A_181 = tpu.memref_slice %arg3[%mul3A_171, %dma_wait3A_180] : memref<10240x64xf32, #tpu.memory_space<hbm>> -> memref<640x64xf32, #tpu.memory_space<hbm>>
        tpu.wait_dma2 semaphore(%run_scoped3A : memref<!tpu.dma_semaphore, #tpu.memory_space<semaphore_mem>>) src(%dma_wait3A_181 : memref<640x64xf32, #tpu.memory_space<hbm>>) dst(%dma_wait3A_179 : memref<640x64xf32, #tpu.memory_space<vmem_shared>>)
        tpu.yield
      }) : () -> ()
    } else {
    }
    %mul3A = arith.constant 640 : i32
    %mul3A_7 = arith.muli %arg1, %mul3A : i32
    %add3A = arith.constant 0 : i32
    %add3A_8 = arith.addi %mul3A_7, %add3A : i32
    "tpu.region"() ({
      %run_scoped3A = tpu.sem_alloc : memref<!tpu.dma_semaphore, #tpu.memory_space<semaphore_mem>>
      %dma_start3A_170 = arith.constant 0 : i32
      %dma_start3A_171 = tpu.memref_slice %arg9[%add3A_8, %dma_start3A_170] : memref<10240x64xf32, #tpu.memory_space<vmem_shared>> -> memref<128x64xf32, #tpu.memory_space<vmem_shared>>
      %dma_start3A_172 = arith.constant 0 : i32
      %dma_start3A_173 = tpu.memref_slice %arg9[%add3A_8, %dma_start3A_172] : memref<10240x64xf32, #tpu.memory_space<vmem_shared>> -> memref<128x64xf32, #tpu.memory_space<vmem_shared>>
      tpu.enqueue_dma source(%arg13 : memref<128x64xf32, #tpu.memory_space<vmem>>) target(%dma_start3A_173 : memref<128x64xf32, #tpu.memory_space<vmem_shared>>) target_semaphore(%run_scoped3A : memref<!tpu.dma_semaphore, #tpu.memory_space<semaphore_mem>>)
      %dma_wait3A_174 = arith.constant 0 : i32
      %dma_wait3A_175 = tpu.memref_slice %arg9[%add3A_8, %dma_wait3A_174] : memref<10240x64xf32, #tpu.memory_space<vmem_shared>> -> memref<128x64xf32, #tpu.memory_space<vmem_shared>>
      %dma_wait3A_176 = arith.constant 0 : i32
      %dma_wait3A_177 = tpu.memref_slice %arg9[%add3A_8, %dma_wait3A_176] : memref<10240x64xf32, #tpu.memory_space<vmem_shared>> -> memref<128x64xf32, #tpu.memory_space<vmem_shared>>
      tpu.wait_dma2 semaphore(%run_scoped3A : memref<!tpu.dma_semaphore, #tpu.memory_space<semaphore_mem>>) src(%arg13 : memref<128x64xf32, #tpu.memory_space<vmem>>) dst(%dma_wait3A_177 : memref<128x64xf32, #tpu.memory_space<vmem_shared>>)
      tpu.yield
    }) : () -> ()
    %mul3A_9 = arith.constant 640 : i32
    %mul3A_10 = arith.muli %arg1, %mul3A_9 : i32
    %add3A_11 = arith.constant 128 : i32
    %add3A_12 = arith.addi %mul3A_10, %add3A_11 : i32
    "tpu.region"() ({
      %run_scoped3A = tpu.sem_alloc : memref<!tpu.dma_semaphore, #tpu.memory_space<semaphore_mem>>
      %dma_start3A_170 = arith.constant 0 : i32
      %dma_start3A_171 = tpu.memref_slice %arg9[%add3A_12, %dma_start3A_170] : memref<10240x64xf32, #tpu.memory_space<vmem_shared>> -> memref<128x64xf32, #tpu.memory_space<vmem_shared>>
      %dma_start3A_172 = arith.constant 0 : i32
      %dma_start3A_173 = tpu.memref_slice %arg9[%add3A_12, %dma_start3A_172] : memref<10240x64xf32, #tpu.memory_space<vmem_shared>> -> memref<128x64xf32, #tpu.memory_space<vmem_shared>>
      tpu.enqueue_dma source(%arg13 : memref<128x64xf32, #tpu.memory_space<vmem>>) target(%dma_start3A_173 : memref<128x64xf32, #tpu.memory_space<vmem_shared>>) target_semaphore(%run_scoped3A : memref<!tpu.dma_semaphore, #tpu.memory_space<semaphore_mem>>)
      %dma_wait3A_174 = arith.constant 0 : i32
      %dma_wait3A_175 = tpu.memref_slice %arg9[%add3A_12, %dma_wait3A_174] : memref<10240x64xf32, #tpu.memory_space<vmem_shared>> -> memref<128x64xf32, #tpu.memory_space<vmem_shared>>
      %dma_wait3A_176 = arith.constant 0 : i32
      %dma_wait3A_177 = tpu.memref_slice %arg9[%add3A_12, %dma_wait3A_176] : memref<10240x64xf32, #tpu.memory_space<vmem_shared>> -> memref<128x64xf32, #tpu.memory_space<vmem_shared>>
      tpu.wait_dma2 semaphore(%run_scoped3A : memref<!tpu.dma_semaphore, #tpu.memory_space<semaphore_mem>>) src(%arg13 : memref<128x64xf32, #tpu.memory_space<vmem>>) dst(%dma_wait3A_177 : memref<128x64xf32, #tpu.memory_space<vmem_shared>>)
      tpu.yield
    }) : () -> ()
    %mul3A_13 = arith.constant 640 : i32
    %mul3A_14 = arith.muli %arg1, %mul3A_13 : i32
    %add3A_15 = arith.constant 256 : i32
    %add3A_16 = arith.addi %mul3A_14, %add3A_15 : i32
    "tpu.region"() ({
      %run_scoped3A = tpu.sem_alloc : memref<!tpu.dma_semaphore, #tpu.memory_space<semaphore_mem>>
      %dma_start3A_170 = arith.constant 0 : i32
      %dma_start3A_171 = tpu.memref_slice %arg9[%add3A_16, %dma_start3A_170] : memref<10240x64xf32, #tpu.memory_space<vmem_shared>> -> memref<128x64xf32, #tpu.memory_space<vmem_shared>>
      %dma_start3A_172 = arith.constant 0 : i32
      %dma_start3A_173 = tpu.memref_slice %arg9[%add3A_16, %dma_start3A_172] : memref<10240x64xf32, #tpu.memory_space<vmem_shared>> -> memref<128x64xf32, #tpu.memory_space<vmem_shared>>
      tpu.enqueue_dma source(%arg13 : memref<128x64xf32, #tpu.memory_space<vmem>>) target(%dma_start3A_173 : memref<128x64xf32, #tpu.memory_space<vmem_shared>>) target_semaphore(%run_scoped3A : memref<!tpu.dma_semaphore, #tpu.memory_space<semaphore_mem>>)
      %dma_wait3A_174 = arith.constant 0 : i32
      %dma_wait3A_175 = tpu.memref_slice %arg9[%add3A_16, %dma_wait3A_174] : memref<10240x64xf32, #tpu.memory_space<vmem_shared>> -> memref<128x64xf32, #tpu.memory_space<vmem_shared>>
      %dma_wait3A_176 = arith.constant 0 : i32
      %dma_wait3A_177 = tpu.memref_slice %arg9[%add3A_16, %dma_wait3A_176] : memref<10240x64xf32, #tpu.memory_space<vmem_shared>> -> memref<128x64xf32, #tpu.memory_space<vmem_shared>>
      tpu.wait_dma2 semaphore(%run_scoped3A : memref<!tpu.dma_semaphore, #tpu.memory_space<semaphore_mem>>) src(%arg13 : memref<128x64xf32, #tpu.memory_space<vmem>>) dst(%dma_wait3A_177 : memref<128x64xf32, #tpu.memory_space<vmem_shared>>)
      tpu.yield
    }) : () -> ()
    %mul3A_17 = arith.constant 640 : i32
    %mul3A_18 = arith.muli %arg1, %mul3A_17 : i32
    %add3A_19 = arith.constant 384 : i32
    %add3A_20 = arith.addi %mul3A_18, %add3A_19 : i32
    "tpu.region"() ({
      %run_scoped3A = tpu.sem_alloc : memref<!tpu.dma_semaphore, #tpu.memory_space<semaphore_mem>>
      %dma_start3A_170 = arith.constant 0 : i32
      %dma_start3A_171 = tpu.memref_slice %arg9[%add3A_20, %dma_start3A_170] : memref<10240x64xf32, #tpu.memory_space<vmem_shared>> -> memref<128x64xf32, #tpu.memory_space<vmem_shared>>
      %dma_start3A_172 = arith.constant 0 : i32
      %dma_start3A_173 = tpu.memref_slice %arg9[%add3A_20, %dma_start3A_172] : memref<10240x64xf32, #tpu.memory_space<vmem_shared>> -> memref<128x64xf32, #tpu.memory_space<vmem_shared>>
      tpu.enqueue_dma source(%arg13 : memref<128x64xf32, #tpu.memory_space<vmem>>) target(%dma_start3A_173 : memref<128x64xf32, #tpu.memory_space<vmem_shared>>) target_semaphore(%run_scoped3A : memref<!tpu.dma_semaphore, #tpu.memory_space<semaphore_mem>>)
      %dma_wait3A_174 = arith.constant 0 : i32
      %dma_wait3A_175 = tpu.memref_slice %arg9[%add3A_20, %dma_wait3A_174] : memref<10240x64xf32, #tpu.memory_space<vmem_shared>> -> memref<128x64xf32, #tpu.memory_space<vmem_shared>>
      %dma_wait3A_176 = arith.constant 0 : i32
      %dma_wait3A_177 = tpu.memref_slice %arg9[%add3A_20, %dma_wait3A_176] : memref<10240x64xf32, #tpu.memory_space<vmem_shared>> -> memref<128x64xf32, #tpu.memory_space<vmem_shared>>
      tpu.wait_dma2 semaphore(%run_scoped3A : memref<!tpu.dma_semaphore, #tpu.memory_space<semaphore_mem>>) src(%arg13 : memref<128x64xf32, #tpu.memory_space<vmem>>) dst(%dma_wait3A_177 : memref<128x64xf32, #tpu.memory_space<vmem_shared>>)
      tpu.yield
    }) : () -> ()
    %mul3A_21 = arith.constant 640 : i32
    %mul3A_22 = arith.muli %arg1, %mul3A_21 : i32
    %add3A_23 = arith.constant 512 : i32
    %add3A_24 = arith.addi %mul3A_22, %add3A_23 : i32
    "tpu.region"() ({
      %run_scoped3A = tpu.sem_alloc : memref<!tpu.dma_semaphore, #tpu.memory_space<semaphore_mem>>
      %dma_start3A_170 = arith.constant 0 : i32
      %dma_start3A_171 = tpu.memref_slice %arg9[%add3A_24, %dma_start3A_170] : memref<10240x64xf32, #tpu.memory_space<vmem_shared>> -> memref<128x64xf32, #tpu.memory_space<vmem_shared>>
      %dma_start3A_172 = arith.constant 0 : i32
      %dma_start3A_173 = tpu.memref_slice %arg9[%add3A_24, %dma_start3A_172] : memref<10240x64xf32, #tpu.memory_space<vmem_shared>> -> memref<128x64xf32, #tpu.memory_space<vmem_shared>>
      tpu.enqueue_dma source(%arg13 : memref<128x64xf32, #tpu.memory_space<vmem>>) target(%dma_start3A_173 : memref<128x64xf32, #tpu.memory_space<vmem_shared>>) target_semaphore(%run_scoped3A : memref<!tpu.dma_semaphore, #tpu.memory_space<semaphore_mem>>)
      %dma_wait3A_174 = arith.constant 0 : i32
      %dma_wait3A_175 = tpu.memref_slice %arg9[%add3A_24, %dma_wait3A_174] : memref<10240x64xf32, #tpu.memory_space<vmem_shared>> -> memref<128x64xf32, #tpu.memory_space<vmem_shared>>
      %dma_wait3A_176 = arith.constant 0 : i32
      %dma_wait3A_177 = tpu.memref_slice %arg9[%add3A_24, %dma_wait3A_176] : memref<10240x64xf32, #tpu.memory_space<vmem_shared>> -> memref<128x64xf32, #tpu.memory_space<vmem_shared>>
      tpu.wait_dma2 semaphore(%run_scoped3A : memref<!tpu.dma_semaphore, #tpu.memory_space<semaphore_mem>>) src(%arg13 : memref<128x64xf32, #tpu.memory_space<vmem>>) dst(%dma_wait3A_177 : memref<128x64xf32, #tpu.memory_space<vmem_shared>>)
      tpu.yield
    }) : () -> ()
    %barrier3A = arith.constant 0 : index
    tpu.barrier barrier_id(%barrier3A)
    %dma_start3A = arith.constant 0 : i32
    %dma_start3A_25 = arith.constant 0 : i32
    %dma_start3A_26 = tpu.memref_slice %arg10[%dma_start3A, %dma_start3A_25] : memref<160x128xi32, #tpu.memory_space<vmem>> -> memref<1x128xi32, #tpu.memory_space<vmem>>
    %dma_start3A_27 = tpu.memref_squeeze %dma_start3A_26 : memref<1x128xi32, #tpu.memory_space<vmem>> -> memref<128xi32, #tpu.memory_space<vmem>>
    %dma_start3A_28 = arith.constant 0 : i32
    %dma_start3A_29 = arith.constant 0 : i32
    %dma_start3A_30 = tpu.memref_slice %arg8[%dma_start3A_28, %dma_start3A_29] : memref<10240x64xf32, #tpu.memory_space<vmem_shared>> -> memref<10240x64xf32, #tpu.memory_space<vmem_shared>>
    tpu.enqueue_indirect_dma source(%dma_start3A_30 : memref<10240x64xf32, #tpu.memory_space<vmem_shared>>) target(%arg13 : memref<128x64xf32, #tpu.memory_space<vmem>>) offsets(%dma_start3A_27 : memref<128xi32, #tpu.memory_space<vmem>>) semaphore(%arg15 : memref<!tpu.dma_semaphore, #tpu.memory_space<semaphore_mem>>)
    %dma_start3A_31 = arith.constant 0 : i32
    %dma_start3A_32 = arith.constant 0 : i32
    %dma_start3A_33 = arith.constant 0 : i32
    %dma_start3A_34 = tpu.memref_slice %arg5[%arg1, %dma_start3A_32, %dma_start3A_33] : memref<16x160x128xi32, #tpu.memory_space<hbm>> -> memref<1x160x128xi32, #tpu.memory_space<hbm>>
    %dma_start3A_35 = tpu.memref_squeeze %dma_start3A_34 : memref<1x160x128xi32, #tpu.memory_space<hbm>> -> memref<160x128xi32, #tpu.memory_space<hbm>>
    %dma_start3A_36 = arith.constant 0 : i32
    %dma_start3A_37 = tpu.memref_slice %dma_start3A_35[%dma_start3A_31, %dma_start3A_36] : memref<160x128xi32, #tpu.memory_space<hbm>> -> memref<1x128xi32, #tpu.memory_space<hbm>>
    %dma_start3A_38 = tpu.memref_squeeze %dma_start3A_37 : memref<1x128xi32, #tpu.memory_space<hbm>> -> memref<128xi32, #tpu.memory_space<hbm>>
    %dma_start3A_39 = arith.constant 0 : i32
    %dma_start3A_40 = arith.constant 0 : i32
    %dma_start3A_41 = tpu.memref_slice %arg5[%arg1, %dma_start3A_39, %dma_start3A_40] : memref<16x160x128xi32, #tpu.memory_space<hbm>> -> memref<1x160x128xi32, #tpu.memory_space<hbm>>
    %dma_start3A_42 = tpu.memref_squeeze %dma_start3A_41 : memref<1x160x128xi32, #tpu.memory_space<hbm>> -> memref<160x128xi32, #tpu.memory_space<hbm>>
    %dma_start3A_43 = arith.constant 0 : i32
    %dma_start3A_44 = tpu.memref_slice %dma_start3A_42[%dma_start3A_31, %dma_start3A_43] : memref<160x128xi32, #tpu.memory_space<hbm>> -> memref<1x128xi32, #tpu.memory_space<hbm>>
    %dma_start3A_45 = tpu.memref_squeeze %dma_start3A_44 : memref<1x128xi32, #tpu.memory_space<hbm>> -> memref<128xi32, #tpu.memory_space<hbm>>
    tpu.enqueue_dma source(%dma_start3A_45 : memref<128xi32, #tpu.memory_space<hbm>>) target(%arg11 : memref<128xi32, #tpu.memory_space<vmem>>) target_semaphore(%arg17 : memref<!tpu.dma_semaphore, #tpu.memory_space<semaphore_mem>>)
    %dma_start3A_46 = arith.constant 1 : i32
    %dma_start3A_47 = arith.constant 0 : i32
    %dma_start3A_48 = tpu.memref_slice %arg10[%dma_start3A_46, %dma_start3A_47] : memref<160x128xi32, #tpu.memory_space<vmem>> -> memref<1x128xi32, #tpu.memory_space<vmem>>
    %dma_start3A_49 = tpu.memref_squeeze %dma_start3A_48 : memref<1x128xi32, #tpu.memory_space<vmem>> -> memref<128xi32, #tpu.memory_space<vmem>>
    %dma_start3A_50 = arith.constant 0 : i32
    %dma_start3A_51 = arith.constant 0 : i32
    %dma_start3A_52 = tpu.memref_slice %arg8[%dma_start3A_50, %dma_start3A_51] : memref<10240x64xf32, #tpu.memory_space<vmem_shared>> -> memref<10240x64xf32, #tpu.memory_space<vmem_shared>>
    tpu.enqueue_indirect_dma source(%dma_start3A_52 : memref<10240x64xf32, #tpu.memory_space<vmem_shared>>) target(%arg14 : memref<128x64xf32, #tpu.memory_space<vmem>>) offsets(%dma_start3A_49 : memref<128xi32, #tpu.memory_space<vmem>>) semaphore(%arg16 : memref<!tpu.dma_semaphore, #tpu.memory_space<semaphore_mem>>)
    %dma_start3A_53 = arith.constant 1 : i32
    %dma_start3A_54 = arith.constant 0 : i32
    %dma_start3A_55 = arith.constant 0 : i32
    %dma_start3A_56 = tpu.memref_slice %arg5[%arg1, %dma_start3A_54, %dma_start3A_55] : memref<16x160x128xi32, #tpu.memory_space<hbm>> -> memref<1x160x128xi32, #tpu.memory_space<hbm>>
    %dma_start3A_57 = tpu.memref_squeeze %dma_start3A_56 : memref<1x160x128xi32, #tpu.memory_space<hbm>> -> memref<160x128xi32, #tpu.memory_space<hbm>>
    %dma_start3A_58 = arith.constant 0 : i32
    %dma_start3A_59 = tpu.memref_slice %dma_start3A_57[%dma_start3A_53, %dma_start3A_58] : memref<160x128xi32, #tpu.memory_space<hbm>> -> memref<1x128xi32, #tpu.memory_space<hbm>>
    %dma_start3A_60 = tpu.memref_squeeze %dma_start3A_59 : memref<1x128xi32, #tpu.memory_space<hbm>> -> memref<128xi32, #tpu.memory_space<hbm>>
    %dma_start3A_61 = arith.constant 0 : i32
    %dma_start3A_62 = arith.constant 0 : i32
    %dma_start3A_63 = tpu.memref_slice %arg5[%arg1, %dma_start3A_61, %dma_start3A_62] : memref<16x160x128xi32, #tpu.memory_space<hbm>> -> memref<1x160x128xi32, #tpu.memory_space<hbm>>
    %dma_start3A_64 = tpu.memref_squeeze %dma_start3A_63 : memref<1x160x128xi32, #tpu.memory_space<hbm>> -> memref<160x128xi32, #tpu.memory_space<hbm>>
    %dma_start3A_65 = arith.constant 0 : i32
    %dma_start3A_66 = tpu.memref_slice %dma_start3A_64[%dma_start3A_53, %dma_start3A_65] : memref<160x128xi32, #tpu.memory_space<hbm>> -> memref<1x128xi32, #tpu.memory_space<hbm>>
    %dma_start3A_67 = tpu.memref_squeeze %dma_start3A_66 : memref<1x128xi32, #tpu.memory_space<hbm>> -> memref<128xi32, #tpu.memory_space<hbm>>
    tpu.enqueue_dma source(%dma_start3A_67 : memref<128xi32, #tpu.memory_space<hbm>>) target(%arg12 : memref<128xi32, #tpu.memory_space<vmem>>) target_semaphore(%arg18 : memref<!tpu.dma_semaphore, #tpu.memory_space<semaphore_mem>>)
    %scan3A = arith.constant 0 : i32
    %scan3A_68 = arith.constant 1 : i32
    %scan3A_69 = arith.constant 79 : i32
    %scan3A_70 = arith.addi %scan3A_68, %scan3A_69 : i32
    %scan3A_71 = arith.constant 1 : i32
    scf.for %scan3A_170 = %scan3A_68 to %scan3A_70 step %scan3A_71  : i32 {
      %mul3A_171 = arith.constant 2 : i32
      %mul3A_172 = arith.muli %mul3A_171, %scan3A_170 : i32
      %dma_wait3A_173 = arith.constant 0 : i32
      %dma_wait3A_174 = arith.constant 0 : i32
      %dma_wait3A_175 = tpu.memref_slice %arg8[%dma_wait3A_173, %dma_wait3A_174] : memref<10240x64xf32, #tpu.memory_space<vmem_shared>> -> memref<128x64xf32, #tpu.memory_space<vmem_shared>>
      %dma_wait3A_176 = arith.constant 0 : i32
      %dma_wait3A_177 = arith.constant 0 : i32
      %dma_wait3A_178 = tpu.memref_slice %arg8[%dma_wait3A_176, %dma_wait3A_177] : memref<10240x64xf32, #tpu.memory_space<vmem_shared>> -> memref<128x64xf32, #tpu.memory_space<vmem_shared>>
      tpu.wait_dma2 semaphore(%arg15 : memref<!tpu.dma_semaphore, #tpu.memory_space<semaphore_mem>>) src(%dma_wait3A_178 : memref<128x64xf32, #tpu.memory_space<vmem_shared>>) dst(%arg13 : memref<128x64xf32, #tpu.memory_space<vmem>>)
      %dma_wait3A_179 = arith.constant 0 : i32
      %dma_wait3A_180 = arith.constant 0 : i32
      %dma_wait3A_181 = arith.constant 0 : i32
      %dma_wait3A_182 = tpu.memref_slice %arg5[%arg1, %dma_wait3A_180, %dma_wait3A_181] : memref<16x160x128xi32, #tpu.memory_space<hbm>> -> memref<1x160x128xi32, #tpu.memory_space<hbm>>
      %dma_wait3A_183 = tpu.memref_squeeze %dma_wait3A_182 : memref<1x160x128xi32, #tpu.memory_space<hbm>> -> memref<160x128xi32, #tpu.memory_space<hbm>>
      %dma_wait3A_184 = arith.constant 0 : i32
      %dma_wait3A_185 = tpu.memref_slice %dma_wait3A_183[%dma_wait3A_179, %dma_wait3A_184] : memref<160x128xi32, #tpu.memory_space<hbm>> -> memref<1x128xi32, #tpu.memory_space<hbm>>
      %dma_wait3A_186 = tpu.memref_squeeze %dma_wait3A_185 : memref<1x128xi32, #tpu.memory_space<hbm>> -> memref<128xi32, #tpu.memory_space<hbm>>
      %dma_wait3A_187 = arith.constant 0 : i32
      %dma_wait3A_188 = arith.constant 0 : i32
      %dma_wait3A_189 = tpu.memref_slice %arg5[%arg1, %dma_wait3A_187, %dma_wait3A_188] : memref<16x160x128xi32, #tpu.memory_space<hbm>> -> memref<1x160x128xi32, #tpu.memory_space<hbm>>
      %dma_wait3A_190 = tpu.memref_squeeze %dma_wait3A_189 : memref<1x160x128xi32, #tpu.memory_space<hbm>> -> memref<160x128xi32, #tpu.memory_space<hbm>>
      %dma_wait3A_191 = arith.constant 0 : i32
      %dma_wait3A_192 = tpu.memref_slice %dma_wait3A_190[%dma_wait3A_179, %dma_wait3A_191] : memref<160x128xi32, #tpu.memory_space<hbm>> -> memref<1x128xi32, #tpu.memory_space<hbm>>
      %dma_wait3A_193 = tpu.memref_squeeze %dma_wait3A_192 : memref<1x128xi32, #tpu.memory_space<hbm>> -> memref<128xi32, #tpu.memory_space<hbm>>
      tpu.wait_dma2 semaphore(%arg17 : memref<!tpu.dma_semaphore, #tpu.memory_space<semaphore_mem>>) src(%dma_wait3A_193 : memref<128xi32, #tpu.memory_space<hbm>>) dst(%arg11 : memref<128xi32, #tpu.memory_space<vmem>>)
      "tpu.region"() ({
        %run_scoped3A = tpu.sem_alloc : memref<!tpu.dma_semaphore, #tpu.memory_space<semaphore_mem>>
        %dma_start3A_257 = arith.constant 0 : i32
        %dma_start3A_258 = arith.constant 0 : i32
        %dma_start3A_259 = tpu.memref_slice %arg9[%dma_start3A_257, %dma_start3A_258] : memref<10240x64xf32, #tpu.memory_space<vmem_shared>> -> memref<10240x64xf32, #tpu.memory_space<vmem_shared>>
        tpu.enqueue_indirect_dma source(%arg13 : memref<128x64xf32, #tpu.memory_space<vmem>>) target(%dma_start3A_259 : memref<10240x64xf32, #tpu.memory_space<vmem_shared>>) offsets(%arg11 : memref<128xi32, #tpu.memory_space<vmem>>) semaphore(%run_scoped3A : memref<!tpu.dma_semaphore, #tpu.memory_space<semaphore_mem>>) {add = true}
        %dma_wait3A_260 = arith.constant 0 : i32
        %dma_wait3A_261 = arith.constant 0 : i32
        %dma_wait3A_262 = tpu.memref_slice %arg9[%dma_wait3A_260, %dma_wait3A_261] : memref<10240x64xf32, #tpu.memory_space<vmem_shared>> -> memref<10240x64xf32, #tpu.memory_space<vmem_shared>>
        tpu.wait_indirect_dma semaphore(%run_scoped3A : memref<!tpu.dma_semaphore, #tpu.memory_space<semaphore_mem>>) src(%arg13 : memref<128x64xf32, #tpu.memory_space<vmem>>) dst(%dma_wait3A_262 : memref<10240x64xf32, #tpu.memory_space<vmem_shared>>)
        tpu.yield
      }) : () -> ()
      %dma_start3A_194 = arith.constant 0 : i32
      %dma_start3A_195 = tpu.memref_slice %arg10[%mul3A_172, %dma_start3A_194] : memref<160x128xi32, #tpu.memory_space<vmem>> -> memref<1x128xi32, #tpu.memory_space<vmem>>
      %dma_start3A_196 = tpu.memref_squeeze %dma_start3A_195 : memref<1x128xi32, #tpu.memory_space<vmem>> -> memref<128xi32, #tpu.memory_space<vmem>>
      %dma_start3A_197 = arith.constant 0 : i32
      %dma_start3A_198 = arith.constant 0 : i32
      %dma_start3A_199 = tpu.memref_slice %arg8[%dma_start3A_197, %dma_start3A_198] : memref<10240x64xf32, #tpu.memory_space<vmem_shared>> -> memref<10240x64xf32, #tpu.memory_space<vmem_shared>>
      tpu.enqueue_indirect_dma source(%dma_start3A_199 : memref<10240x64xf32, #tpu.memory_space<vmem_shared>>) target(%arg13 : memref<128x64xf32, #tpu.memory_space<vmem>>) offsets(%dma_start3A_196 : memref<128xi32, #tpu.memory_space<vmem>>) semaphore(%arg15 : memref<!tpu.dma_semaphore, #tpu.memory_space<semaphore_mem>>)
      %dma_start3A_200 = arith.constant 0 : i32
      %dma_start3A_201 = arith.constant 0 : i32
      %dma_start3A_202 = tpu.memref_slice %arg5[%arg1, %dma_start3A_200, %dma_start3A_201] : memref<16x160x128xi32, #tpu.memory_space<hbm>> -> memref<1x160x128xi32, #tpu.memory_space<hbm>>
      %dma_start3A_203 = tpu.memref_squeeze %dma_start3A_202 : memref<1x160x128xi32, #tpu.memory_space<hbm>> -> memref<160x128xi32, #tpu.memory_space<hbm>>
      %dma_start3A_204 = arith.constant 0 : i32
      %dma_start3A_205 = tpu.memref_slice %dma_start3A_203[%mul3A_172, %dma_start3A_204] : memref<160x128xi32, #tpu.memory_space<hbm>> -> memref<1x128xi32, #tpu.memory_space<hbm>>
      %dma_start3A_206 = tpu.memref_squeeze %dma_start3A_205 : memref<1x128xi32, #tpu.memory_space<hbm>> -> memref<128xi32, #tpu.memory_space<hbm>>
      %dma_start3A_207 = arith.constant 0 : i32
      %dma_start3A_208 = arith.constant 0 : i32
      %dma_start3A_209 = tpu.memref_slice %arg5[%arg1, %dma_start3A_207, %dma_start3A_208] : memref<16x160x128xi32, #tpu.memory_space<hbm>> -> memref<1x160x128xi32, #tpu.memory_space<hbm>>
      %dma_start3A_210 = tpu.memref_squeeze %dma_start3A_209 : memref<1x160x128xi32, #tpu.memory_space<hbm>> -> memref<160x128xi32, #tpu.memory_space<hbm>>
      %dma_start3A_211 = arith.constant 0 : i32
      %dma_start3A_212 = tpu.memref_slice %dma_start3A_210[%mul3A_172, %dma_start3A_211] : memref<160x128xi32, #tpu.memory_space<hbm>> -> memref<1x128xi32, #tpu.memory_space<hbm>>
      %dma_start3A_213 = tpu.memref_squeeze %dma_start3A_212 : memref<1x128xi32, #tpu.memory_space<hbm>> -> memref<128xi32, #tpu.memory_space<hbm>>
      tpu.enqueue_dma source(%dma_start3A_213 : memref<128xi32, #tpu.memory_space<hbm>>) target(%arg11 : memref<128xi32, #tpu.memory_space<vmem>>) target_semaphore(%arg17 : memref<!tpu.dma_semaphore, #tpu.memory_space<semaphore_mem>>)
      %dma_wait3A_214 = arith.constant 0 : i32
      %dma_wait3A_215 = arith.constant 0 : i32
      %dma_wait3A_216 = tpu.memref_slice %arg8[%dma_wait3A_214, %dma_wait3A_215] : memref<10240x64xf32, #tpu.memory_space<vmem_shared>> -> memref<128x64xf32, #tpu.memory_space<vmem_shared>>
      %dma_wait3A_217 = arith.constant 0 : i32
      %dma_wait3A_218 = arith.constant 0 : i32
      %dma_wait3A_219 = tpu.memref_slice %arg8[%dma_wait3A_217, %dma_wait3A_218] : memref<10240x64xf32, #tpu.memory_space<vmem_shared>> -> memref<128x64xf32, #tpu.memory_space<vmem_shared>>
      tpu.wait_dma2 semaphore(%arg16 : memref<!tpu.dma_semaphore, #tpu.memory_space<semaphore_mem>>) src(%dma_wait3A_219 : memref<128x64xf32, #tpu.memory_space<vmem_shared>>) dst(%arg14 : memref<128x64xf32, #tpu.memory_space<vmem>>)
      %dma_wait3A_220 = arith.constant 0 : i32
      %dma_wait3A_221 = arith.constant 0 : i32
      %dma_wait3A_222 = arith.constant 0 : i32
      %dma_wait3A_223 = tpu.memref_slice %arg5[%arg1, %dma_wait3A_221, %dma_wait3A_222] : memref<16x160x128xi32, #tpu.memory_space<hbm>> -> memref<1x160x128xi32, #tpu.memory_space<hbm>>
      %dma_wait3A_224 = tpu.memref_squeeze %dma_wait3A_223 : memref<1x160x128xi32, #tpu.memory_space<hbm>> -> memref<160x128xi32, #tpu.memory_space<hbm>>
      %dma_wait3A_225 = arith.constant 0 : i32
      %dma_wait3A_226 = tpu.memref_slice %dma_wait3A_224[%dma_wait3A_220, %dma_wait3A_225] : memref<160x128xi32, #tpu.memory_space<hbm>> -> memref<1x128xi32, #tpu.memory_space<hbm>>
      %dma_wait3A_227 = tpu.memref_squeeze %dma_wait3A_226 : memref<1x128xi32, #tpu.memory_space<hbm>> -> memref<128xi32, #tpu.memory_space<hbm>>
      %dma_wait3A_228 = arith.constant 0 : i32
      %dma_wait3A_229 = arith.constant 0 : i32
      %dma_wait3A_230 = tpu.memref_slice %arg5[%arg1, %dma_wait3A_228, %dma_wait3A_229] : memref<16x160x128xi32, #tpu.memory_space<hbm>> -> memref<1x160x128xi32, #tpu.memory_space<hbm>>
      %dma_wait3A_231 = tpu.memref_squeeze %dma_wait3A_230 : memref<1x160x128xi32, #tpu.memory_space<hbm>> -> memref<160x128xi32, #tpu.memory_space<hbm>>
      %dma_wait3A_232 = arith.constant 0 : i32
      %dma_wait3A_233 = tpu.memref_slice %dma_wait3A_231[%dma_wait3A_220, %dma_wait3A_232] : memref<160x128xi32, #tpu.memory_space<hbm>> -> memref<1x128xi32, #tpu.memory_space<hbm>>
      %dma_wait3A_234 = tpu.memref_squeeze %dma_wait3A_233 : memref<1x128xi32, #tpu.memory_space<hbm>> -> memref<128xi32, #tpu.memory_space<hbm>>
      tpu.wait_dma2 semaphore(%arg18 : memref<!tpu.dma_semaphore, #tpu.memory_space<semaphore_mem>>) src(%dma_wait3A_234 : memref<128xi32, #tpu.memory_space<hbm>>) dst(%arg12 : memref<128xi32, #tpu.memory_space<vmem>>)
      "tpu.region"() ({
        %run_scoped3A = tpu.sem_alloc : memref<!tpu.dma_semaphore, #tpu.memory_space<semaphore_mem>>
        %dma_start3A_257 = arith.constant 0 : i32
        %dma_start3A_258 = arith.constant 0 : i32
        %dma_start3A_259 = tpu.memref_slice %arg9[%dma_start3A_257, %dma_start3A_258] : memref<10240x64xf32, #tpu.memory_space<vmem_shared>> -> memref<10240x64xf32, #tpu.memory_space<vmem_shared>>
        tpu.enqueue_indirect_dma source(%arg14 : memref<128x64xf32, #tpu.memory_space<vmem>>) target(%dma_start3A_259 : memref<10240x64xf32, #tpu.memory_space<vmem_shared>>) offsets(%arg12 : memref<128xi32, #tpu.memory_space<vmem>>) semaphore(%run_scoped3A : memref<!tpu.dma_semaphore, #tpu.memory_space<semaphore_mem>>) {add = true}
        %dma_wait3A_260 = arith.constant 0 : i32
        %dma_wait3A_261 = arith.constant 0 : i32
        %dma_wait3A_262 = tpu.memref_slice %arg9[%dma_wait3A_260, %dma_wait3A_261] : memref<10240x64xf32, #tpu.memory_space<vmem_shared>> -> memref<10240x64xf32, #tpu.memory_space<vmem_shared>>
        tpu.wait_indirect_dma semaphore(%run_scoped3A : memref<!tpu.dma_semaphore, #tpu.memory_space<semaphore_mem>>) src(%arg14 : memref<128x64xf32, #tpu.memory_space<vmem>>) dst(%dma_wait3A_262 : memref<10240x64xf32, #tpu.memory_space<vmem_shared>>)
        tpu.yield
      }) : () -> ()
      %add3A_235 = arith.constant 1 : i32
      %add3A_236 = arith.addi %mul3A_172, %add3A_235 : i32
      %dma_start3A_237 = arith.constant 0 : i32
      %dma_start3A_238 = tpu.memref_slice %arg10[%add3A_236, %dma_start3A_237] : memref<160x128xi32, #tpu.memory_space<vmem>> -> memref<1x128xi32, #tpu.memory_space<vmem>>
      %dma_start3A_239 = tpu.memref_squeeze %dma_start3A_238 : memref<1x128xi32, #tpu.memory_space<vmem>> -> memref<128xi32, #tpu.memory_space<vmem>>
      %dma_start3A_240 = arith.constant 0 : i32
      %dma_start3A_241 = arith.constant 0 : i32
      %dma_start3A_242 = tpu.memref_slice %arg8[%dma_start3A_240, %dma_start3A_241] : memref<10240x64xf32, #tpu.memory_space<vmem_shared>> -> memref<10240x64xf32, #tpu.memory_space<vmem_shared>>
      tpu.enqueue_indirect_dma source(%dma_start3A_242 : memref<10240x64xf32, #tpu.memory_space<vmem_shared>>) target(%arg14 : memref<128x64xf32, #tpu.memory_space<vmem>>) offsets(%dma_start3A_239 : memref<128xi32, #tpu.memory_space<vmem>>) semaphore(%arg16 : memref<!tpu.dma_semaphore, #tpu.memory_space<semaphore_mem>>)
      %dma_start3A_243 = arith.constant 0 : i32
      %dma_start3A_244 = arith.constant 0 : i32
      %dma_start3A_245 = tpu.memref_slice %arg5[%arg1, %dma_start3A_243, %dma_start3A_244] : memref<16x160x128xi32, #tpu.memory_space<hbm>> -> memref<1x160x128xi32, #tpu.memory_space<hbm>>
      %dma_start3A_246 = tpu.memref_squeeze %dma_start3A_245 : memref<1x160x128xi32, #tpu.memory_space<hbm>> -> memref<160x128xi32, #tpu.memory_space<hbm>>
      %dma_start3A_247 = arith.constant 0 : i32
      %dma_start3A_248 = tpu.memref_slice %dma_start3A_246[%add3A_236, %dma_start3A_247] : memref<160x128xi32, #tpu.memory_space<hbm>> -> memref<1x128xi32, #tpu.memory_space<hbm>>
      %dma_start3A_249 = tpu.memref_squeeze %dma_start3A_248 : memref<1x128xi32, #tpu.memory_space<hbm>> -> memref<128xi32, #tpu.memory_space<hbm>>
      %dma_start3A_250 = arith.constant 0 : i32
      %dma_start3A_251 = arith.constant 0 : i32
      %dma_start3A_252 = tpu.memref_slice %arg5[%arg1, %dma_start3A_250, %dma_start3A_251] : memref<16x160x128xi32, #tpu.memory_space<hbm>> -> memref<1x160x128xi32, #tpu.memory_space<hbm>>
      %dma_start3A_253 = tpu.memref_squeeze %dma_start3A_252 : memref<1x160x128xi32, #tpu.memory_space<hbm>> -> memref<160x128xi32, #tpu.memory_space<hbm>>
      %dma_start3A_254 = arith.constant 0 : i32
      %dma_start3A_255 = tpu.memref_slice %dma_start3A_253[%add3A_236, %dma_start3A_254] : memref<160x128xi32, #tpu.memory_space<hbm>> -> memref<1x128xi32, #tpu.memory_space<hbm>>
      %dma_start3A_256 = tpu.memref_squeeze %dma_start3A_255 : memref<1x128xi32, #tpu.memory_space<hbm>> -> memref<128xi32, #tpu.memory_space<hbm>>
      tpu.enqueue_dma source(%dma_start3A_256 : memref<128xi32, #tpu.memory_space<hbm>>) target(%arg12 : memref<128xi32, #tpu.memory_space<vmem>>) target_semaphore(%arg18 : memref<!tpu.dma_semaphore, #tpu.memory_space<semaphore_mem>>)
    }
    %scan3A_72 = arith.constant 79 : i32
    %dma_wait3A = arith.constant 0 : i32
    %dma_wait3A_73 = arith.constant 0 : i32
    %dma_wait3A_74 = tpu.memref_slice %arg8[%dma_wait3A, %dma_wait3A_73] : memref<10240x64xf32, #tpu.memory_space<vmem_shared>> -> memref<128x64xf32, #tpu.memory_space<vmem_shared>>
    %dma_wait3A_75 = arith.constant 0 : i32
    %dma_wait3A_76 = arith.constant 0 : i32
    %dma_wait3A_77 = tpu.memref_slice %arg8[%dma_wait3A_75, %dma_wait3A_76] : memref<10240x64xf32, #tpu.memory_space<vmem_shared>> -> memref<128x64xf32, #tpu.memory_space<vmem_shared>>
    tpu.wait_dma2 semaphore(%arg15 : memref<!tpu.dma_semaphore, #tpu.memory_space<semaphore_mem>>) src(%dma_wait3A_77 : memref<128x64xf32, #tpu.memory_space<vmem_shared>>) dst(%arg13 : memref<128x64xf32, #tpu.memory_space<vmem>>)
    %dma_wait3A_78 = arith.constant 0 : i32
    %dma_wait3A_79 = arith.constant 0 : i32
    %dma_wait3A_80 = arith.constant 0 : i32
    %dma_wait3A_81 = tpu.memref_slice %arg5[%arg1, %dma_wait3A_79, %dma_wait3A_80] : memref<16x160x128xi32, #tpu.memory_space<hbm>> -> memref<1x160x128xi32, #tpu.memory_space<hbm>>
    %dma_wait3A_82 = tpu.memref_squeeze %dma_wait3A_81 : memref<1x160x128xi32, #tpu.memory_space<hbm>> -> memref<160x128xi32, #tpu.memory_space<hbm>>
    %dma_wait3A_83 = arith.constant 0 : i32
    %dma_wait3A_84 = tpu.memref_slice %dma_wait3A_82[%dma_wait3A_78, %dma_wait3A_83] : memref<160x128xi32, #tpu.memory_space<hbm>> -> memref<1x128xi32, #tpu.memory_space<hbm>>
    %dma_wait3A_85 = tpu.memref_squeeze %dma_wait3A_84 : memref<1x128xi32, #tpu.memory_space<hbm>> -> memref<128xi32, #tpu.memory_space<hbm>>
    %dma_wait3A_86 = arith.constant 0 : i32
    %dma_wait3A_87 = arith.constant 0 : i32
    %dma_wait3A_88 = tpu.memref_slice %arg5[%arg1, %dma_wait3A_86, %dma_wait3A_87] : memref<16x160x128xi32, #tpu.memory_space<hbm>> -> memref<1x160x128xi32, #tpu.memory_space<hbm>>
    %dma_wait3A_89 = tpu.memref_squeeze %dma_wait3A_88 : memref<1x160x128xi32, #tpu.memory_space<hbm>> -> memref<160x128xi32, #tpu.memory_space<hbm>>
    %dma_wait3A_90 = arith.constant 0 : i32
    %dma_wait3A_91 = tpu.memref_slice %dma_wait3A_89[%dma_wait3A_78, %dma_wait3A_90] : memref<160x128xi32, #tpu.memory_space<hbm>> -> memref<1x128xi32, #tpu.memory_space<hbm>>
    %dma_wait3A_92 = tpu.memref_squeeze %dma_wait3A_91 : memref<1x128xi32, #tpu.memory_space<hbm>> -> memref<128xi32, #tpu.memory_space<hbm>>
    tpu.wait_dma2 semaphore(%arg17 : memref<!tpu.dma_semaphore, #tpu.memory_space<semaphore_mem>>) src(%dma_wait3A_92 : memref<128xi32, #tpu.memory_space<hbm>>) dst(%arg11 : memref<128xi32, #tpu.memory_space<vmem>>)
    "tpu.region"() ({
      %run_scoped3A = tpu.sem_alloc : memref<!tpu.dma_semaphore, #tpu.memory_space<semaphore_mem>>
      %dma_start3A_170 = arith.constant 0 : i32
      %dma_start3A_171 = arith.constant 0 : i32
      %dma_start3A_172 = tpu.memref_slice %arg9[%dma_start3A_170, %dma_start3A_171] : memref<10240x64xf32, #tpu.memory_space<vmem_shared>> -> memref<10240x64xf32, #tpu.memory_space<vmem_shared>>
      tpu.enqueue_indirect_dma source(%arg13 : memref<128x64xf32, #tpu.memory_space<vmem>>) target(%dma_start3A_172 : memref<10240x64xf32, #tpu.memory_space<vmem_shared>>) offsets(%arg11 : memref<128xi32, #tpu.memory_space<vmem>>) semaphore(%run_scoped3A : memref<!tpu.dma_semaphore, #tpu.memory_space<semaphore_mem>>) {add = true}
      %dma_wait3A_173 = arith.constant 0 : i32
      %dma_wait3A_174 = arith.constant 0 : i32
      %dma_wait3A_175 = tpu.memref_slice %arg9[%dma_wait3A_173, %dma_wait3A_174] : memref<10240x64xf32, #tpu.memory_space<vmem_shared>> -> memref<10240x64xf32, #tpu.memory_space<vmem_shared>>
      tpu.wait_indirect_dma semaphore(%run_scoped3A : memref<!tpu.dma_semaphore, #tpu.memory_space<semaphore_mem>>) src(%arg13 : memref<128x64xf32, #tpu.memory_space<vmem>>) dst(%dma_wait3A_175 : memref<10240x64xf32, #tpu.memory_space<vmem_shared>>)
      tpu.yield
    }) : () -> ()
    %dma_wait3A_93 = arith.constant 0 : i32
    %dma_wait3A_94 = arith.constant 0 : i32
    %dma_wait3A_95 = tpu.memref_slice %arg8[%dma_wait3A_93, %dma_wait3A_94] : memref<10240x64xf32, #tpu.memory_space<vmem_shared>> -> memref<128x64xf32, #tpu.memory_space<vmem_shared>>
    %dma_wait3A_96 = arith.constant 0 : i32
    %dma_wait3A_97 = arith.constant 0 : i32
    %dma_wait3A_98 = tpu.memref_slice %arg8[%dma_wait3A_96, %dma_wait3A_97] : memref<10240x64xf32, #tpu.memory_space<vmem_shared>> -> memref<128x64xf32, #tpu.memory_space<vmem_shared>>
    tpu.wait_dma2 semaphore(%arg16 : memref<!tpu.dma_semaphore, #tpu.memory_space<semaphore_mem>>) src(%dma_wait3A_98 : memref<128x64xf32, #tpu.memory_space<vmem_shared>>) dst(%arg14 : memref<128x64xf32, #tpu.memory_space<vmem>>)
    %dma_wait3A_99 = arith.constant 0 : i32
    %dma_wait3A_100 = arith.constant 0 : i32
    %dma_wait3A_101 = arith.constant 0 : i32
    %dma_wait3A_102 = tpu.memref_slice %arg5[%arg1, %dma_wait3A_100, %dma_wait3A_101] : memref<16x160x128xi32, #tpu.memory_space<hbm>> -> memref<1x160x128xi32, #tpu.memory_space<hbm>>
    %dma_wait3A_103 = tpu.memref_squeeze %dma_wait3A_102 : memref<1x160x128xi32, #tpu.memory_space<hbm>> -> memref<160x128xi32, #tpu.memory_space<hbm>>
    %dma_wait3A_104 = arith.constant 0 : i32
    %dma_wait3A_105 = tpu.memref_slice %dma_wait3A_103[%dma_wait3A_99, %dma_wait3A_104] : memref<160x128xi32, #tpu.memory_space<hbm>> -> memref<1x128xi32, #tpu.memory_space<hbm>>
    %dma_wait3A_106 = tpu.memref_squeeze %dma_wait3A_105 : memref<1x128xi32, #tpu.memory_space<hbm>> -> memref<128xi32, #tpu.memory_space<hbm>>
    %dma_wait3A_107 = arith.constant 0 : i32
    %dma_wait3A_108 = arith.constant 0 : i32
    %dma_wait3A_109 = tpu.memref_slice %arg5[%arg1, %dma_wait3A_107, %dma_wait3A_108] : memref<16x160x128xi32, #tpu.memory_space<hbm>> -> memref<1x160x128xi32, #tpu.memory_space<hbm>>
    %dma_wait3A_110 = tpu.memref_squeeze %dma_wait3A_109 : memref<1x160x128xi32, #tpu.memory_space<hbm>> -> memref<160x128xi32, #tpu.memory_space<hbm>>
    %dma_wait3A_111 = arith.constant 0 : i32
    %dma_wait3A_112 = tpu.memref_slice %dma_wait3A_110[%dma_wait3A_99, %dma_wait3A_111] : memref<160x128xi32, #tpu.memory_space<hbm>> -> memref<1x128xi32, #tpu.memory_space<hbm>>
    %dma_wait3A_113 = tpu.memref_squeeze %dma_wait3A_112 : memref<1x128xi32, #tpu.memory_space<hbm>> -> memref<128xi32, #tpu.memory_space<hbm>>
    tpu.wait_dma2 semaphore(%arg18 : memref<!tpu.dma_semaphore, #tpu.memory_space<semaphore_mem>>) src(%dma_wait3A_113 : memref<128xi32, #tpu.memory_space<hbm>>) dst(%arg12 : memref<128xi32, #tpu.memory_space<vmem>>)
    "tpu.region"() ({
      %run_scoped3A = tpu.sem_alloc : memref<!tpu.dma_semaphore, #tpu.memory_space<semaphore_mem>>
      %dma_start3A_170 = arith.constant 0 : i32
      %dma_start3A_171 = arith.constant 0 : i32
      %dma_start3A_172 = tpu.memref_slice %arg9[%dma_start3A_170, %dma_start3A_171] : memref<10240x64xf32, #tpu.memory_space<vmem_shared>> -> memref<10240x64xf32, #tpu.memory_space<vmem_shared>>
      tpu.enqueue_indirect_dma source(%arg14 : memref<128x64xf32, #tpu.memory_space<vmem>>) target(%dma_start3A_172 : memref<10240x64xf32, #tpu.memory_space<vmem_shared>>) offsets(%arg12 : memref<128xi32, #tpu.memory_space<vmem>>) semaphore(%run_scoped3A : memref<!tpu.dma_semaphore, #tpu.memory_space<semaphore_mem>>) {add = true}
      %dma_wait3A_173 = arith.constant 0 : i32
      %dma_wait3A_174 = arith.constant 0 : i32
      %dma_wait3A_175 = tpu.memref_slice %arg9[%dma_wait3A_173, %dma_wait3A_174] : memref<10240x64xf32, #tpu.memory_space<vmem_shared>> -> memref<10240x64xf32, #tpu.memory_space<vmem_shared>>
      tpu.wait_indirect_dma semaphore(%run_scoped3A : memref<!tpu.dma_semaphore, #tpu.memory_space<semaphore_mem>>) src(%arg14 : memref<128x64xf32, #tpu.memory_space<vmem>>) dst(%dma_wait3A_175 : memref<10240x64xf32, #tpu.memory_space<vmem_shared>>)
      tpu.yield
    }) : () -> ()
    %barrier3A_114 = arith.constant 0 : index
    tpu.barrier barrier_id(%barrier3A_114)
    %mul3A_115 = arith.constant 640 : i32
    %mul3A_116 = arith.muli %arg1, %mul3A_115 : i32
    %add3A_117 = arith.constant 0 : i32
    %add3A_118 = arith.addi %mul3A_116, %add3A_117 : i32
    "tpu.region"() ({
      %run_scoped3A = tpu.sem_alloc : memref<!tpu.dma_semaphore, #tpu.memory_space<semaphore_mem>>
      %dma_start3A_170 = arith.constant 0 : i32
      %dma_start3A_171 = tpu.memref_slice %arg9[%add3A_118, %dma_start3A_170] : memref<10240x64xf32, #tpu.memory_space<vmem_shared>> -> memref<128x64xf32, #tpu.memory_space<vmem_shared>>
      %dma_start3A_172 = arith.constant 0 : i32
      %dma_start3A_173 = tpu.memref_slice %arg9[%add3A_118, %dma_start3A_172] : memref<10240x64xf32, #tpu.memory_space<vmem_shared>> -> memref<128x64xf32, #tpu.memory_space<vmem_shared>>
      tpu.enqueue_dma source(%dma_start3A_173 : memref<128x64xf32, #tpu.memory_space<vmem_shared>>) target(%arg13 : memref<128x64xf32, #tpu.memory_space<vmem>>) target_semaphore(%run_scoped3A : memref<!tpu.dma_semaphore, #tpu.memory_space<semaphore_mem>>)
      %dma_wait3A_174 = arith.constant 0 : i32
      %dma_wait3A_175 = tpu.memref_slice %arg9[%add3A_118, %dma_wait3A_174] : memref<10240x64xf32, #tpu.memory_space<vmem_shared>> -> memref<128x64xf32, #tpu.memory_space<vmem_shared>>
      %dma_wait3A_176 = arith.constant 0 : i32
      %dma_wait3A_177 = tpu.memref_slice %arg9[%add3A_118, %dma_wait3A_176] : memref<10240x64xf32, #tpu.memory_space<vmem_shared>> -> memref<128x64xf32, #tpu.memory_space<vmem_shared>>
      tpu.wait_dma2 semaphore(%run_scoped3A : memref<!tpu.dma_semaphore, #tpu.memory_space<semaphore_mem>>) src(%dma_wait3A_177 : memref<128x64xf32, #tpu.memory_space<vmem_shared>>) dst(%arg13 : memref<128x64xf32, #tpu.memory_space<vmem>>)
      tpu.yield
    }) : () -> ()
    %mul3A_119 = arith.constant 10240 : i32
    %mul3A_120 = arith.muli %arg0, %mul3A_119 : i32
    %mul3A_121 = arith.constant 640 : i32
    %mul3A_122 = arith.muli %arg1, %mul3A_121 : i32
    %add3A_123 = arith.addi %mul3A_120, %mul3A_122 : i32
    %add3A_124 = arith.constant 0 : i32
    %add3A_125 = arith.addi %add3A_123, %add3A_124 : i32
    "tpu.region"() ({
      %run_scoped3A = tpu.sem_alloc : memref<!tpu.dma_semaphore, #tpu.memory_space<semaphore_mem>>
      %dma_start3A_170 = arith.constant 0 : i32
      %dma_start3A_171 = tpu.memref_slice %arg7[%add3A_125, %dma_start3A_170] : memref<20480x64xf32, #tpu.memory_space<hbm>> -> memref<128x64xf32, #tpu.memory_space<hbm>>
      %dma_start3A_172 = arith.constant 0 : i32
      %dma_start3A_173 = tpu.memref_slice %arg7[%add3A_125, %dma_start3A_172] : memref<20480x64xf32, #tpu.memory_space<hbm>> -> memref<128x64xf32, #tpu.memory_space<hbm>>
      tpu.enqueue_dma source(%arg13 : memref<128x64xf32, #tpu.memory_space<vmem>>) target(%dma_start3A_173 : memref<128x64xf32, #tpu.memory_space<hbm>>) target_semaphore(%run_scoped3A : memref<!tpu.dma_semaphore, #tpu.memory_space<semaphore_mem>>)
      %dma_wait3A_174 = arith.constant 0 : i32
      %dma_wait3A_175 = tpu.memref_slice %arg7[%add3A_125, %dma_wait3A_174] : memref<20480x64xf32, #tpu.memory_space<hbm>> -> memref<128x64xf32, #tpu.memory_space<hbm>>
      %dma_wait3A_176 = arith.constant 0 : i32
      %dma_wait3A_177 = tpu.memref_slice %arg7[%add3A_125, %dma_wait3A_176] : memref<20480x64xf32, #tpu.memory_space<hbm>> -> memref<128x64xf32, #tpu.memory_space<hbm>>
      tpu.wait_dma2 semaphore(%run_scoped3A : memref<!tpu.dma_semaphore, #tpu.memory_space<semaphore_mem>>) src(%arg13 : memref<128x64xf32, #tpu.memory_space<vmem>>) dst(%dma_wait3A_177 : memref<128x64xf32, #tpu.memory_space<hbm>>)
      tpu.yield
    }) : () -> ()
    %mul3A_126 = arith.constant 640 : i32
    %mul3A_127 = arith.muli %arg1, %mul3A_126 : i32
    %add3A_128 = arith.constant 128 : i32
    %add3A_129 = arith.addi %mul3A_127, %add3A_128 : i32
    "tpu.region"() ({
      %run_scoped3A = tpu.sem_alloc : memref<!tpu.dma_semaphore, #tpu.memory_space<semaphore_mem>>
      %dma_start3A_170 = arith.constant 0 : i32
      %dma_start3A_171 = tpu.memref_slice %arg9[%add3A_129, %dma_start3A_170] : memref<10240x64xf32, #tpu.memory_space<vmem_shared>> -> memref<128x64xf32, #tpu.memory_space<vmem_shared>>
      %dma_start3A_172 = arith.constant 0 : i32
      %dma_start3A_173 = tpu.memref_slice %arg9[%add3A_129, %dma_start3A_172] : memref<10240x64xf32, #tpu.memory_space<vmem_shared>> -> memref<128x64xf32, #tpu.memory_space<vmem_shared>>
      tpu.enqueue_dma source(%dma_start3A_173 : memref<128x64xf32, #tpu.memory_space<vmem_shared>>) target(%arg13 : memref<128x64xf32, #tpu.memory_space<vmem>>) target_semaphore(%run_scoped3A : memref<!tpu.dma_semaphore, #tpu.memory_space<semaphore_mem>>)
      %dma_wait3A_174 = arith.constant 0 : i32
      %dma_wait3A_175 = tpu.memref_slice %arg9[%add3A_129, %dma_wait3A_174] : memref<10240x64xf32, #tpu.memory_space<vmem_shared>> -> memref<128x64xf32, #tpu.memory_space<vmem_shared>>
      %dma_wait3A_176 = arith.constant 0 : i32
      %dma_wait3A_177 = tpu.memref_slice %arg9[%add3A_129, %dma_wait3A_176] : memref<10240x64xf32, #tpu.memory_space<vmem_shared>> -> memref<128x64xf32, #tpu.memory_space<vmem_shared>>
      tpu.wait_dma2 semaphore(%run_scoped3A : memref<!tpu.dma_semaphore, #tpu.memory_space<semaphore_mem>>) src(%dma_wait3A_177 : memref<128x64xf32, #tpu.memory_space<vmem_shared>>) dst(%arg13 : memref<128x64xf32, #tpu.memory_space<vmem>>)
      tpu.yield
    }) : () -> ()
    %mul3A_130 = arith.constant 10240 : i32
    %mul3A_131 = arith.muli %arg0, %mul3A_130 : i32
    %mul3A_132 = arith.constant 640 : i32
    %mul3A_133 = arith.muli %arg1, %mul3A_132 : i32
    %add3A_134 = arith.addi %mul3A_131, %mul3A_133 : i32
    %add3A_135 = arith.constant 128 : i32
    %add3A_136 = arith.addi %add3A_134, %add3A_135 : i32
    "tpu.region"() ({
      %run_scoped3A = tpu.sem_alloc : memref<!tpu.dma_semaphore, #tpu.memory_space<semaphore_mem>>
      %dma_start3A_170 = arith.constant 0 : i32
      %dma_start3A_171 = tpu.memref_slice %arg7[%add3A_136, %dma_start3A_170] : memref<20480x64xf32, #tpu.memory_space<hbm>> -> memref<128x64xf32, #tpu.memory_space<hbm>>
      %dma_start3A_172 = arith.constant 0 : i32
      %dma_start3A_173 = tpu.memref_slice %arg7[%add3A_136, %dma_start3A_172] : memref<20480x64xf32, #tpu.memory_space<hbm>> -> memref<128x64xf32, #tpu.memory_space<hbm>>
      tpu.enqueue_dma source(%arg13 : memref<128x64xf32, #tpu.memory_space<vmem>>) target(%dma_start3A_173 : memref<128x64xf32, #tpu.memory_space<hbm>>) target_semaphore(%run_scoped3A : memref<!tpu.dma_semaphore, #tpu.memory_space<semaphore_mem>>)
      %dma_wait3A_174 = arith.constant 0 : i32
      %dma_wait3A_175 = tpu.memref_slice %arg7[%add3A_136, %dma_wait3A_174] : memref<20480x64xf32, #tpu.memory_space<hbm>> -> memref<128x64xf32, #tpu.memory_space<hbm>>
      %dma_wait3A_176 = arith.constant 0 : i32
      %dma_wait3A_177 = tpu.memref_slice %arg7[%add3A_136, %dma_wait3A_176] : memref<20480x64xf32, #tpu.memory_space<hbm>> -> memref<128x64xf32, #tpu.memory_space<hbm>>
      tpu.wait_dma2 semaphore(%run_scoped3A : memref<!tpu.dma_semaphore, #tpu.memory_space<semaphore_mem>>) src(%arg13 : memref<128x64xf32, #tpu.memory_space<vmem>>) dst(%dma_wait3A_177 : memref<128x64xf32, #tpu.memory_space<hbm>>)
      tpu.yield
    }) : () -> ()
    %mul3A_137 = arith.constant 640 : i32
    %mul3A_138 = arith.muli %arg1, %mul3A_137 : i32
    %add3A_139 = arith.constant 256 : i32
    %add3A_140 = arith.addi %mul3A_138, %add3A_139 : i32
    "tpu.region"() ({
      %run_scoped3A = tpu.sem_alloc : memref<!tpu.dma_semaphore, #tpu.memory_space<semaphore_mem>>
      %dma_start3A_170 = arith.constant 0 : i32
      %dma_start3A_171 = tpu.memref_slice %arg9[%add3A_140, %dma_start3A_170] : memref<10240x64xf32, #tpu.memory_space<vmem_shared>> -> memref<128x64xf32, #tpu.memory_space<vmem_shared>>
      %dma_start3A_172 = arith.constant 0 : i32
      %dma_start3A_173 = tpu.memref_slice %arg9[%add3A_140, %dma_start3A_172] : memref<10240x64xf32, #tpu.memory_space<vmem_shared>> -> memref<128x64xf32, #tpu.memory_space<vmem_shared>>
      tpu.enqueue_dma source(%dma_start3A_173 : memref<128x64xf32, #tpu.memory_space<vmem_shared>>) target(%arg13 : memref<128x64xf32, #tpu.memory_space<vmem>>) target_semaphore(%run_scoped3A : memref<!tpu.dma_semaphore, #tpu.memory_space<semaphore_mem>>)
      %dma_wait3A_174 = arith.constant 0 : i32
      %dma_wait3A_175 = tpu.memref_slice %arg9[%add3A_140, %dma_wait3A_174] : memref<10240x64xf32, #tpu.memory_space<vmem_shared>> -> memref<128x64xf32, #tpu.memory_space<vmem_shared>>
      %dma_wait3A_176 = arith.constant 0 : i32
      %dma_wait3A_177 = tpu.memref_slice %arg9[%add3A_140, %dma_wait3A_176] : memref<10240x64xf32, #tpu.memory_space<vmem_shared>> -> memref<128x64xf32, #tpu.memory_space<vmem_shared>>
      tpu.wait_dma2 semaphore(%run_scoped3A : memref<!tpu.dma_semaphore, #tpu.memory_space<semaphore_mem>>) src(%dma_wait3A_177 : memref<128x64xf32, #tpu.memory_space<vmem_shared>>) dst(%arg13 : memref<128x64xf32, #tpu.memory_space<vmem>>)
      tpu.yield
    }) : () -> ()
    %mul3A_141 = arith.constant 10240 : i32
    %mul3A_142 = arith.muli %arg0, %mul3A_141 : i32
    %mul3A_143 = arith.constant 640 : i32
    %mul3A_144 = arith.muli %arg1, %mul3A_143 : i32
    %add3A_145 = arith.addi %mul3A_142, %mul3A_144 : i32
    %add3A_146 = arith.constant 256 : i32
    %add3A_147 = arith.addi %add3A_145, %add3A_146 : i32
    "tpu.region"() ({
      %run_scoped3A = tpu.sem_alloc : memref<!tpu.dma_semaphore, #tpu.memory_space<semaphore_mem>>
      %dma_start3A_170 = arith.constant 0 : i32
      %dma_start3A_171 = tpu.memref_slice %arg7[%add3A_147, %dma_start3A_170] : memref<20480x64xf32, #tpu.memory_space<hbm>> -> memref<128x64xf32, #tpu.memory_space<hbm>>
      %dma_start3A_172 = arith.constant 0 : i32
      %dma_start3A_173 = tpu.memref_slice %arg7[%add3A_147, %dma_start3A_172] : memref<20480x64xf32, #tpu.memory_space<hbm>> -> memref<128x64xf32, #tpu.memory_space<hbm>>
      tpu.enqueue_dma source(%arg13 : memref<128x64xf32, #tpu.memory_space<vmem>>) target(%dma_start3A_173 : memref<128x64xf32, #tpu.memory_space<hbm>>) target_semaphore(%run_scoped3A : memref<!tpu.dma_semaphore, #tpu.memory_space<semaphore_mem>>)
      %dma_wait3A_174 = arith.constant 0 : i32
      %dma_wait3A_175 = tpu.memref_slice %arg7[%add3A_147, %dma_wait3A_174] : memref<20480x64xf32, #tpu.memory_space<hbm>> -> memref<128x64xf32, #tpu.memory_space<hbm>>
      %dma_wait3A_176 = arith.constant 0 : i32
      %dma_wait3A_177 = tpu.memref_slice %arg7[%add3A_147, %dma_wait3A_176] : memref<20480x64xf32, #tpu.memory_space<hbm>> -> memref<128x64xf32, #tpu.memory_space<hbm>>
      tpu.wait_dma2 semaphore(%run_scoped3A : memref<!tpu.dma_semaphore, #tpu.memory_space<semaphore_mem>>) src(%arg13 : memref<128x64xf32, #tpu.memory_space<vmem>>) dst(%dma_wait3A_177 : memref<128x64xf32, #tpu.memory_space<hbm>>)
      tpu.yield
    }) : () -> ()
    %mul3A_148 = arith.constant 640 : i32
    %mul3A_149 = arith.muli %arg1, %mul3A_148 : i32
    %add3A_150 = arith.constant 384 : i32
    %add3A_151 = arith.addi %mul3A_149, %add3A_150 : i32
    "tpu.region"() ({
      %run_scoped3A = tpu.sem_alloc : memref<!tpu.dma_semaphore, #tpu.memory_space<semaphore_mem>>
      %dma_start3A_170 = arith.constant 0 : i32
      %dma_start3A_171 = tpu.memref_slice %arg9[%add3A_151, %dma_start3A_170] : memref<10240x64xf32, #tpu.memory_space<vmem_shared>> -> memref<128x64xf32, #tpu.memory_space<vmem_shared>>
      %dma_start3A_172 = arith.constant 0 : i32
      %dma_start3A_173 = tpu.memref_slice %arg9[%add3A_151, %dma_start3A_172] : memref<10240x64xf32, #tpu.memory_space<vmem_shared>> -> memref<128x64xf32, #tpu.memory_space<vmem_shared>>
      tpu.enqueue_dma source(%dma_start3A_173 : memref<128x64xf32, #tpu.memory_space<vmem_shared>>) target(%arg13 : memref<128x64xf32, #tpu.memory_space<vmem>>) target_semaphore(%run_scoped3A : memref<!tpu.dma_semaphore, #tpu.memory_space<semaphore_mem>>)
      %dma_wait3A_174 = arith.constant 0 : i32
      %dma_wait3A_175 = tpu.memref_slice %arg9[%add3A_151, %dma_wait3A_174] : memref<10240x64xf32, #tpu.memory_space<vmem_shared>> -> memref<128x64xf32, #tpu.memory_space<vmem_shared>>
      %dma_wait3A_176 = arith.constant 0 : i32
      %dma_wait3A_177 = tpu.memref_slice %arg9[%add3A_151, %dma_wait3A_176] : memref<10240x64xf32, #tpu.memory_space<vmem_shared>> -> memref<128x64xf32, #tpu.memory_space<vmem_shared>>
      tpu.wait_dma2 semaphore(%run_scoped3A : memref<!tpu.dma_semaphore, #tpu.memory_space<semaphore_mem>>) src(%dma_wait3A_177 : memref<128x64xf32, #tpu.memory_space<vmem_shared>>) dst(%arg13 : memref<128x64xf32, #tpu.memory_space<vmem>>)
      tpu.yield
    }) : () -> ()
    %mul3A_152 = arith.constant 10240 : i32
    %mul3A_153 = arith.muli %arg0, %mul3A_152 : i32
    %mul3A_154 = arith.constant 640 : i32
    %mul3A_155 = arith.muli %arg1, %mul3A_154 : i32
    %add3A_156 = arith.addi %mul3A_153, %mul3A_155 : i32
    %add3A_157 = arith.constant 384 : i32
    %add3A_158 = arith.addi %add3A_156, %add3A_157 : i32
    "tpu.region"() ({
      %run_scoped3A = tpu.sem_alloc : memref<!tpu.dma_semaphore, #tpu.memory_space<semaphore_mem>>
      %dma_start3A_170 = arith.constant 0 : i32
      %dma_start3A_171 = tpu.memref_slice %arg7[%add3A_158, %dma_start3A_170] : memref<20480x64xf32, #tpu.memory_space<hbm>> -> memref<128x64xf32, #tpu.memory_space<hbm>>
      %dma_start3A_172 = arith.constant 0 : i32
      %dma_start3A_173 = tpu.memref_slice %arg7[%add3A_158, %dma_start3A_172] : memref<20480x64xf32, #tpu.memory_space<hbm>> -> memref<128x64xf32, #tpu.memory_space<hbm>>
      tpu.enqueue_dma source(%arg13 : memref<128x64xf32, #tpu.memory_space<vmem>>) target(%dma_start3A_173 : memref<128x64xf32, #tpu.memory_space<hbm>>) target_semaphore(%run_scoped3A : memref<!tpu.dma_semaphore, #tpu.memory_space<semaphore_mem>>)
      %dma_wait3A_174 = arith.constant 0 : i32
      %dma_wait3A_175 = tpu.memref_slice %arg7[%add3A_158, %dma_wait3A_174] : memref<20480x64xf32, #tpu.memory_space<hbm>> -> memref<128x64xf32, #tpu.memory_space<hbm>>
      %dma_wait3A_176 = arith.constant 0 : i32
      %dma_wait3A_177 = tpu.memref_slice %arg7[%add3A_158, %dma_wait3A_176] : memref<20480x64xf32, #tpu.memory_space<hbm>> -> memref<128x64xf32, #tpu.memory_space<hbm>>
      tpu.wait_dma2 semaphore(%run_scoped3A : memref<!tpu.dma_semaphore, #tpu.memory_space<semaphore_mem>>) src(%arg13 : memref<128x64xf32, #tpu.memory_space<vmem>>) dst(%dma_wait3A_177 : memref<128x64xf32, #tpu.memory_space<hbm>>)
      tpu.yield
    }) : () -> ()
    %mul3A_159 = arith.constant 640 : i32
    %mul3A_160 = arith.muli %arg1, %mul3A_159 : i32
    %add3A_161 = arith.constant 512 : i32
    %add3A_162 = arith.addi %mul3A_160, %add3A_161 : i32
    "tpu.region"() ({
      %run_scoped3A = tpu.sem_alloc : memref<!tpu.dma_semaphore, #tpu.memory_space<semaphore_mem>>
      %dma_start3A_170 = arith.constant 0 : i32
      %dma_start3A_171 = tpu.memref_slice %arg9[%add3A_162, %dma_start3A_170] : memref<10240x64xf32, #tpu.memory_space<vmem_shared>> -> memref<128x64xf32, #tpu.memory_space<vmem_shared>>
      %dma_start3A_172 = arith.constant 0 : i32
      %dma_start3A_173 = tpu.memref_slice %arg9[%add3A_162, %dma_start3A_172] : memref<10240x64xf32, #tpu.memory_space<vmem_shared>> -> memref<128x64xf32, #tpu.memory_space<vmem_shared>>
      tpu.enqueue_dma source(%dma_start3A_173 : memref<128x64xf32, #tpu.memory_space<vmem_shared>>) target(%arg13 : memref<128x64xf32, #tpu.memory_space<vmem>>) target_semaphore(%run_scoped3A : memref<!tpu.dma_semaphore, #tpu.memory_space<semaphore_mem>>)
      %dma_wait3A_174 = arith.constant 0 : i32
      %dma_wait3A_175 = tpu.memref_slice %arg9[%add3A_162, %dma_wait3A_174] : memref<10240x64xf32, #tpu.memory_space<vmem_shared>> -> memref<128x64xf32, #tpu.memory_space<vmem_shared>>
      %dma_wait3A_176 = arith.constant 0 : i32
      %dma_wait3A_177 = tpu.memref_slice %arg9[%add3A_162, %dma_wait3A_176] : memref<10240x64xf32, #tpu.memory_space<vmem_shared>> -> memref<128x64xf32, #tpu.memory_space<vmem_shared>>
      tpu.wait_dma2 semaphore(%run_scoped3A : memref<!tpu.dma_semaphore, #tpu.memory_space<semaphore_mem>>) src(%dma_wait3A_177 : memref<128x64xf32, #tpu.memory_space<vmem_shared>>) dst(%arg13 : memref<128x64xf32, #tpu.memory_space<vmem>>)
      tpu.yield
    }) : () -> ()
    %mul3A_163 = arith.constant 10240 : i32
    %mul3A_164 = arith.muli %arg0, %mul3A_163 : i32
    %mul3A_165 = arith.constant 640 : i32
    %mul3A_166 = arith.muli %arg1, %mul3A_165 : i32
    %add3A_167 = arith.addi %mul3A_164, %mul3A_166 : i32
    %add3A_168 = arith.constant 512 : i32
    %add3A_169 = arith.addi %add3A_167, %add3A_168 : i32
    "tpu.region"() ({
      %run_scoped3A = tpu.sem_alloc : memref<!tpu.dma_semaphore, #tpu.memory_space<semaphore_mem>>
      %dma_start3A_170 = arith.constant 0 : i32
      %dma_start3A_171 = tpu.memref_slice %arg7[%add3A_169, %dma_start3A_170] : memref<20480x64xf32, #tpu.memory_space<hbm>> -> memref<128x64xf32, #tpu.memory_space<hbm>>
      %dma_start3A_172 = arith.constant 0 : i32
      %dma_start3A_173 = tpu.memref_slice %arg7[%add3A_169, %dma_start3A_172] : memref<20480x64xf32, #tpu.memory_space<hbm>> -> memref<128x64xf32, #tpu.memory_space<hbm>>
      tpu.enqueue_dma source(%arg13 : memref<128x64xf32, #tpu.memory_space<vmem>>) target(%dma_start3A_173 : memref<128x64xf32, #tpu.memory_space<hbm>>) target_semaphore(%run_scoped3A : memref<!tpu.dma_semaphore, #tpu.memory_space<semaphore_mem>>)
      %dma_wait3A_174 = arith.constant 0 : i32
      %dma_wait3A_175 = tpu.memref_slice %arg7[%add3A_169, %dma_wait3A_174] : memref<20480x64xf32, #tpu.memory_space<hbm>> -> memref<128x64xf32, #tpu.memory_space<hbm>>
      %dma_wait3A_176 = arith.constant 0 : i32
      %dma_wait3A_177 = tpu.memref_slice %arg7[%add3A_169, %dma_wait3A_176] : memref<20480x64xf32, #tpu.memory_space<hbm>> -> memref<128x64xf32, #tpu.memory_space<hbm>>
      tpu.wait_dma2 semaphore(%run_scoped3A : memref<!tpu.dma_semaphore, #tpu.memory_space<semaphore_mem>>) src(%arg13 : memref<128x64xf32, #tpu.memory_space<vmem>>) dst(%dma_wait3A_177 : memref<128x64xf32, #tpu.memory_space<hbm>>)
      tpu.yield
    }) : () -> ()
    return
  }
}

#map = affine_map<(d0, d1) -> (0, 0, 0)>
#map1 = affine_map<(d0, d1) -> (0, 0)>
module attributes {stable_mosaic.version = 14 : i64} {
  func.func @_deg_body(%arg0: i32, %arg1: i32, %arg2: memref<16x160x128xi32, #tpu.memory_space<hbm>>, %arg3: memref<128x16xf32, #tpu.memory_space<hbm>>, %arg4: memref<128x16xf32, #tpu.memory_space<hbm>>, %arg5: memref<20480x16xf32, #tpu.memory_space<hbm>>, %arg6: memref<10240x16xf32, #tpu.memory_space<vmem_shared>>, %arg7: memref<80x128xi32, #tpu.memory_space<vmem>>, %arg8: memref<128x16xf32, #tpu.memory_space<vmem>>, %arg9: memref<128x16xf32, #tpu.memory_space<vmem>>) attributes {dimension_semantics = [#tpu.dimension_semantics<core_parallel>, #tpu.dimension_semantics<subcore_parallel>], iteration_bounds = array<i64: 2, 16>, scalar_prefetch = 0 : i64, scratch_operands = 4 : i64, tpu.core_type = #tpu.core_type<sc_vector_subcore>, window_params = [{transform_indices = #map}, {transform_indices = #map1}, {transform_indices = #map1}, {transform_indices = #map1}]} {
    "tpu.region"() ({
      %run_scoped3A = tpu.sem_alloc : memref<!tpu.dma_semaphore, #tpu.memory_space<semaphore_mem>>
      tpu.enqueue_dma source(%arg4 : memref<128x16xf32, #tpu.memory_space<hbm>>) target(%arg9 : memref<128x16xf32, #tpu.memory_space<vmem>>) target_semaphore(%run_scoped3A : memref<!tpu.dma_semaphore, #tpu.memory_space<semaphore_mem>>)
      tpu.wait_dma2 semaphore(%run_scoped3A : memref<!tpu.dma_semaphore, #tpu.memory_space<semaphore_mem>>) src(%arg4 : memref<128x16xf32, #tpu.memory_space<hbm>>) dst(%arg9 : memref<128x16xf32, #tpu.memory_space<vmem>>)
      tpu.yield
    }) : () -> ()
    "tpu.region"() ({
      %run_scoped3A = tpu.sem_alloc : memref<!tpu.dma_semaphore, #tpu.memory_space<semaphore_mem>>
      tpu.enqueue_dma source(%arg3 : memref<128x16xf32, #tpu.memory_space<hbm>>) target(%arg8 : memref<128x16xf32, #tpu.memory_space<vmem>>) target_semaphore(%run_scoped3A : memref<!tpu.dma_semaphore, #tpu.memory_space<semaphore_mem>>)
      tpu.wait_dma2 semaphore(%run_scoped3A : memref<!tpu.dma_semaphore, #tpu.memory_space<semaphore_mem>>) src(%arg3 : memref<128x16xf32, #tpu.memory_space<hbm>>) dst(%arg8 : memref<128x16xf32, #tpu.memory_space<vmem>>)
      tpu.yield
    }) : () -> ()
    %mul3A = arith.constant 80 : i32
    %mul3A_0 = arith.muli %arg0, %mul3A : i32
    "tpu.region"() ({
      %run_scoped3A = tpu.sem_alloc : memref<!tpu.dma_semaphore, #tpu.memory_space<semaphore_mem>>
      %dma_start3A = arith.constant 0 : i32
      %dma_start3A_81 = arith.constant 0 : i32
      %dma_start3A_82 = tpu.memref_slice %arg2[%arg1, %dma_start3A, %dma_start3A_81] : memref<16x160x128xi32, #tpu.memory_space<hbm>> -> memref<1x160x128xi32, #tpu.memory_space<hbm>>
      %dma_start3A_83 = tpu.memref_squeeze %dma_start3A_82 : memref<1x160x128xi32, #tpu.memory_space<hbm>> -> memref<160x128xi32, #tpu.memory_space<hbm>>
      %dma_start3A_84 = arith.constant 0 : i32
      %dma_start3A_85 = tpu.memref_slice %dma_start3A_83[%mul3A_0, %dma_start3A_84] : memref<160x128xi32, #tpu.memory_space<hbm>> -> memref<80x128xi32, #tpu.memory_space<hbm>>
      %dma_start3A_86 = arith.constant 0 : i32
      %dma_start3A_87 = arith.constant 0 : i32
      %dma_start3A_88 = tpu.memref_slice %arg2[%arg1, %dma_start3A_86, %dma_start3A_87] : memref<16x160x128xi32, #tpu.memory_space<hbm>> -> memref<1x160x128xi32, #tpu.memory_space<hbm>>
      %dma_start3A_89 = tpu.memref_squeeze %dma_start3A_88 : memref<1x160x128xi32, #tpu.memory_space<hbm>> -> memref<160x128xi32, #tpu.memory_space<hbm>>
      %dma_start3A_90 = arith.constant 0 : i32
      %dma_start3A_91 = tpu.memref_slice %dma_start3A_89[%mul3A_0, %dma_start3A_90] : memref<160x128xi32, #tpu.memory_space<hbm>> -> memref<80x128xi32, #tpu.memory_space<hbm>>
      tpu.enqueue_dma source(%dma_start3A_91 : memref<80x128xi32, #tpu.memory_space<hbm>>) target(%arg7 : memref<80x128xi32, #tpu.memory_space<vmem>>) target_semaphore(%run_scoped3A : memref<!tpu.dma_semaphore, #tpu.memory_space<semaphore_mem>>)
      %dma_wait3A = arith.constant 0 : i32
      %dma_wait3A_92 = arith.constant 0 : i32
      %dma_wait3A_93 = tpu.memref_slice %arg2[%arg1, %dma_wait3A, %dma_wait3A_92] : memref<16x160x128xi32, #tpu.memory_space<hbm>> -> memref<1x160x128xi32, #tpu.memory_space<hbm>>
      %dma_wait3A_94 = tpu.memref_squeeze %dma_wait3A_93 : memref<1x160x128xi32, #tpu.memory_space<hbm>> -> memref<160x128xi32, #tpu.memory_space<hbm>>
      %dma_wait3A_95 = arith.constant 0 : i32
      %dma_wait3A_96 = tpu.memref_slice %dma_wait3A_94[%mul3A_0, %dma_wait3A_95] : memref<160x128xi32, #tpu.memory_space<hbm>> -> memref<80x128xi32, #tpu.memory_space<hbm>>
      %dma_wait3A_97 = arith.constant 0 : i32
      %dma_wait3A_98 = arith.constant 0 : i32
      %dma_wait3A_99 = tpu.memref_slice %arg2[%arg1, %dma_wait3A_97, %dma_wait3A_98] : memref<16x160x128xi32, #tpu.memory_space<hbm>> -> memref<1x160x128xi32, #tpu.memory_space<hbm>>
      %dma_wait3A_100 = tpu.memref_squeeze %dma_wait3A_99 : memref<1x160x128xi32, #tpu.memory_space<hbm>> -> memref<160x128xi32, #tpu.memory_space<hbm>>
      %dma_wait3A_101 = arith.constant 0 : i32
      %dma_wait3A_102 = tpu.memref_slice %dma_wait3A_100[%mul3A_0, %dma_wait3A_101] : memref<160x128xi32, #tpu.memory_space<hbm>> -> memref<80x128xi32, #tpu.memory_space<hbm>>
      tpu.wait_dma2 semaphore(%run_scoped3A : memref<!tpu.dma_semaphore, #tpu.memory_space<semaphore_mem>>) src(%dma_wait3A_102 : memref<80x128xi32, #tpu.memory_space<hbm>>) dst(%arg7 : memref<80x128xi32, #tpu.memory_space<vmem>>)
      tpu.yield
    }) : () -> ()
    %mul3A_1 = arith.constant 640 : i32
    %mul3A_2 = arith.muli %arg1, %mul3A_1 : i32
    %add3A = arith.constant 0 : i32
    %add3A_3 = arith.addi %mul3A_2, %add3A : i32
    "tpu.region"() ({
      %run_scoped3A = tpu.sem_alloc : memref<!tpu.dma_semaphore, #tpu.memory_space<semaphore_mem>>
      %dma_start3A = arith.constant 0 : i32
      %dma_start3A_81 = tpu.memref_slice %arg6[%add3A_3, %dma_start3A] : memref<10240x16xf32, #tpu.memory_space<vmem_shared>> -> memref<128x16xf32, #tpu.memory_space<vmem_shared>>
      %dma_start3A_82 = arith.constant 0 : i32
      %dma_start3A_83 = tpu.memref_slice %arg6[%add3A_3, %dma_start3A_82] : memref<10240x16xf32, #tpu.memory_space<vmem_shared>> -> memref<128x16xf32, #tpu.memory_space<vmem_shared>>
      tpu.enqueue_dma source(%arg9 : memref<128x16xf32, #tpu.memory_space<vmem>>) target(%dma_start3A_83 : memref<128x16xf32, #tpu.memory_space<vmem_shared>>) target_semaphore(%run_scoped3A : memref<!tpu.dma_semaphore, #tpu.memory_space<semaphore_mem>>)
      %dma_wait3A = arith.constant 0 : i32
      %dma_wait3A_84 = tpu.memref_slice %arg6[%add3A_3, %dma_wait3A] : memref<10240x16xf32, #tpu.memory_space<vmem_shared>> -> memref<128x16xf32, #tpu.memory_space<vmem_shared>>
      %dma_wait3A_85 = arith.constant 0 : i32
      %dma_wait3A_86 = tpu.memref_slice %arg6[%add3A_3, %dma_wait3A_85] : memref<10240x16xf32, #tpu.memory_space<vmem_shared>> -> memref<128x16xf32, #tpu.memory_space<vmem_shared>>
      tpu.wait_dma2 semaphore(%run_scoped3A : memref<!tpu.dma_semaphore, #tpu.memory_space<semaphore_mem>>) src(%arg9 : memref<128x16xf32, #tpu.memory_space<vmem>>) dst(%dma_wait3A_86 : memref<128x16xf32, #tpu.memory_space<vmem_shared>>)
      tpu.yield
    }) : () -> ()
    %mul3A_4 = arith.constant 640 : i32
    %mul3A_5 = arith.muli %arg1, %mul3A_4 : i32
    %add3A_6 = arith.constant 128 : i32
    %add3A_7 = arith.addi %mul3A_5, %add3A_6 : i32
    "tpu.region"() ({
      %run_scoped3A = tpu.sem_alloc : memref<!tpu.dma_semaphore, #tpu.memory_space<semaphore_mem>>
      %dma_start3A = arith.constant 0 : i32
      %dma_start3A_81 = tpu.memref_slice %arg6[%add3A_7, %dma_start3A] : memref<10240x16xf32, #tpu.memory_space<vmem_shared>> -> memref<128x16xf32, #tpu.memory_space<vmem_shared>>
      %dma_start3A_82 = arith.constant 0 : i32
      %dma_start3A_83 = tpu.memref_slice %arg6[%add3A_7, %dma_start3A_82] : memref<10240x16xf32, #tpu.memory_space<vmem_shared>> -> memref<128x16xf32, #tpu.memory_space<vmem_shared>>
      tpu.enqueue_dma source(%arg9 : memref<128x16xf32, #tpu.memory_space<vmem>>) target(%dma_start3A_83 : memref<128x16xf32, #tpu.memory_space<vmem_shared>>) target_semaphore(%run_scoped3A : memref<!tpu.dma_semaphore, #tpu.memory_space<semaphore_mem>>)
      %dma_wait3A = arith.constant 0 : i32
      %dma_wait3A_84 = tpu.memref_slice %arg6[%add3A_7, %dma_wait3A] : memref<10240x16xf32, #tpu.memory_space<vmem_shared>> -> memref<128x16xf32, #tpu.memory_space<vmem_shared>>
      %dma_wait3A_85 = arith.constant 0 : i32
      %dma_wait3A_86 = tpu.memref_slice %arg6[%add3A_7, %dma_wait3A_85] : memref<10240x16xf32, #tpu.memory_space<vmem_shared>> -> memref<128x16xf32, #tpu.memory_space<vmem_shared>>
      tpu.wait_dma2 semaphore(%run_scoped3A : memref<!tpu.dma_semaphore, #tpu.memory_space<semaphore_mem>>) src(%arg9 : memref<128x16xf32, #tpu.memory_space<vmem>>) dst(%dma_wait3A_86 : memref<128x16xf32, #tpu.memory_space<vmem_shared>>)
      tpu.yield
    }) : () -> ()
    %mul3A_8 = arith.constant 640 : i32
    %mul3A_9 = arith.muli %arg1, %mul3A_8 : i32
    %add3A_10 = arith.constant 256 : i32
    %add3A_11 = arith.addi %mul3A_9, %add3A_10 : i32
    "tpu.region"() ({
      %run_scoped3A = tpu.sem_alloc : memref<!tpu.dma_semaphore, #tpu.memory_space<semaphore_mem>>
      %dma_start3A = arith.constant 0 : i32
      %dma_start3A_81 = tpu.memref_slice %arg6[%add3A_11, %dma_start3A] : memref<10240x16xf32, #tpu.memory_space<vmem_shared>> -> memref<128x16xf32, #tpu.memory_space<vmem_shared>>
      %dma_start3A_82 = arith.constant 0 : i32
      %dma_start3A_83 = tpu.memref_slice %arg6[%add3A_11, %dma_start3A_82] : memref<10240x16xf32, #tpu.memory_space<vmem_shared>> -> memref<128x16xf32, #tpu.memory_space<vmem_shared>>
      tpu.enqueue_dma source(%arg9 : memref<128x16xf32, #tpu.memory_space<vmem>>) target(%dma_start3A_83 : memref<128x16xf32, #tpu.memory_space<vmem_shared>>) target_semaphore(%run_scoped3A : memref<!tpu.dma_semaphore, #tpu.memory_space<semaphore_mem>>)
      %dma_wait3A = arith.constant 0 : i32
      %dma_wait3A_84 = tpu.memref_slice %arg6[%add3A_11, %dma_wait3A] : memref<10240x16xf32, #tpu.memory_space<vmem_shared>> -> memref<128x16xf32, #tpu.memory_space<vmem_shared>>
      %dma_wait3A_85 = arith.constant 0 : i32
      %dma_wait3A_86 = tpu.memref_slice %arg6[%add3A_11, %dma_wait3A_85] : memref<10240x16xf32, #tpu.memory_space<vmem_shared>> -> memref<128x16xf32, #tpu.memory_space<vmem_shared>>
      tpu.wait_dma2 semaphore(%run_scoped3A : memref<!tpu.dma_semaphore, #tpu.memory_space<semaphore_mem>>) src(%arg9 : memref<128x16xf32, #tpu.memory_space<vmem>>) dst(%dma_wait3A_86 : memref<128x16xf32, #tpu.memory_space<vmem_shared>>)
      tpu.yield
    }) : () -> ()
    %mul3A_12 = arith.constant 640 : i32
    %mul3A_13 = arith.muli %arg1, %mul3A_12 : i32
    %add3A_14 = arith.constant 384 : i32
    %add3A_15 = arith.addi %mul3A_13, %add3A_14 : i32
    "tpu.region"() ({
      %run_scoped3A = tpu.sem_alloc : memref<!tpu.dma_semaphore, #tpu.memory_space<semaphore_mem>>
      %dma_start3A = arith.constant 0 : i32
      %dma_start3A_81 = tpu.memref_slice %arg6[%add3A_15, %dma_start3A] : memref<10240x16xf32, #tpu.memory_space<vmem_shared>> -> memref<128x16xf32, #tpu.memory_space<vmem_shared>>
      %dma_start3A_82 = arith.constant 0 : i32
      %dma_start3A_83 = tpu.memref_slice %arg6[%add3A_15, %dma_start3A_82] : memref<10240x16xf32, #tpu.memory_space<vmem_shared>> -> memref<128x16xf32, #tpu.memory_space<vmem_shared>>
      tpu.enqueue_dma source(%arg9 : memref<128x16xf32, #tpu.memory_space<vmem>>) target(%dma_start3A_83 : memref<128x16xf32, #tpu.memory_space<vmem_shared>>) target_semaphore(%run_scoped3A : memref<!tpu.dma_semaphore, #tpu.memory_space<semaphore_mem>>)
      %dma_wait3A = arith.constant 0 : i32
      %dma_wait3A_84 = tpu.memref_slice %arg6[%add3A_15, %dma_wait3A] : memref<10240x16xf32, #tpu.memory_space<vmem_shared>> -> memref<128x16xf32, #tpu.memory_space<vmem_shared>>
      %dma_wait3A_85 = arith.constant 0 : i32
      %dma_wait3A_86 = tpu.memref_slice %arg6[%add3A_15, %dma_wait3A_85] : memref<10240x16xf32, #tpu.memory_space<vmem_shared>> -> memref<128x16xf32, #tpu.memory_space<vmem_shared>>
      tpu.wait_dma2 semaphore(%run_scoped3A : memref<!tpu.dma_semaphore, #tpu.memory_space<semaphore_mem>>) src(%arg9 : memref<128x16xf32, #tpu.memory_space<vmem>>) dst(%dma_wait3A_86 : memref<128x16xf32, #tpu.memory_space<vmem_shared>>)
      tpu.yield
    }) : () -> ()
    %mul3A_16 = arith.constant 640 : i32
    %mul3A_17 = arith.muli %arg1, %mul3A_16 : i32
    %add3A_18 = arith.constant 512 : i32
    %add3A_19 = arith.addi %mul3A_17, %add3A_18 : i32
    "tpu.region"() ({
      %run_scoped3A = tpu.sem_alloc : memref<!tpu.dma_semaphore, #tpu.memory_space<semaphore_mem>>
      %dma_start3A = arith.constant 0 : i32
      %dma_start3A_81 = tpu.memref_slice %arg6[%add3A_19, %dma_start3A] : memref<10240x16xf32, #tpu.memory_space<vmem_shared>> -> memref<128x16xf32, #tpu.memory_space<vmem_shared>>
      %dma_start3A_82 = arith.constant 0 : i32
      %dma_start3A_83 = tpu.memref_slice %arg6[%add3A_19, %dma_start3A_82] : memref<10240x16xf32, #tpu.memory_space<vmem_shared>> -> memref<128x16xf32, #tpu.memory_space<vmem_shared>>
      tpu.enqueue_dma source(%arg9 : memref<128x16xf32, #tpu.memory_space<vmem>>) target(%dma_start3A_83 : memref<128x16xf32, #tpu.memory_space<vmem_shared>>) target_semaphore(%run_scoped3A : memref<!tpu.dma_semaphore, #tpu.memory_space<semaphore_mem>>)
      %dma_wait3A = arith.constant 0 : i32
      %dma_wait3A_84 = tpu.memref_slice %arg6[%add3A_19, %dma_wait3A] : memref<10240x16xf32, #tpu.memory_space<vmem_shared>> -> memref<128x16xf32, #tpu.memory_space<vmem_shared>>
      %dma_wait3A_85 = arith.constant 0 : i32
      %dma_wait3A_86 = tpu.memref_slice %arg6[%add3A_19, %dma_wait3A_85] : memref<10240x16xf32, #tpu.memory_space<vmem_shared>> -> memref<128x16xf32, #tpu.memory_space<vmem_shared>>
      tpu.wait_dma2 semaphore(%run_scoped3A : memref<!tpu.dma_semaphore, #tpu.memory_space<semaphore_mem>>) src(%arg9 : memref<128x16xf32, #tpu.memory_space<vmem>>) dst(%dma_wait3A_86 : memref<128x16xf32, #tpu.memory_space<vmem_shared>>)
      tpu.yield
    }) : () -> ()
    %barrier3A = arith.constant 0 : index
    tpu.barrier barrier_id(%barrier3A)
    %scan3A = arith.constant 0 : i32
    %scan3A_20 = arith.constant 0 : i32
    %scan3A_21 = arith.constant 80 : i32
    %scan3A_22 = arith.addi %scan3A_20, %scan3A_21 : i32
    %scan3A_23 = arith.constant 1 : i32
    scf.for %scan3A_81 = %scan3A_20 to %scan3A_22 step %scan3A_23  : i32 {
      "tpu.region"() ({
        %run_scoped3A = tpu.sem_alloc : memref<!tpu.dma_semaphore, #tpu.memory_space<semaphore_mem>>
        %dma_start3A = arith.constant 0 : i32
        %dma_start3A_82 = tpu.memref_slice %arg7[%scan3A_81, %dma_start3A] : memref<80x128xi32, #tpu.memory_space<vmem>> -> memref<1x128xi32, #tpu.memory_space<vmem>>
        %dma_start3A_83 = tpu.memref_squeeze %dma_start3A_82 : memref<1x128xi32, #tpu.memory_space<vmem>> -> memref<128xi32, #tpu.memory_space<vmem>>
        %dma_start3A_84 = arith.constant 0 : i32
        %dma_start3A_85 = arith.constant 0 : i32
        %dma_start3A_86 = tpu.memref_slice %arg6[%dma_start3A_84, %dma_start3A_85] : memref<10240x16xf32, #tpu.memory_space<vmem_shared>> -> memref<10240x16xf32, #tpu.memory_space<vmem_shared>>
        tpu.enqueue_indirect_dma source(%arg8 : memref<128x16xf32, #tpu.memory_space<vmem>>) target(%dma_start3A_86 : memref<10240x16xf32, #tpu.memory_space<vmem_shared>>) offsets(%dma_start3A_83 : memref<128xi32, #tpu.memory_space<vmem>>) semaphore(%run_scoped3A : memref<!tpu.dma_semaphore, #tpu.memory_space<semaphore_mem>>) {add = true}
        %dma_wait3A = arith.constant 0 : i32
        %dma_wait3A_87 = tpu.memref_slice %arg7[%scan3A_81, %dma_wait3A] : memref<80x128xi32, #tpu.memory_space<vmem>> -> memref<1x128xi32, #tpu.memory_space<vmem>>
        %dma_wait3A_88 = tpu.memref_squeeze %dma_wait3A_87 : memref<1x128xi32, #tpu.memory_space<vmem>> -> memref<128xi32, #tpu.memory_space<vmem>>
        %dma_wait3A_89 = arith.constant 0 : i32
        %dma_wait3A_90 = arith.constant 0 : i32
        %dma_wait3A_91 = tpu.memref_slice %arg6[%dma_wait3A_89, %dma_wait3A_90] : memref<10240x16xf32, #tpu.memory_space<vmem_shared>> -> memref<10240x16xf32, #tpu.memory_space<vmem_shared>>
        tpu.wait_indirect_dma semaphore(%run_scoped3A : memref<!tpu.dma_semaphore, #tpu.memory_space<semaphore_mem>>) src(%arg8 : memref<128x16xf32, #tpu.memory_space<vmem>>) dst(%dma_wait3A_91 : memref<10240x16xf32, #tpu.memory_space<vmem_shared>>)
        tpu.yield
      }) : () -> ()
    }
    %scan3A_24 = arith.constant 80 : i32
    %barrier3A_25 = arith.constant 0 : index
    tpu.barrier barrier_id(%barrier3A_25)
    %mul3A_26 = arith.constant 640 : i32
    %mul3A_27 = arith.muli %arg1, %mul3A_26 : i32
    %add3A_28 = arith.constant 0 : i32
    %add3A_29 = arith.addi %mul3A_27, %add3A_28 : i32
    "tpu.region"() ({
      %run_scoped3A = tpu.sem_alloc : memref<!tpu.dma_semaphore, #tpu.memory_space<semaphore_mem>>
      %dma_start3A = arith.constant 0 : i32
      %dma_start3A_81 = tpu.memref_slice %arg6[%add3A_29, %dma_start3A] : memref<10240x16xf32, #tpu.memory_space<vmem_shared>> -> memref<128x16xf32, #tpu.memory_space<vmem_shared>>
      %dma_start3A_82 = arith.constant 0 : i32
      %dma_start3A_83 = tpu.memref_slice %arg6[%add3A_29, %dma_start3A_82] : memref<10240x16xf32, #tpu.memory_space<vmem_shared>> -> memref<128x16xf32, #tpu.memory_space<vmem_shared>>
      tpu.enqueue_dma source(%dma_start3A_83 : memref<128x16xf32, #tpu.memory_space<vmem_shared>>) target(%arg9 : memref<128x16xf32, #tpu.memory_space<vmem>>) target_semaphore(%run_scoped3A : memref<!tpu.dma_semaphore, #tpu.memory_space<semaphore_mem>>)
      %dma_wait3A = arith.constant 0 : i32
      %dma_wait3A_84 = tpu.memref_slice %arg6[%add3A_29, %dma_wait3A] : memref<10240x16xf32, #tpu.memory_space<vmem_shared>> -> memref<128x16xf32, #tpu.memory_space<vmem_shared>>
      %dma_wait3A_85 = arith.constant 0 : i32
      %dma_wait3A_86 = tpu.memref_slice %arg6[%add3A_29, %dma_wait3A_85] : memref<10240x16xf32, #tpu.memory_space<vmem_shared>> -> memref<128x16xf32, #tpu.memory_space<vmem_shared>>
      tpu.wait_dma2 semaphore(%run_scoped3A : memref<!tpu.dma_semaphore, #tpu.memory_space<semaphore_mem>>) src(%dma_wait3A_86 : memref<128x16xf32, #tpu.memory_space<vmem_shared>>) dst(%arg9 : memref<128x16xf32, #tpu.memory_space<vmem>>)
      tpu.yield
    }) : () -> ()
    %mul3A_30 = arith.constant 10240 : i32
    %mul3A_31 = arith.muli %arg0, %mul3A_30 : i32
    %mul3A_32 = arith.constant 640 : i32
    %mul3A_33 = arith.muli %arg1, %mul3A_32 : i32
    %add3A_34 = arith.addi %mul3A_31, %mul3A_33 : i32
    %add3A_35 = arith.constant 0 : i32
    %add3A_36 = arith.addi %add3A_34, %add3A_35 : i32
    "tpu.region"() ({
      %run_scoped3A = tpu.sem_alloc : memref<!tpu.dma_semaphore, #tpu.memory_space<semaphore_mem>>
      %dma_start3A = arith.constant 0 : i32
      %dma_start3A_81 = tpu.memref_slice %arg5[%add3A_36, %dma_start3A] : memref<20480x16xf32, #tpu.memory_space<hbm>> -> memref<128x16xf32, #tpu.memory_space<hbm>>
      %dma_start3A_82 = arith.constant 0 : i32
      %dma_start3A_83 = tpu.memref_slice %arg5[%add3A_36, %dma_start3A_82] : memref<20480x16xf32, #tpu.memory_space<hbm>> -> memref<128x16xf32, #tpu.memory_space<hbm>>
      tpu.enqueue_dma source(%arg9 : memref<128x16xf32, #tpu.memory_space<vmem>>) target(%dma_start3A_83 : memref<128x16xf32, #tpu.memory_space<hbm>>) target_semaphore(%run_scoped3A : memref<!tpu.dma_semaphore, #tpu.memory_space<semaphore_mem>>)
      %dma_wait3A = arith.constant 0 : i32
      %dma_wait3A_84 = tpu.memref_slice %arg5[%add3A_36, %dma_wait3A] : memref<20480x16xf32, #tpu.memory_space<hbm>> -> memref<128x16xf32, #tpu.memory_space<hbm>>
      %dma_wait3A_85 = arith.constant 0 : i32
      %dma_wait3A_86 = tpu.memref_slice %arg5[%add3A_36, %dma_wait3A_85] : memref<20480x16xf32, #tpu.memory_space<hbm>> -> memref<128x16xf32, #tpu.memory_space<hbm>>
      tpu.wait_dma2 semaphore(%run_scoped3A : memref<!tpu.dma_semaphore, #tpu.memory_space<semaphore_mem>>) src(%arg9 : memref<128x16xf32, #tpu.memory_space<vmem>>) dst(%dma_wait3A_86 : memref<128x16xf32, #tpu.memory_space<hbm>>)
      tpu.yield
    }) : () -> ()
    %mul3A_37 = arith.constant 640 : i32
    %mul3A_38 = arith.muli %arg1, %mul3A_37 : i32
    %add3A_39 = arith.constant 128 : i32
    %add3A_40 = arith.addi %mul3A_38, %add3A_39 : i32
    "tpu.region"() ({
      %run_scoped3A = tpu.sem_alloc : memref<!tpu.dma_semaphore, #tpu.memory_space<semaphore_mem>>
      %dma_start3A = arith.constant 0 : i32
      %dma_start3A_81 = tpu.memref_slice %arg6[%add3A_40, %dma_start3A] : memref<10240x16xf32, #tpu.memory_space<vmem_shared>> -> memref<128x16xf32, #tpu.memory_space<vmem_shared>>
      %dma_start3A_82 = arith.constant 0 : i32
      %dma_start3A_83 = tpu.memref_slice %arg6[%add3A_40, %dma_start3A_82] : memref<10240x16xf32, #tpu.memory_space<vmem_shared>> -> memref<128x16xf32, #tpu.memory_space<vmem_shared>>
      tpu.enqueue_dma source(%dma_start3A_83 : memref<128x16xf32, #tpu.memory_space<vmem_shared>>) target(%arg9 : memref<128x16xf32, #tpu.memory_space<vmem>>) target_semaphore(%run_scoped3A : memref<!tpu.dma_semaphore, #tpu.memory_space<semaphore_mem>>)
      %dma_wait3A = arith.constant 0 : i32
      %dma_wait3A_84 = tpu.memref_slice %arg6[%add3A_40, %dma_wait3A] : memref<10240x16xf32, #tpu.memory_space<vmem_shared>> -> memref<128x16xf32, #tpu.memory_space<vmem_shared>>
      %dma_wait3A_85 = arith.constant 0 : i32
      %dma_wait3A_86 = tpu.memref_slice %arg6[%add3A_40, %dma_wait3A_85] : memref<10240x16xf32, #tpu.memory_space<vmem_shared>> -> memref<128x16xf32, #tpu.memory_space<vmem_shared>>
      tpu.wait_dma2 semaphore(%run_scoped3A : memref<!tpu.dma_semaphore, #tpu.memory_space<semaphore_mem>>) src(%dma_wait3A_86 : memref<128x16xf32, #tpu.memory_space<vmem_shared>>) dst(%arg9 : memref<128x16xf32, #tpu.memory_space<vmem>>)
      tpu.yield
    }) : () -> ()
    %mul3A_41 = arith.constant 10240 : i32
    %mul3A_42 = arith.muli %arg0, %mul3A_41 : i32
    %mul3A_43 = arith.constant 640 : i32
    %mul3A_44 = arith.muli %arg1, %mul3A_43 : i32
    %add3A_45 = arith.addi %mul3A_42, %mul3A_44 : i32
    %add3A_46 = arith.constant 128 : i32
    %add3A_47 = arith.addi %add3A_45, %add3A_46 : i32
    "tpu.region"() ({
      %run_scoped3A = tpu.sem_alloc : memref<!tpu.dma_semaphore, #tpu.memory_space<semaphore_mem>>
      %dma_start3A = arith.constant 0 : i32
      %dma_start3A_81 = tpu.memref_slice %arg5[%add3A_47, %dma_start3A] : memref<20480x16xf32, #tpu.memory_space<hbm>> -> memref<128x16xf32, #tpu.memory_space<hbm>>
      %dma_start3A_82 = arith.constant 0 : i32
      %dma_start3A_83 = tpu.memref_slice %arg5[%add3A_47, %dma_start3A_82] : memref<20480x16xf32, #tpu.memory_space<hbm>> -> memref<128x16xf32, #tpu.memory_space<hbm>>
      tpu.enqueue_dma source(%arg9 : memref<128x16xf32, #tpu.memory_space<vmem>>) target(%dma_start3A_83 : memref<128x16xf32, #tpu.memory_space<hbm>>) target_semaphore(%run_scoped3A : memref<!tpu.dma_semaphore, #tpu.memory_space<semaphore_mem>>)
      %dma_wait3A = arith.constant 0 : i32
      %dma_wait3A_84 = tpu.memref_slice %arg5[%add3A_47, %dma_wait3A] : memref<20480x16xf32, #tpu.memory_space<hbm>> -> memref<128x16xf32, #tpu.memory_space<hbm>>
      %dma_wait3A_85 = arith.constant 0 : i32
      %dma_wait3A_86 = tpu.memref_slice %arg5[%add3A_47, %dma_wait3A_85] : memref<20480x16xf32, #tpu.memory_space<hbm>> -> memref<128x16xf32, #tpu.memory_space<hbm>>
      tpu.wait_dma2 semaphore(%run_scoped3A : memref<!tpu.dma_semaphore, #tpu.memory_space<semaphore_mem>>) src(%arg9 : memref<128x16xf32, #tpu.memory_space<vmem>>) dst(%dma_wait3A_86 : memref<128x16xf32, #tpu.memory_space<hbm>>)
      tpu.yield
    }) : () -> ()
    %mul3A_48 = arith.constant 640 : i32
    %mul3A_49 = arith.muli %arg1, %mul3A_48 : i32
    %add3A_50 = arith.constant 256 : i32
    %add3A_51 = arith.addi %mul3A_49, %add3A_50 : i32
    "tpu.region"() ({
      %run_scoped3A = tpu.sem_alloc : memref<!tpu.dma_semaphore, #tpu.memory_space<semaphore_mem>>
      %dma_start3A = arith.constant 0 : i32
      %dma_start3A_81 = tpu.memref_slice %arg6[%add3A_51, %dma_start3A] : memref<10240x16xf32, #tpu.memory_space<vmem_shared>> -> memref<128x16xf32, #tpu.memory_space<vmem_shared>>
      %dma_start3A_82 = arith.constant 0 : i32
      %dma_start3A_83 = tpu.memref_slice %arg6[%add3A_51, %dma_start3A_82] : memref<10240x16xf32, #tpu.memory_space<vmem_shared>> -> memref<128x16xf32, #tpu.memory_space<vmem_shared>>
      tpu.enqueue_dma source(%dma_start3A_83 : memref<128x16xf32, #tpu.memory_space<vmem_shared>>) target(%arg9 : memref<128x16xf32, #tpu.memory_space<vmem>>) target_semaphore(%run_scoped3A : memref<!tpu.dma_semaphore, #tpu.memory_space<semaphore_mem>>)
      %dma_wait3A = arith.constant 0 : i32
      %dma_wait3A_84 = tpu.memref_slice %arg6[%add3A_51, %dma_wait3A] : memref<10240x16xf32, #tpu.memory_space<vmem_shared>> -> memref<128x16xf32, #tpu.memory_space<vmem_shared>>
      %dma_wait3A_85 = arith.constant 0 : i32
      %dma_wait3A_86 = tpu.memref_slice %arg6[%add3A_51, %dma_wait3A_85] : memref<10240x16xf32, #tpu.memory_space<vmem_shared>> -> memref<128x16xf32, #tpu.memory_space<vmem_shared>>
      tpu.wait_dma2 semaphore(%run_scoped3A : memref<!tpu.dma_semaphore, #tpu.memory_space<semaphore_mem>>) src(%dma_wait3A_86 : memref<128x16xf32, #tpu.memory_space<vmem_shared>>) dst(%arg9 : memref<128x16xf32, #tpu.memory_space<vmem>>)
      tpu.yield
    }) : () -> ()
    %mul3A_52 = arith.constant 10240 : i32
    %mul3A_53 = arith.muli %arg0, %mul3A_52 : i32
    %mul3A_54 = arith.constant 640 : i32
    %mul3A_55 = arith.muli %arg1, %mul3A_54 : i32
    %add3A_56 = arith.addi %mul3A_53, %mul3A_55 : i32
    %add3A_57 = arith.constant 256 : i32
    %add3A_58 = arith.addi %add3A_56, %add3A_57 : i32
    "tpu.region"() ({
      %run_scoped3A = tpu.sem_alloc : memref<!tpu.dma_semaphore, #tpu.memory_space<semaphore_mem>>
      %dma_start3A = arith.constant 0 : i32
      %dma_start3A_81 = tpu.memref_slice %arg5[%add3A_58, %dma_start3A] : memref<20480x16xf32, #tpu.memory_space<hbm>> -> memref<128x16xf32, #tpu.memory_space<hbm>>
      %dma_start3A_82 = arith.constant 0 : i32
      %dma_start3A_83 = tpu.memref_slice %arg5[%add3A_58, %dma_start3A_82] : memref<20480x16xf32, #tpu.memory_space<hbm>> -> memref<128x16xf32, #tpu.memory_space<hbm>>
      tpu.enqueue_dma source(%arg9 : memref<128x16xf32, #tpu.memory_space<vmem>>) target(%dma_start3A_83 : memref<128x16xf32, #tpu.memory_space<hbm>>) target_semaphore(%run_scoped3A : memref<!tpu.dma_semaphore, #tpu.memory_space<semaphore_mem>>)
      %dma_wait3A = arith.constant 0 : i32
      %dma_wait3A_84 = tpu.memref_slice %arg5[%add3A_58, %dma_wait3A] : memref<20480x16xf32, #tpu.memory_space<hbm>> -> memref<128x16xf32, #tpu.memory_space<hbm>>
      %dma_wait3A_85 = arith.constant 0 : i32
      %dma_wait3A_86 = tpu.memref_slice %arg5[%add3A_58, %dma_wait3A_85] : memref<20480x16xf32, #tpu.memory_space<hbm>> -> memref<128x16xf32, #tpu.memory_space<hbm>>
      tpu.wait_dma2 semaphore(%run_scoped3A : memref<!tpu.dma_semaphore, #tpu.memory_space<semaphore_mem>>) src(%arg9 : memref<128x16xf32, #tpu.memory_space<vmem>>) dst(%dma_wait3A_86 : memref<128x16xf32, #tpu.memory_space<hbm>>)
      tpu.yield
    }) : () -> ()
    %mul3A_59 = arith.constant 640 : i32
    %mul3A_60 = arith.muli %arg1, %mul3A_59 : i32
    %add3A_61 = arith.constant 384 : i32
    %add3A_62 = arith.addi %mul3A_60, %add3A_61 : i32
    "tpu.region"() ({
      %run_scoped3A = tpu.sem_alloc : memref<!tpu.dma_semaphore, #tpu.memory_space<semaphore_mem>>
      %dma_start3A = arith.constant 0 : i32
      %dma_start3A_81 = tpu.memref_slice %arg6[%add3A_62, %dma_start3A] : memref<10240x16xf32, #tpu.memory_space<vmem_shared>> -> memref<128x16xf32, #tpu.memory_space<vmem_shared>>
      %dma_start3A_82 = arith.constant 0 : i32
      %dma_start3A_83 = tpu.memref_slice %arg6[%add3A_62, %dma_start3A_82] : memref<10240x16xf32, #tpu.memory_space<vmem_shared>> -> memref<128x16xf32, #tpu.memory_space<vmem_shared>>
      tpu.enqueue_dma source(%dma_start3A_83 : memref<128x16xf32, #tpu.memory_space<vmem_shared>>) target(%arg9 : memref<128x16xf32, #tpu.memory_space<vmem>>) target_semaphore(%run_scoped3A : memref<!tpu.dma_semaphore, #tpu.memory_space<semaphore_mem>>)
      %dma_wait3A = arith.constant 0 : i32
      %dma_wait3A_84 = tpu.memref_slice %arg6[%add3A_62, %dma_wait3A] : memref<10240x16xf32, #tpu.memory_space<vmem_shared>> -> memref<128x16xf32, #tpu.memory_space<vmem_shared>>
      %dma_wait3A_85 = arith.constant 0 : i32
      %dma_wait3A_86 = tpu.memref_slice %arg6[%add3A_62, %dma_wait3A_85] : memref<10240x16xf32, #tpu.memory_space<vmem_shared>> -> memref<128x16xf32, #tpu.memory_space<vmem_shared>>
      tpu.wait_dma2 semaphore(%run_scoped3A : memref<!tpu.dma_semaphore, #tpu.memory_space<semaphore_mem>>) src(%dma_wait3A_86 : memref<128x16xf32, #tpu.memory_space<vmem_shared>>) dst(%arg9 : memref<128x16xf32, #tpu.memory_space<vmem>>)
      tpu.yield
    }) : () -> ()
    %mul3A_63 = arith.constant 10240 : i32
    %mul3A_64 = arith.muli %arg0, %mul3A_63 : i32
    %mul3A_65 = arith.constant 640 : i32
    %mul3A_66 = arith.muli %arg1, %mul3A_65 : i32
    %add3A_67 = arith.addi %mul3A_64, %mul3A_66 : i32
    %add3A_68 = arith.constant 384 : i32
    %add3A_69 = arith.addi %add3A_67, %add3A_68 : i32
    "tpu.region"() ({
      %run_scoped3A = tpu.sem_alloc : memref<!tpu.dma_semaphore, #tpu.memory_space<semaphore_mem>>
      %dma_start3A = arith.constant 0 : i32
      %dma_start3A_81 = tpu.memref_slice %arg5[%add3A_69, %dma_start3A] : memref<20480x16xf32, #tpu.memory_space<hbm>> -> memref<128x16xf32, #tpu.memory_space<hbm>>
      %dma_start3A_82 = arith.constant 0 : i32
      %dma_start3A_83 = tpu.memref_slice %arg5[%add3A_69, %dma_start3A_82] : memref<20480x16xf32, #tpu.memory_space<hbm>> -> memref<128x16xf32, #tpu.memory_space<hbm>>
      tpu.enqueue_dma source(%arg9 : memref<128x16xf32, #tpu.memory_space<vmem>>) target(%dma_start3A_83 : memref<128x16xf32, #tpu.memory_space<hbm>>) target_semaphore(%run_scoped3A : memref<!tpu.dma_semaphore, #tpu.memory_space<semaphore_mem>>)
      %dma_wait3A = arith.constant 0 : i32
      %dma_wait3A_84 = tpu.memref_slice %arg5[%add3A_69, %dma_wait3A] : memref<20480x16xf32, #tpu.memory_space<hbm>> -> memref<128x16xf32, #tpu.memory_space<hbm>>
      %dma_wait3A_85 = arith.constant 0 : i32
      %dma_wait3A_86 = tpu.memref_slice %arg5[%add3A_69, %dma_wait3A_85] : memref<20480x16xf32, #tpu.memory_space<hbm>> -> memref<128x16xf32, #tpu.memory_space<hbm>>
      tpu.wait_dma2 semaphore(%run_scoped3A : memref<!tpu.dma_semaphore, #tpu.memory_space<semaphore_mem>>) src(%arg9 : memref<128x16xf32, #tpu.memory_space<vmem>>) dst(%dma_wait3A_86 : memref<128x16xf32, #tpu.memory_space<hbm>>)
      tpu.yield
    }) : () -> ()
    %mul3A_70 = arith.constant 640 : i32
    %mul3A_71 = arith.muli %arg1, %mul3A_70 : i32
    %add3A_72 = arith.constant 512 : i32
    %add3A_73 = arith.addi %mul3A_71, %add3A_72 : i32
    "tpu.region"() ({
      %run_scoped3A = tpu.sem_alloc : memref<!tpu.dma_semaphore, #tpu.memory_space<semaphore_mem>>
      %dma_start3A = arith.constant 0 : i32
      %dma_start3A_81 = tpu.memref_slice %arg6[%add3A_73, %dma_start3A] : memref<10240x16xf32, #tpu.memory_space<vmem_shared>> -> memref<128x16xf32, #tpu.memory_space<vmem_shared>>
      %dma_start3A_82 = arith.constant 0 : i32
      %dma_start3A_83 = tpu.memref_slice %arg6[%add3A_73, %dma_start3A_82] : memref<10240x16xf32, #tpu.memory_space<vmem_shared>> -> memref<128x16xf32, #tpu.memory_space<vmem_shared>>
      tpu.enqueue_dma source(%dma_start3A_83 : memref<128x16xf32, #tpu.memory_space<vmem_shared>>) target(%arg9 : memref<128x16xf32, #tpu.memory_space<vmem>>) target_semaphore(%run_scoped3A : memref<!tpu.dma_semaphore, #tpu.memory_space<semaphore_mem>>)
      %dma_wait3A = arith.constant 0 : i32
      %dma_wait3A_84 = tpu.memref_slice %arg6[%add3A_73, %dma_wait3A] : memref<10240x16xf32, #tpu.memory_space<vmem_shared>> -> memref<128x16xf32, #tpu.memory_space<vmem_shared>>
      %dma_wait3A_85 = arith.constant 0 : i32
      %dma_wait3A_86 = tpu.memref_slice %arg6[%add3A_73, %dma_wait3A_85] : memref<10240x16xf32, #tpu.memory_space<vmem_shared>> -> memref<128x16xf32, #tpu.memory_space<vmem_shared>>
      tpu.wait_dma2 semaphore(%run_scoped3A : memref<!tpu.dma_semaphore, #tpu.memory_space<semaphore_mem>>) src(%dma_wait3A_86 : memref<128x16xf32, #tpu.memory_space<vmem_shared>>) dst(%arg9 : memref<128x16xf32, #tpu.memory_space<vmem>>)
      tpu.yield
    }) : () -> ()
    %mul3A_74 = arith.constant 10240 : i32
    %mul3A_75 = arith.muli %arg0, %mul3A_74 : i32
    %mul3A_76 = arith.constant 640 : i32
    %mul3A_77 = arith.muli %arg1, %mul3A_76 : i32
    %add3A_78 = arith.addi %mul3A_75, %mul3A_77 : i32
    %add3A_79 = arith.constant 512 : i32
    %add3A_80 = arith.addi %add3A_78, %add3A_79 : i32
    "tpu.region"() ({
      %run_scoped3A = tpu.sem_alloc : memref<!tpu.dma_semaphore, #tpu.memory_space<semaphore_mem>>
      %dma_start3A = arith.constant 0 : i32
      %dma_start3A_81 = tpu.memref_slice %arg5[%add3A_80, %dma_start3A] : memref<20480x16xf32, #tpu.memory_space<hbm>> -> memref<128x16xf32, #tpu.memory_space<hbm>>
      %dma_start3A_82 = arith.constant 0 : i32
      %dma_start3A_83 = tpu.memref_slice %arg5[%add3A_80, %dma_start3A_82] : memref<20480x16xf32, #tpu.memory_space<hbm>> -> memref<128x16xf32, #tpu.memory_space<hbm>>
      tpu.enqueue_dma source(%arg9 : memref<128x16xf32, #tpu.memory_space<vmem>>) target(%dma_start3A_83 : memref<128x16xf32, #tpu.memory_space<hbm>>) target_semaphore(%run_scoped3A : memref<!tpu.dma_semaphore, #tpu.memory_space<semaphore_mem>>)
      %dma_wait3A = arith.constant 0 : i32
      %dma_wait3A_84 = tpu.memref_slice %arg5[%add3A_80, %dma_wait3A] : memref<20480x16xf32, #tpu.memory_space<hbm>> -> memref<128x16xf32, #tpu.memory_space<hbm>>
      %dma_wait3A_85 = arith.constant 0 : i32
      %dma_wait3A_86 = tpu.memref_slice %arg5[%add3A_80, %dma_wait3A_85] : memref<20480x16xf32, #tpu.memory_space<hbm>> -> memref<128x16xf32, #tpu.memory_space<hbm>>
      tpu.wait_dma2 semaphore(%run_scoped3A : memref<!tpu.dma_semaphore, #tpu.memory_space<semaphore_mem>>) src(%arg9 : memref<128x16xf32, #tpu.memory_space<vmem>>) dst(%dma_wait3A_86 : memref<128x16xf32, #tpu.memory_space<hbm>>)
      tpu.yield
    }) : () -> ()
    return
  }
}

#map = affine_map<(d0, d1) -> (0, 0)>
#map1 = affine_map<(d0, d1) -> (0, 0, 0)>
module attributes {stable_mosaic.version = 14 : i64} {
  func.func @body(%arg0: i32, %arg1: i32, %arg2: memref<10240x32xf32, #tpu.memory_space<hbm>>, %arg3: memref<10240x32xf32, #tpu.memory_space<hbm>>, %arg4: memref<16x160x128xi32, #tpu.memory_space<hbm>>, %arg5: memref<16x160x128xi32, #tpu.memory_space<hbm>>, %arg6: memref<128x32xf32, #tpu.memory_space<hbm>>, %arg7: memref<20480x32xf32, #tpu.memory_space<hbm>>, %arg8: memref<10240x32xf32, #tpu.memory_space<vmem_shared>>, %arg9: memref<10240x32xf32, #tpu.memory_space<vmem_shared>>, %arg10: memref<160x128xi32, #tpu.memory_space<vmem>>, %arg11: memref<128xi32, #tpu.memory_space<vmem>>, %arg12: memref<128xi32, #tpu.memory_space<vmem>>, %arg13: memref<128x32xf32, #tpu.memory_space<vmem>>, %arg14: memref<128x32xf32, #tpu.memory_space<vmem>>, %arg15: memref<!tpu.dma_semaphore, #tpu.memory_space<semaphore_mem>>, %arg16: memref<!tpu.dma_semaphore, #tpu.memory_space<semaphore_mem>>, %arg17: memref<!tpu.dma_semaphore, #tpu.memory_space<semaphore_mem>>, %arg18: memref<!tpu.dma_semaphore, #tpu.memory_space<semaphore_mem>>) attributes {dimension_semantics = [#tpu.dimension_semantics<core_parallel>, #tpu.dimension_semantics<subcore_parallel>], iteration_bounds = array<i64: 2, 16>, scalar_prefetch = 0 : i64, scratch_operands = 11 : i64, tpu.core_type = #tpu.core_type<sc_vector_subcore>, window_params = [{transform_indices = #map}, {transform_indices = #map}, {transform_indices = #map1}, {transform_indices = #map1}, {transform_indices = #map}, {transform_indices = #map}]} {
    "tpu.region"() ({
      %run_scoped3A = tpu.sem_alloc : memref<!tpu.dma_semaphore, #tpu.memory_space<semaphore_mem>>
      tpu.enqueue_dma source(%arg6 : memref<128x32xf32, #tpu.memory_space<hbm>>) target(%arg13 : memref<128x32xf32, #tpu.memory_space<vmem>>) target_semaphore(%run_scoped3A : memref<!tpu.dma_semaphore, #tpu.memory_space<semaphore_mem>>)
      tpu.wait_dma2 semaphore(%run_scoped3A : memref<!tpu.dma_semaphore, #tpu.memory_space<semaphore_mem>>) src(%arg6 : memref<128x32xf32, #tpu.memory_space<hbm>>) dst(%arg13 : memref<128x32xf32, #tpu.memory_space<vmem>>)
      tpu.yield
    }) : () -> ()
    "tpu.region"() ({
      %run_scoped3A = tpu.sem_alloc : memref<!tpu.dma_semaphore, #tpu.memory_space<semaphore_mem>>
      %dma_start3A_170 = arith.constant 0 : i32
      %dma_start3A_171 = arith.constant 0 : i32
      %dma_start3A_172 = tpu.memref_slice %arg4[%arg1, %dma_start3A_170, %dma_start3A_171] : memref<16x160x128xi32, #tpu.memory_space<hbm>> -> memref<1x160x128xi32, #tpu.memory_space<hbm>>
      %dma_start3A_173 = tpu.memref_squeeze %dma_start3A_172 : memref<1x160x128xi32, #tpu.memory_space<hbm>> -> memref<160x128xi32, #tpu.memory_space<hbm>>
      %dma_start3A_174 = arith.constant 0 : i32
      %dma_start3A_175 = arith.constant 0 : i32
      %dma_start3A_176 = tpu.memref_slice %arg4[%arg1, %dma_start3A_174, %dma_start3A_175] : memref<16x160x128xi32, #tpu.memory_space<hbm>> -> memref<1x160x128xi32, #tpu.memory_space<hbm>>
      %dma_start3A_177 = tpu.memref_squeeze %dma_start3A_176 : memref<1x160x128xi32, #tpu.memory_space<hbm>> -> memref<160x128xi32, #tpu.memory_space<hbm>>
      tpu.enqueue_dma source(%dma_start3A_177 : memref<160x128xi32, #tpu.memory_space<hbm>>) target(%arg10 : memref<160x128xi32, #tpu.memory_space<vmem>>) target_semaphore(%run_scoped3A : memref<!tpu.dma_semaphore, #tpu.memory_space<semaphore_mem>>)
      %dma_wait3A_178 = arith.constant 0 : i32
      %dma_wait3A_179 = arith.constant 0 : i32
      %dma_wait3A_180 = tpu.memref_slice %arg4[%arg1, %dma_wait3A_178, %dma_wait3A_179] : memref<16x160x128xi32, #tpu.memory_space<hbm>> -> memref<1x160x128xi32, #tpu.memory_space<hbm>>
      %dma_wait3A_181 = tpu.memref_squeeze %dma_wait3A_180 : memref<1x160x128xi32, #tpu.memory_space<hbm>> -> memref<160x128xi32, #tpu.memory_space<hbm>>
      %dma_wait3A_182 = arith.constant 0 : i32
      %dma_wait3A_183 = arith.constant 0 : i32
      %dma_wait3A_184 = tpu.memref_slice %arg4[%arg1, %dma_wait3A_182, %dma_wait3A_183] : memref<16x160x128xi32, #tpu.memory_space<hbm>> -> memref<1x160x128xi32, #tpu.memory_space<hbm>>
      %dma_wait3A_185 = tpu.memref_squeeze %dma_wait3A_184 : memref<1x160x128xi32, #tpu.memory_space<hbm>> -> memref<160x128xi32, #tpu.memory_space<hbm>>
      tpu.wait_dma2 semaphore(%run_scoped3A : memref<!tpu.dma_semaphore, #tpu.memory_space<semaphore_mem>>) src(%dma_wait3A_185 : memref<160x128xi32, #tpu.memory_space<hbm>>) dst(%arg10 : memref<160x128xi32, #tpu.memory_space<vmem>>)
      tpu.yield
    }) : () -> ()
    %eq3A = arith.constant 0 : i32
    %eq3A_0 = arith.cmpi eq, %arg0, %eq3A : i32
    %convert_element_type3A = arith.extui %eq3A_0 : i1 to i32
    %cond3A = arith.constant 0 : i32
    %cond3A_1 = arith.cmpi ne, %convert_element_type3A, %cond3A : i32
    scf.if %cond3A_1 {
      %mul3A_170 = arith.constant 640 : i32
      %mul3A_171 = arith.muli %arg1, %mul3A_170 : i32
      %mul3A_172 = arith.constant 640 : i32
      %mul3A_173 = arith.muli %arg1, %mul3A_172 : i32
      "tpu.region"() ({
        %run_scoped3A = tpu.sem_alloc : memref<!tpu.dma_semaphore, #tpu.memory_space<semaphore_mem>>
        %dma_start3A_174 = arith.constant 0 : i32
        %dma_start3A_175 = tpu.memref_slice %arg8[%mul3A_173, %dma_start3A_174] : memref<10240x32xf32, #tpu.memory_space<vmem_shared>> -> memref<640x32xf32, #tpu.memory_space<vmem_shared>>
        %dma_start3A_176 = arith.constant 0 : i32
        %dma_start3A_177 = tpu.memref_slice %arg2[%mul3A_171, %dma_start3A_176] : memref<10240x32xf32, #tpu.memory_space<hbm>> -> memref<640x32xf32, #tpu.memory_space<hbm>>
        tpu.enqueue_dma source(%dma_start3A_177 : memref<640x32xf32, #tpu.memory_space<hbm>>) target(%dma_start3A_175 : memref<640x32xf32, #tpu.memory_space<vmem_shared>>) target_semaphore(%run_scoped3A : memref<!tpu.dma_semaphore, #tpu.memory_space<semaphore_mem>>)
        %dma_wait3A_178 = arith.constant 0 : i32
        %dma_wait3A_179 = tpu.memref_slice %arg8[%mul3A_173, %dma_wait3A_178] : memref<10240x32xf32, #tpu.memory_space<vmem_shared>> -> memref<640x32xf32, #tpu.memory_space<vmem_shared>>
        %dma_wait3A_180 = arith.constant 0 : i32
        %dma_wait3A_181 = tpu.memref_slice %arg2[%mul3A_171, %dma_wait3A_180] : memref<10240x32xf32, #tpu.memory_space<hbm>> -> memref<640x32xf32, #tpu.memory_space<hbm>>
        tpu.wait_dma2 semaphore(%run_scoped3A : memref<!tpu.dma_semaphore, #tpu.memory_space<semaphore_mem>>) src(%dma_wait3A_181 : memref<640x32xf32, #tpu.memory_space<hbm>>) dst(%dma_wait3A_179 : memref<640x32xf32, #tpu.memory_space<vmem_shared>>)
        tpu.yield
      }) : () -> ()
    } else {
    }
    %eq3A_2 = arith.constant 1 : i32
    %eq3A_3 = arith.cmpi eq, %arg0, %eq3A_2 : i32
    %convert_element_type3A_4 = arith.extui %eq3A_3 : i1 to i32
    %cond3A_5 = arith.constant 0 : i32
    %cond3A_6 = arith.cmpi ne, %convert_element_type3A_4, %cond3A_5 : i32
    scf.if %cond3A_6 {
      %mul3A_170 = arith.constant 640 : i32
      %mul3A_171 = arith.muli %arg1, %mul3A_170 : i32
      %mul3A_172 = arith.constant 640 : i32
      %mul3A_173 = arith.muli %arg1, %mul3A_172 : i32
      "tpu.region"() ({
        %run_scoped3A = tpu.sem_alloc : memref<!tpu.dma_semaphore, #tpu.memory_space<semaphore_mem>>
        %dma_start3A_174 = arith.constant 0 : i32
        %dma_start3A_175 = tpu.memref_slice %arg8[%mul3A_173, %dma_start3A_174] : memref<10240x32xf32, #tpu.memory_space<vmem_shared>> -> memref<640x32xf32, #tpu.memory_space<vmem_shared>>
        %dma_start3A_176 = arith.constant 0 : i32
        %dma_start3A_177 = tpu.memref_slice %arg3[%mul3A_171, %dma_start3A_176] : memref<10240x32xf32, #tpu.memory_space<hbm>> -> memref<640x32xf32, #tpu.memory_space<hbm>>
        tpu.enqueue_dma source(%dma_start3A_177 : memref<640x32xf32, #tpu.memory_space<hbm>>) target(%dma_start3A_175 : memref<640x32xf32, #tpu.memory_space<vmem_shared>>) target_semaphore(%run_scoped3A : memref<!tpu.dma_semaphore, #tpu.memory_space<semaphore_mem>>)
        %dma_wait3A_178 = arith.constant 0 : i32
        %dma_wait3A_179 = tpu.memref_slice %arg8[%mul3A_173, %dma_wait3A_178] : memref<10240x32xf32, #tpu.memory_space<vmem_shared>> -> memref<640x32xf32, #tpu.memory_space<vmem_shared>>
        %dma_wait3A_180 = arith.constant 0 : i32
        %dma_wait3A_181 = tpu.memref_slice %arg3[%mul3A_171, %dma_wait3A_180] : memref<10240x32xf32, #tpu.memory_space<hbm>> -> memref<640x32xf32, #tpu.memory_space<hbm>>
        tpu.wait_dma2 semaphore(%run_scoped3A : memref<!tpu.dma_semaphore, #tpu.memory_space<semaphore_mem>>) src(%dma_wait3A_181 : memref<640x32xf32, #tpu.memory_space<hbm>>) dst(%dma_wait3A_179 : memref<640x32xf32, #tpu.memory_space<vmem_shared>>)
        tpu.yield
      }) : () -> ()
    } else {
    }
    %mul3A = arith.constant 640 : i32
    %mul3A_7 = arith.muli %arg1, %mul3A : i32
    %add3A = arith.constant 0 : i32
    %add3A_8 = arith.addi %mul3A_7, %add3A : i32
    "tpu.region"() ({
      %run_scoped3A = tpu.sem_alloc : memref<!tpu.dma_semaphore, #tpu.memory_space<semaphore_mem>>
      %dma_start3A_170 = arith.constant 0 : i32
      %dma_start3A_171 = tpu.memref_slice %arg9[%add3A_8, %dma_start3A_170] : memref<10240x32xf32, #tpu.memory_space<vmem_shared>> -> memref<128x32xf32, #tpu.memory_space<vmem_shared>>
      %dma_start3A_172 = arith.constant 0 : i32
      %dma_start3A_173 = tpu.memref_slice %arg9[%add3A_8, %dma_start3A_172] : memref<10240x32xf32, #tpu.memory_space<vmem_shared>> -> memref<128x32xf32, #tpu.memory_space<vmem_shared>>
      tpu.enqueue_dma source(%arg13 : memref<128x32xf32, #tpu.memory_space<vmem>>) target(%dma_start3A_173 : memref<128x32xf32, #tpu.memory_space<vmem_shared>>) target_semaphore(%run_scoped3A : memref<!tpu.dma_semaphore, #tpu.memory_space<semaphore_mem>>)
      %dma_wait3A_174 = arith.constant 0 : i32
      %dma_wait3A_175 = tpu.memref_slice %arg9[%add3A_8, %dma_wait3A_174] : memref<10240x32xf32, #tpu.memory_space<vmem_shared>> -> memref<128x32xf32, #tpu.memory_space<vmem_shared>>
      %dma_wait3A_176 = arith.constant 0 : i32
      %dma_wait3A_177 = tpu.memref_slice %arg9[%add3A_8, %dma_wait3A_176] : memref<10240x32xf32, #tpu.memory_space<vmem_shared>> -> memref<128x32xf32, #tpu.memory_space<vmem_shared>>
      tpu.wait_dma2 semaphore(%run_scoped3A : memref<!tpu.dma_semaphore, #tpu.memory_space<semaphore_mem>>) src(%arg13 : memref<128x32xf32, #tpu.memory_space<vmem>>) dst(%dma_wait3A_177 : memref<128x32xf32, #tpu.memory_space<vmem_shared>>)
      tpu.yield
    }) : () -> ()
    %mul3A_9 = arith.constant 640 : i32
    %mul3A_10 = arith.muli %arg1, %mul3A_9 : i32
    %add3A_11 = arith.constant 128 : i32
    %add3A_12 = arith.addi %mul3A_10, %add3A_11 : i32
    "tpu.region"() ({
      %run_scoped3A = tpu.sem_alloc : memref<!tpu.dma_semaphore, #tpu.memory_space<semaphore_mem>>
      %dma_start3A_170 = arith.constant 0 : i32
      %dma_start3A_171 = tpu.memref_slice %arg9[%add3A_12, %dma_start3A_170] : memref<10240x32xf32, #tpu.memory_space<vmem_shared>> -> memref<128x32xf32, #tpu.memory_space<vmem_shared>>
      %dma_start3A_172 = arith.constant 0 : i32
      %dma_start3A_173 = tpu.memref_slice %arg9[%add3A_12, %dma_start3A_172] : memref<10240x32xf32, #tpu.memory_space<vmem_shared>> -> memref<128x32xf32, #tpu.memory_space<vmem_shared>>
      tpu.enqueue_dma source(%arg13 : memref<128x32xf32, #tpu.memory_space<vmem>>) target(%dma_start3A_173 : memref<128x32xf32, #tpu.memory_space<vmem_shared>>) target_semaphore(%run_scoped3A : memref<!tpu.dma_semaphore, #tpu.memory_space<semaphore_mem>>)
      %dma_wait3A_174 = arith.constant 0 : i32
      %dma_wait3A_175 = tpu.memref_slice %arg9[%add3A_12, %dma_wait3A_174] : memref<10240x32xf32, #tpu.memory_space<vmem_shared>> -> memref<128x32xf32, #tpu.memory_space<vmem_shared>>
      %dma_wait3A_176 = arith.constant 0 : i32
      %dma_wait3A_177 = tpu.memref_slice %arg9[%add3A_12, %dma_wait3A_176] : memref<10240x32xf32, #tpu.memory_space<vmem_shared>> -> memref<128x32xf32, #tpu.memory_space<vmem_shared>>
      tpu.wait_dma2 semaphore(%run_scoped3A : memref<!tpu.dma_semaphore, #tpu.memory_space<semaphore_mem>>) src(%arg13 : memref<128x32xf32, #tpu.memory_space<vmem>>) dst(%dma_wait3A_177 : memref<128x32xf32, #tpu.memory_space<vmem_shared>>)
      tpu.yield
    }) : () -> ()
    %mul3A_13 = arith.constant 640 : i32
    %mul3A_14 = arith.muli %arg1, %mul3A_13 : i32
    %add3A_15 = arith.constant 256 : i32
    %add3A_16 = arith.addi %mul3A_14, %add3A_15 : i32
    "tpu.region"() ({
      %run_scoped3A = tpu.sem_alloc : memref<!tpu.dma_semaphore, #tpu.memory_space<semaphore_mem>>
      %dma_start3A_170 = arith.constant 0 : i32
      %dma_start3A_171 = tpu.memref_slice %arg9[%add3A_16, %dma_start3A_170] : memref<10240x32xf32, #tpu.memory_space<vmem_shared>> -> memref<128x32xf32, #tpu.memory_space<vmem_shared>>
      %dma_start3A_172 = arith.constant 0 : i32
      %dma_start3A_173 = tpu.memref_slice %arg9[%add3A_16, %dma_start3A_172] : memref<10240x32xf32, #tpu.memory_space<vmem_shared>> -> memref<128x32xf32, #tpu.memory_space<vmem_shared>>
      tpu.enqueue_dma source(%arg13 : memref<128x32xf32, #tpu.memory_space<vmem>>) target(%dma_start3A_173 : memref<128x32xf32, #tpu.memory_space<vmem_shared>>) target_semaphore(%run_scoped3A : memref<!tpu.dma_semaphore, #tpu.memory_space<semaphore_mem>>)
      %dma_wait3A_174 = arith.constant 0 : i32
      %dma_wait3A_175 = tpu.memref_slice %arg9[%add3A_16, %dma_wait3A_174] : memref<10240x32xf32, #tpu.memory_space<vmem_shared>> -> memref<128x32xf32, #tpu.memory_space<vmem_shared>>
      %dma_wait3A_176 = arith.constant 0 : i32
      %dma_wait3A_177 = tpu.memref_slice %arg9[%add3A_16, %dma_wait3A_176] : memref<10240x32xf32, #tpu.memory_space<vmem_shared>> -> memref<128x32xf32, #tpu.memory_space<vmem_shared>>
      tpu.wait_dma2 semaphore(%run_scoped3A : memref<!tpu.dma_semaphore, #tpu.memory_space<semaphore_mem>>) src(%arg13 : memref<128x32xf32, #tpu.memory_space<vmem>>) dst(%dma_wait3A_177 : memref<128x32xf32, #tpu.memory_space<vmem_shared>>)
      tpu.yield
    }) : () -> ()
    %mul3A_17 = arith.constant 640 : i32
    %mul3A_18 = arith.muli %arg1, %mul3A_17 : i32
    %add3A_19 = arith.constant 384 : i32
    %add3A_20 = arith.addi %mul3A_18, %add3A_19 : i32
    "tpu.region"() ({
      %run_scoped3A = tpu.sem_alloc : memref<!tpu.dma_semaphore, #tpu.memory_space<semaphore_mem>>
      %dma_start3A_170 = arith.constant 0 : i32
      %dma_start3A_171 = tpu.memref_slice %arg9[%add3A_20, %dma_start3A_170] : memref<10240x32xf32, #tpu.memory_space<vmem_shared>> -> memref<128x32xf32, #tpu.memory_space<vmem_shared>>
      %dma_start3A_172 = arith.constant 0 : i32
      %dma_start3A_173 = tpu.memref_slice %arg9[%add3A_20, %dma_start3A_172] : memref<10240x32xf32, #tpu.memory_space<vmem_shared>> -> memref<128x32xf32, #tpu.memory_space<vmem_shared>>
      tpu.enqueue_dma source(%arg13 : memref<128x32xf32, #tpu.memory_space<vmem>>) target(%dma_start3A_173 : memref<128x32xf32, #tpu.memory_space<vmem_shared>>) target_semaphore(%run_scoped3A : memref<!tpu.dma_semaphore, #tpu.memory_space<semaphore_mem>>)
      %dma_wait3A_174 = arith.constant 0 : i32
      %dma_wait3A_175 = tpu.memref_slice %arg9[%add3A_20, %dma_wait3A_174] : memref<10240x32xf32, #tpu.memory_space<vmem_shared>> -> memref<128x32xf32, #tpu.memory_space<vmem_shared>>
      %dma_wait3A_176 = arith.constant 0 : i32
      %dma_wait3A_177 = tpu.memref_slice %arg9[%add3A_20, %dma_wait3A_176] : memref<10240x32xf32, #tpu.memory_space<vmem_shared>> -> memref<128x32xf32, #tpu.memory_space<vmem_shared>>
      tpu.wait_dma2 semaphore(%run_scoped3A : memref<!tpu.dma_semaphore, #tpu.memory_space<semaphore_mem>>) src(%arg13 : memref<128x32xf32, #tpu.memory_space<vmem>>) dst(%dma_wait3A_177 : memref<128x32xf32, #tpu.memory_space<vmem_shared>>)
      tpu.yield
    }) : () -> ()
    %mul3A_21 = arith.constant 640 : i32
    %mul3A_22 = arith.muli %arg1, %mul3A_21 : i32
    %add3A_23 = arith.constant 512 : i32
    %add3A_24 = arith.addi %mul3A_22, %add3A_23 : i32
    "tpu.region"() ({
      %run_scoped3A = tpu.sem_alloc : memref<!tpu.dma_semaphore, #tpu.memory_space<semaphore_mem>>
      %dma_start3A_170 = arith.constant 0 : i32
      %dma_start3A_171 = tpu.memref_slice %arg9[%add3A_24, %dma_start3A_170] : memref<10240x32xf32, #tpu.memory_space<vmem_shared>> -> memref<128x32xf32, #tpu.memory_space<vmem_shared>>
      %dma_start3A_172 = arith.constant 0 : i32
      %dma_start3A_173 = tpu.memref_slice %arg9[%add3A_24, %dma_start3A_172] : memref<10240x32xf32, #tpu.memory_space<vmem_shared>> -> memref<128x32xf32, #tpu.memory_space<vmem_shared>>
      tpu.enqueue_dma source(%arg13 : memref<128x32xf32, #tpu.memory_space<vmem>>) target(%dma_start3A_173 : memref<128x32xf32, #tpu.memory_space<vmem_shared>>) target_semaphore(%run_scoped3A : memref<!tpu.dma_semaphore, #tpu.memory_space<semaphore_mem>>)
      %dma_wait3A_174 = arith.constant 0 : i32
      %dma_wait3A_175 = tpu.memref_slice %arg9[%add3A_24, %dma_wait3A_174] : memref<10240x32xf32, #tpu.memory_space<vmem_shared>> -> memref<128x32xf32, #tpu.memory_space<vmem_shared>>
      %dma_wait3A_176 = arith.constant 0 : i32
      %dma_wait3A_177 = tpu.memref_slice %arg9[%add3A_24, %dma_wait3A_176] : memref<10240x32xf32, #tpu.memory_space<vmem_shared>> -> memref<128x32xf32, #tpu.memory_space<vmem_shared>>
      tpu.wait_dma2 semaphore(%run_scoped3A : memref<!tpu.dma_semaphore, #tpu.memory_space<semaphore_mem>>) src(%arg13 : memref<128x32xf32, #tpu.memory_space<vmem>>) dst(%dma_wait3A_177 : memref<128x32xf32, #tpu.memory_space<vmem_shared>>)
      tpu.yield
    }) : () -> ()
    %barrier3A = arith.constant 0 : index
    tpu.barrier barrier_id(%barrier3A)
    %dma_start3A = arith.constant 0 : i32
    %dma_start3A_25 = arith.constant 0 : i32
    %dma_start3A_26 = tpu.memref_slice %arg10[%dma_start3A, %dma_start3A_25] : memref<160x128xi32, #tpu.memory_space<vmem>> -> memref<1x128xi32, #tpu.memory_space<vmem>>
    %dma_start3A_27 = tpu.memref_squeeze %dma_start3A_26 : memref<1x128xi32, #tpu.memory_space<vmem>> -> memref<128xi32, #tpu.memory_space<vmem>>
    %dma_start3A_28 = arith.constant 0 : i32
    %dma_start3A_29 = arith.constant 0 : i32
    %dma_start3A_30 = tpu.memref_slice %arg8[%dma_start3A_28, %dma_start3A_29] : memref<10240x32xf32, #tpu.memory_space<vmem_shared>> -> memref<10240x32xf32, #tpu.memory_space<vmem_shared>>
    tpu.enqueue_indirect_dma source(%dma_start3A_30 : memref<10240x32xf32, #tpu.memory_space<vmem_shared>>) target(%arg13 : memref<128x32xf32, #tpu.memory_space<vmem>>) offsets(%dma_start3A_27 : memref<128xi32, #tpu.memory_space<vmem>>) semaphore(%arg15 : memref<!tpu.dma_semaphore, #tpu.memory_space<semaphore_mem>>)
    %dma_start3A_31 = arith.constant 0 : i32
    %dma_start3A_32 = arith.constant 0 : i32
    %dma_start3A_33 = arith.constant 0 : i32
    %dma_start3A_34 = tpu.memref_slice %arg5[%arg1, %dma_start3A_32, %dma_start3A_33] : memref<16x160x128xi32, #tpu.memory_space<hbm>> -> memref<1x160x128xi32, #tpu.memory_space<hbm>>
    %dma_start3A_35 = tpu.memref_squeeze %dma_start3A_34 : memref<1x160x128xi32, #tpu.memory_space<hbm>> -> memref<160x128xi32, #tpu.memory_space<hbm>>
    %dma_start3A_36 = arith.constant 0 : i32
    %dma_start3A_37 = tpu.memref_slice %dma_start3A_35[%dma_start3A_31, %dma_start3A_36] : memref<160x128xi32, #tpu.memory_space<hbm>> -> memref<1x128xi32, #tpu.memory_space<hbm>>
    %dma_start3A_38 = tpu.memref_squeeze %dma_start3A_37 : memref<1x128xi32, #tpu.memory_space<hbm>> -> memref<128xi32, #tpu.memory_space<hbm>>
    %dma_start3A_39 = arith.constant 0 : i32
    %dma_start3A_40 = arith.constant 0 : i32
    %dma_start3A_41 = tpu.memref_slice %arg5[%arg1, %dma_start3A_39, %dma_start3A_40] : memref<16x160x128xi32, #tpu.memory_space<hbm>> -> memref<1x160x128xi32, #tpu.memory_space<hbm>>
    %dma_start3A_42 = tpu.memref_squeeze %dma_start3A_41 : memref<1x160x128xi32, #tpu.memory_space<hbm>> -> memref<160x128xi32, #tpu.memory_space<hbm>>
    %dma_start3A_43 = arith.constant 0 : i32
    %dma_start3A_44 = tpu.memref_slice %dma_start3A_42[%dma_start3A_31, %dma_start3A_43] : memref<160x128xi32, #tpu.memory_space<hbm>> -> memref<1x128xi32, #tpu.memory_space<hbm>>
    %dma_start3A_45 = tpu.memref_squeeze %dma_start3A_44 : memref<1x128xi32, #tpu.memory_space<hbm>> -> memref<128xi32, #tpu.memory_space<hbm>>
    tpu.enqueue_dma source(%dma_start3A_45 : memref<128xi32, #tpu.memory_space<hbm>>) target(%arg11 : memref<128xi32, #tpu.memory_space<vmem>>) target_semaphore(%arg17 : memref<!tpu.dma_semaphore, #tpu.memory_space<semaphore_mem>>)
    %dma_start3A_46 = arith.constant 1 : i32
    %dma_start3A_47 = arith.constant 0 : i32
    %dma_start3A_48 = tpu.memref_slice %arg10[%dma_start3A_46, %dma_start3A_47] : memref<160x128xi32, #tpu.memory_space<vmem>> -> memref<1x128xi32, #tpu.memory_space<vmem>>
    %dma_start3A_49 = tpu.memref_squeeze %dma_start3A_48 : memref<1x128xi32, #tpu.memory_space<vmem>> -> memref<128xi32, #tpu.memory_space<vmem>>
    %dma_start3A_50 = arith.constant 0 : i32
    %dma_start3A_51 = arith.constant 0 : i32
    %dma_start3A_52 = tpu.memref_slice %arg8[%dma_start3A_50, %dma_start3A_51] : memref<10240x32xf32, #tpu.memory_space<vmem_shared>> -> memref<10240x32xf32, #tpu.memory_space<vmem_shared>>
    tpu.enqueue_indirect_dma source(%dma_start3A_52 : memref<10240x32xf32, #tpu.memory_space<vmem_shared>>) target(%arg14 : memref<128x32xf32, #tpu.memory_space<vmem>>) offsets(%dma_start3A_49 : memref<128xi32, #tpu.memory_space<vmem>>) semaphore(%arg16 : memref<!tpu.dma_semaphore, #tpu.memory_space<semaphore_mem>>)
    %dma_start3A_53 = arith.constant 1 : i32
    %dma_start3A_54 = arith.constant 0 : i32
    %dma_start3A_55 = arith.constant 0 : i32
    %dma_start3A_56 = tpu.memref_slice %arg5[%arg1, %dma_start3A_54, %dma_start3A_55] : memref<16x160x128xi32, #tpu.memory_space<hbm>> -> memref<1x160x128xi32, #tpu.memory_space<hbm>>
    %dma_start3A_57 = tpu.memref_squeeze %dma_start3A_56 : memref<1x160x128xi32, #tpu.memory_space<hbm>> -> memref<160x128xi32, #tpu.memory_space<hbm>>
    %dma_start3A_58 = arith.constant 0 : i32
    %dma_start3A_59 = tpu.memref_slice %dma_start3A_57[%dma_start3A_53, %dma_start3A_58] : memref<160x128xi32, #tpu.memory_space<hbm>> -> memref<1x128xi32, #tpu.memory_space<hbm>>
    %dma_start3A_60 = tpu.memref_squeeze %dma_start3A_59 : memref<1x128xi32, #tpu.memory_space<hbm>> -> memref<128xi32, #tpu.memory_space<hbm>>
    %dma_start3A_61 = arith.constant 0 : i32
    %dma_start3A_62 = arith.constant 0 : i32
    %dma_start3A_63 = tpu.memref_slice %arg5[%arg1, %dma_start3A_61, %dma_start3A_62] : memref<16x160x128xi32, #tpu.memory_space<hbm>> -> memref<1x160x128xi32, #tpu.memory_space<hbm>>
    %dma_start3A_64 = tpu.memref_squeeze %dma_start3A_63 : memref<1x160x128xi32, #tpu.memory_space<hbm>> -> memref<160x128xi32, #tpu.memory_space<hbm>>
    %dma_start3A_65 = arith.constant 0 : i32
    %dma_start3A_66 = tpu.memref_slice %dma_start3A_64[%dma_start3A_53, %dma_start3A_65] : memref<160x128xi32, #tpu.memory_space<hbm>> -> memref<1x128xi32, #tpu.memory_space<hbm>>
    %dma_start3A_67 = tpu.memref_squeeze %dma_start3A_66 : memref<1x128xi32, #tpu.memory_space<hbm>> -> memref<128xi32, #tpu.memory_space<hbm>>
    tpu.enqueue_dma source(%dma_start3A_67 : memref<128xi32, #tpu.memory_space<hbm>>) target(%arg12 : memref<128xi32, #tpu.memory_space<vmem>>) target_semaphore(%arg18 : memref<!tpu.dma_semaphore, #tpu.memory_space<semaphore_mem>>)
    %scan3A = arith.constant 0 : i32
    %scan3A_68 = arith.constant 1 : i32
    %scan3A_69 = arith.constant 79 : i32
    %scan3A_70 = arith.addi %scan3A_68, %scan3A_69 : i32
    %scan3A_71 = arith.constant 1 : i32
    scf.for %scan3A_170 = %scan3A_68 to %scan3A_70 step %scan3A_71  : i32 {
      %mul3A_171 = arith.constant 2 : i32
      %mul3A_172 = arith.muli %mul3A_171, %scan3A_170 : i32
      %dma_wait3A_173 = arith.constant 0 : i32
      %dma_wait3A_174 = arith.constant 0 : i32
      %dma_wait3A_175 = tpu.memref_slice %arg8[%dma_wait3A_173, %dma_wait3A_174] : memref<10240x32xf32, #tpu.memory_space<vmem_shared>> -> memref<128x32xf32, #tpu.memory_space<vmem_shared>>
      %dma_wait3A_176 = arith.constant 0 : i32
      %dma_wait3A_177 = arith.constant 0 : i32
      %dma_wait3A_178 = tpu.memref_slice %arg8[%dma_wait3A_176, %dma_wait3A_177] : memref<10240x32xf32, #tpu.memory_space<vmem_shared>> -> memref<128x32xf32, #tpu.memory_space<vmem_shared>>
      tpu.wait_dma2 semaphore(%arg15 : memref<!tpu.dma_semaphore, #tpu.memory_space<semaphore_mem>>) src(%dma_wait3A_178 : memref<128x32xf32, #tpu.memory_space<vmem_shared>>) dst(%arg13 : memref<128x32xf32, #tpu.memory_space<vmem>>)
      %dma_wait3A_179 = arith.constant 0 : i32
      %dma_wait3A_180 = arith.constant 0 : i32
      %dma_wait3A_181 = arith.constant 0 : i32
      %dma_wait3A_182 = tpu.memref_slice %arg5[%arg1, %dma_wait3A_180, %dma_wait3A_181] : memref<16x160x128xi32, #tpu.memory_space<hbm>> -> memref<1x160x128xi32, #tpu.memory_space<hbm>>
      %dma_wait3A_183 = tpu.memref_squeeze %dma_wait3A_182 : memref<1x160x128xi32, #tpu.memory_space<hbm>> -> memref<160x128xi32, #tpu.memory_space<hbm>>
      %dma_wait3A_184 = arith.constant 0 : i32
      %dma_wait3A_185 = tpu.memref_slice %dma_wait3A_183[%dma_wait3A_179, %dma_wait3A_184] : memref<160x128xi32, #tpu.memory_space<hbm>> -> memref<1x128xi32, #tpu.memory_space<hbm>>
      %dma_wait3A_186 = tpu.memref_squeeze %dma_wait3A_185 : memref<1x128xi32, #tpu.memory_space<hbm>> -> memref<128xi32, #tpu.memory_space<hbm>>
      %dma_wait3A_187 = arith.constant 0 : i32
      %dma_wait3A_188 = arith.constant 0 : i32
      %dma_wait3A_189 = tpu.memref_slice %arg5[%arg1, %dma_wait3A_187, %dma_wait3A_188] : memref<16x160x128xi32, #tpu.memory_space<hbm>> -> memref<1x160x128xi32, #tpu.memory_space<hbm>>
      %dma_wait3A_190 = tpu.memref_squeeze %dma_wait3A_189 : memref<1x160x128xi32, #tpu.memory_space<hbm>> -> memref<160x128xi32, #tpu.memory_space<hbm>>
      %dma_wait3A_191 = arith.constant 0 : i32
      %dma_wait3A_192 = tpu.memref_slice %dma_wait3A_190[%dma_wait3A_179, %dma_wait3A_191] : memref<160x128xi32, #tpu.memory_space<hbm>> -> memref<1x128xi32, #tpu.memory_space<hbm>>
      %dma_wait3A_193 = tpu.memref_squeeze %dma_wait3A_192 : memref<1x128xi32, #tpu.memory_space<hbm>> -> memref<128xi32, #tpu.memory_space<hbm>>
      tpu.wait_dma2 semaphore(%arg17 : memref<!tpu.dma_semaphore, #tpu.memory_space<semaphore_mem>>) src(%dma_wait3A_193 : memref<128xi32, #tpu.memory_space<hbm>>) dst(%arg11 : memref<128xi32, #tpu.memory_space<vmem>>)
      "tpu.region"() ({
        %run_scoped3A = tpu.sem_alloc : memref<!tpu.dma_semaphore, #tpu.memory_space<semaphore_mem>>
        %dma_start3A_257 = arith.constant 0 : i32
        %dma_start3A_258 = arith.constant 0 : i32
        %dma_start3A_259 = tpu.memref_slice %arg9[%dma_start3A_257, %dma_start3A_258] : memref<10240x32xf32, #tpu.memory_space<vmem_shared>> -> memref<10240x32xf32, #tpu.memory_space<vmem_shared>>
        tpu.enqueue_indirect_dma source(%arg13 : memref<128x32xf32, #tpu.memory_space<vmem>>) target(%dma_start3A_259 : memref<10240x32xf32, #tpu.memory_space<vmem_shared>>) offsets(%arg11 : memref<128xi32, #tpu.memory_space<vmem>>) semaphore(%run_scoped3A : memref<!tpu.dma_semaphore, #tpu.memory_space<semaphore_mem>>) {add = true}
        %dma_wait3A_260 = arith.constant 0 : i32
        %dma_wait3A_261 = arith.constant 0 : i32
        %dma_wait3A_262 = tpu.memref_slice %arg9[%dma_wait3A_260, %dma_wait3A_261] : memref<10240x32xf32, #tpu.memory_space<vmem_shared>> -> memref<10240x32xf32, #tpu.memory_space<vmem_shared>>
        tpu.wait_indirect_dma semaphore(%run_scoped3A : memref<!tpu.dma_semaphore, #tpu.memory_space<semaphore_mem>>) src(%arg13 : memref<128x32xf32, #tpu.memory_space<vmem>>) dst(%dma_wait3A_262 : memref<10240x32xf32, #tpu.memory_space<vmem_shared>>)
        tpu.yield
      }) : () -> ()
      %dma_start3A_194 = arith.constant 0 : i32
      %dma_start3A_195 = tpu.memref_slice %arg10[%mul3A_172, %dma_start3A_194] : memref<160x128xi32, #tpu.memory_space<vmem>> -> memref<1x128xi32, #tpu.memory_space<vmem>>
      %dma_start3A_196 = tpu.memref_squeeze %dma_start3A_195 : memref<1x128xi32, #tpu.memory_space<vmem>> -> memref<128xi32, #tpu.memory_space<vmem>>
      %dma_start3A_197 = arith.constant 0 : i32
      %dma_start3A_198 = arith.constant 0 : i32
      %dma_start3A_199 = tpu.memref_slice %arg8[%dma_start3A_197, %dma_start3A_198] : memref<10240x32xf32, #tpu.memory_space<vmem_shared>> -> memref<10240x32xf32, #tpu.memory_space<vmem_shared>>
      tpu.enqueue_indirect_dma source(%dma_start3A_199 : memref<10240x32xf32, #tpu.memory_space<vmem_shared>>) target(%arg13 : memref<128x32xf32, #tpu.memory_space<vmem>>) offsets(%dma_start3A_196 : memref<128xi32, #tpu.memory_space<vmem>>) semaphore(%arg15 : memref<!tpu.dma_semaphore, #tpu.memory_space<semaphore_mem>>)
      %dma_start3A_200 = arith.constant 0 : i32
      %dma_start3A_201 = arith.constant 0 : i32
      %dma_start3A_202 = tpu.memref_slice %arg5[%arg1, %dma_start3A_200, %dma_start3A_201] : memref<16x160x128xi32, #tpu.memory_space<hbm>> -> memref<1x160x128xi32, #tpu.memory_space<hbm>>
      %dma_start3A_203 = tpu.memref_squeeze %dma_start3A_202 : memref<1x160x128xi32, #tpu.memory_space<hbm>> -> memref<160x128xi32, #tpu.memory_space<hbm>>
      %dma_start3A_204 = arith.constant 0 : i32
      %dma_start3A_205 = tpu.memref_slice %dma_start3A_203[%mul3A_172, %dma_start3A_204] : memref<160x128xi32, #tpu.memory_space<hbm>> -> memref<1x128xi32, #tpu.memory_space<hbm>>
      %dma_start3A_206 = tpu.memref_squeeze %dma_start3A_205 : memref<1x128xi32, #tpu.memory_space<hbm>> -> memref<128xi32, #tpu.memory_space<hbm>>
      %dma_start3A_207 = arith.constant 0 : i32
      %dma_start3A_208 = arith.constant 0 : i32
      %dma_start3A_209 = tpu.memref_slice %arg5[%arg1, %dma_start3A_207, %dma_start3A_208] : memref<16x160x128xi32, #tpu.memory_space<hbm>> -> memref<1x160x128xi32, #tpu.memory_space<hbm>>
      %dma_start3A_210 = tpu.memref_squeeze %dma_start3A_209 : memref<1x160x128xi32, #tpu.memory_space<hbm>> -> memref<160x128xi32, #tpu.memory_space<hbm>>
      %dma_start3A_211 = arith.constant 0 : i32
      %dma_start3A_212 = tpu.memref_slice %dma_start3A_210[%mul3A_172, %dma_start3A_211] : memref<160x128xi32, #tpu.memory_space<hbm>> -> memref<1x128xi32, #tpu.memory_space<hbm>>
      %dma_start3A_213 = tpu.memref_squeeze %dma_start3A_212 : memref<1x128xi32, #tpu.memory_space<hbm>> -> memref<128xi32, #tpu.memory_space<hbm>>
      tpu.enqueue_dma source(%dma_start3A_213 : memref<128xi32, #tpu.memory_space<hbm>>) target(%arg11 : memref<128xi32, #tpu.memory_space<vmem>>) target_semaphore(%arg17 : memref<!tpu.dma_semaphore, #tpu.memory_space<semaphore_mem>>)
      %dma_wait3A_214 = arith.constant 0 : i32
      %dma_wait3A_215 = arith.constant 0 : i32
      %dma_wait3A_216 = tpu.memref_slice %arg8[%dma_wait3A_214, %dma_wait3A_215] : memref<10240x32xf32, #tpu.memory_space<vmem_shared>> -> memref<128x32xf32, #tpu.memory_space<vmem_shared>>
      %dma_wait3A_217 = arith.constant 0 : i32
      %dma_wait3A_218 = arith.constant 0 : i32
      %dma_wait3A_219 = tpu.memref_slice %arg8[%dma_wait3A_217, %dma_wait3A_218] : memref<10240x32xf32, #tpu.memory_space<vmem_shared>> -> memref<128x32xf32, #tpu.memory_space<vmem_shared>>
      tpu.wait_dma2 semaphore(%arg16 : memref<!tpu.dma_semaphore, #tpu.memory_space<semaphore_mem>>) src(%dma_wait3A_219 : memref<128x32xf32, #tpu.memory_space<vmem_shared>>) dst(%arg14 : memref<128x32xf32, #tpu.memory_space<vmem>>)
      %dma_wait3A_220 = arith.constant 0 : i32
      %dma_wait3A_221 = arith.constant 0 : i32
      %dma_wait3A_222 = arith.constant 0 : i32
      %dma_wait3A_223 = tpu.memref_slice %arg5[%arg1, %dma_wait3A_221, %dma_wait3A_222] : memref<16x160x128xi32, #tpu.memory_space<hbm>> -> memref<1x160x128xi32, #tpu.memory_space<hbm>>
      %dma_wait3A_224 = tpu.memref_squeeze %dma_wait3A_223 : memref<1x160x128xi32, #tpu.memory_space<hbm>> -> memref<160x128xi32, #tpu.memory_space<hbm>>
      %dma_wait3A_225 = arith.constant 0 : i32
      %dma_wait3A_226 = tpu.memref_slice %dma_wait3A_224[%dma_wait3A_220, %dma_wait3A_225] : memref<160x128xi32, #tpu.memory_space<hbm>> -> memref<1x128xi32, #tpu.memory_space<hbm>>
      %dma_wait3A_227 = tpu.memref_squeeze %dma_wait3A_226 : memref<1x128xi32, #tpu.memory_space<hbm>> -> memref<128xi32, #tpu.memory_space<hbm>>
      %dma_wait3A_228 = arith.constant 0 : i32
      %dma_wait3A_229 = arith.constant 0 : i32
      %dma_wait3A_230 = tpu.memref_slice %arg5[%arg1, %dma_wait3A_228, %dma_wait3A_229] : memref<16x160x128xi32, #tpu.memory_space<hbm>> -> memref<1x160x128xi32, #tpu.memory_space<hbm>>
      %dma_wait3A_231 = tpu.memref_squeeze %dma_wait3A_230 : memref<1x160x128xi32, #tpu.memory_space<hbm>> -> memref<160x128xi32, #tpu.memory_space<hbm>>
      %dma_wait3A_232 = arith.constant 0 : i32
      %dma_wait3A_233 = tpu.memref_slice %dma_wait3A_231[%dma_wait3A_220, %dma_wait3A_232] : memref<160x128xi32, #tpu.memory_space<hbm>> -> memref<1x128xi32, #tpu.memory_space<hbm>>
      %dma_wait3A_234 = tpu.memref_squeeze %dma_wait3A_233 : memref<1x128xi32, #tpu.memory_space<hbm>> -> memref<128xi32, #tpu.memory_space<hbm>>
      tpu.wait_dma2 semaphore(%arg18 : memref<!tpu.dma_semaphore, #tpu.memory_space<semaphore_mem>>) src(%dma_wait3A_234 : memref<128xi32, #tpu.memory_space<hbm>>) dst(%arg12 : memref<128xi32, #tpu.memory_space<vmem>>)
      "tpu.region"() ({
        %run_scoped3A = tpu.sem_alloc : memref<!tpu.dma_semaphore, #tpu.memory_space<semaphore_mem>>
        %dma_start3A_257 = arith.constant 0 : i32
        %dma_start3A_258 = arith.constant 0 : i32
        %dma_start3A_259 = tpu.memref_slice %arg9[%dma_start3A_257, %dma_start3A_258] : memref<10240x32xf32, #tpu.memory_space<vmem_shared>> -> memref<10240x32xf32, #tpu.memory_space<vmem_shared>>
        tpu.enqueue_indirect_dma source(%arg14 : memref<128x32xf32, #tpu.memory_space<vmem>>) target(%dma_start3A_259 : memref<10240x32xf32, #tpu.memory_space<vmem_shared>>) offsets(%arg12 : memref<128xi32, #tpu.memory_space<vmem>>) semaphore(%run_scoped3A : memref<!tpu.dma_semaphore, #tpu.memory_space<semaphore_mem>>) {add = true}
        %dma_wait3A_260 = arith.constant 0 : i32
        %dma_wait3A_261 = arith.constant 0 : i32
        %dma_wait3A_262 = tpu.memref_slice %arg9[%dma_wait3A_260, %dma_wait3A_261] : memref<10240x32xf32, #tpu.memory_space<vmem_shared>> -> memref<10240x32xf32, #tpu.memory_space<vmem_shared>>
        tpu.wait_indirect_dma semaphore(%run_scoped3A : memref<!tpu.dma_semaphore, #tpu.memory_space<semaphore_mem>>) src(%arg14 : memref<128x32xf32, #tpu.memory_space<vmem>>) dst(%dma_wait3A_262 : memref<10240x32xf32, #tpu.memory_space<vmem_shared>>)
        tpu.yield
      }) : () -> ()
      %add3A_235 = arith.constant 1 : i32
      %add3A_236 = arith.addi %mul3A_172, %add3A_235 : i32
      %dma_start3A_237 = arith.constant 0 : i32
      %dma_start3A_238 = tpu.memref_slice %arg10[%add3A_236, %dma_start3A_237] : memref<160x128xi32, #tpu.memory_space<vmem>> -> memref<1x128xi32, #tpu.memory_space<vmem>>
      %dma_start3A_239 = tpu.memref_squeeze %dma_start3A_238 : memref<1x128xi32, #tpu.memory_space<vmem>> -> memref<128xi32, #tpu.memory_space<vmem>>
      %dma_start3A_240 = arith.constant 0 : i32
      %dma_start3A_241 = arith.constant 0 : i32
      %dma_start3A_242 = tpu.memref_slice %arg8[%dma_start3A_240, %dma_start3A_241] : memref<10240x32xf32, #tpu.memory_space<vmem_shared>> -> memref<10240x32xf32, #tpu.memory_space<vmem_shared>>
      tpu.enqueue_indirect_dma source(%dma_start3A_242 : memref<10240x32xf32, #tpu.memory_space<vmem_shared>>) target(%arg14 : memref<128x32xf32, #tpu.memory_space<vmem>>) offsets(%dma_start3A_239 : memref<128xi32, #tpu.memory_space<vmem>>) semaphore(%arg16 : memref<!tpu.dma_semaphore, #tpu.memory_space<semaphore_mem>>)
      %dma_start3A_243 = arith.constant 0 : i32
      %dma_start3A_244 = arith.constant 0 : i32
      %dma_start3A_245 = tpu.memref_slice %arg5[%arg1, %dma_start3A_243, %dma_start3A_244] : memref<16x160x128xi32, #tpu.memory_space<hbm>> -> memref<1x160x128xi32, #tpu.memory_space<hbm>>
      %dma_start3A_246 = tpu.memref_squeeze %dma_start3A_245 : memref<1x160x128xi32, #tpu.memory_space<hbm>> -> memref<160x128xi32, #tpu.memory_space<hbm>>
      %dma_start3A_247 = arith.constant 0 : i32
      %dma_start3A_248 = tpu.memref_slice %dma_start3A_246[%add3A_236, %dma_start3A_247] : memref<160x128xi32, #tpu.memory_space<hbm>> -> memref<1x128xi32, #tpu.memory_space<hbm>>
      %dma_start3A_249 = tpu.memref_squeeze %dma_start3A_248 : memref<1x128xi32, #tpu.memory_space<hbm>> -> memref<128xi32, #tpu.memory_space<hbm>>
      %dma_start3A_250 = arith.constant 0 : i32
      %dma_start3A_251 = arith.constant 0 : i32
      %dma_start3A_252 = tpu.memref_slice %arg5[%arg1, %dma_start3A_250, %dma_start3A_251] : memref<16x160x128xi32, #tpu.memory_space<hbm>> -> memref<1x160x128xi32, #tpu.memory_space<hbm>>
      %dma_start3A_253 = tpu.memref_squeeze %dma_start3A_252 : memref<1x160x128xi32, #tpu.memory_space<hbm>> -> memref<160x128xi32, #tpu.memory_space<hbm>>
      %dma_start3A_254 = arith.constant 0 : i32
      %dma_start3A_255 = tpu.memref_slice %dma_start3A_253[%add3A_236, %dma_start3A_254] : memref<160x128xi32, #tpu.memory_space<hbm>> -> memref<1x128xi32, #tpu.memory_space<hbm>>
      %dma_start3A_256 = tpu.memref_squeeze %dma_start3A_255 : memref<1x128xi32, #tpu.memory_space<hbm>> -> memref<128xi32, #tpu.memory_space<hbm>>
      tpu.enqueue_dma source(%dma_start3A_256 : memref<128xi32, #tpu.memory_space<hbm>>) target(%arg12 : memref<128xi32, #tpu.memory_space<vmem>>) target_semaphore(%arg18 : memref<!tpu.dma_semaphore, #tpu.memory_space<semaphore_mem>>)
    }
    %scan3A_72 = arith.constant 79 : i32
    %dma_wait3A = arith.constant 0 : i32
    %dma_wait3A_73 = arith.constant 0 : i32
    %dma_wait3A_74 = tpu.memref_slice %arg8[%dma_wait3A, %dma_wait3A_73] : memref<10240x32xf32, #tpu.memory_space<vmem_shared>> -> memref<128x32xf32, #tpu.memory_space<vmem_shared>>
    %dma_wait3A_75 = arith.constant 0 : i32
    %dma_wait3A_76 = arith.constant 0 : i32
    %dma_wait3A_77 = tpu.memref_slice %arg8[%dma_wait3A_75, %dma_wait3A_76] : memref<10240x32xf32, #tpu.memory_space<vmem_shared>> -> memref<128x32xf32, #tpu.memory_space<vmem_shared>>
    tpu.wait_dma2 semaphore(%arg15 : memref<!tpu.dma_semaphore, #tpu.memory_space<semaphore_mem>>) src(%dma_wait3A_77 : memref<128x32xf32, #tpu.memory_space<vmem_shared>>) dst(%arg13 : memref<128x32xf32, #tpu.memory_space<vmem>>)
    %dma_wait3A_78 = arith.constant 0 : i32
    %dma_wait3A_79 = arith.constant 0 : i32
    %dma_wait3A_80 = arith.constant 0 : i32
    %dma_wait3A_81 = tpu.memref_slice %arg5[%arg1, %dma_wait3A_79, %dma_wait3A_80] : memref<16x160x128xi32, #tpu.memory_space<hbm>> -> memref<1x160x128xi32, #tpu.memory_space<hbm>>
    %dma_wait3A_82 = tpu.memref_squeeze %dma_wait3A_81 : memref<1x160x128xi32, #tpu.memory_space<hbm>> -> memref<160x128xi32, #tpu.memory_space<hbm>>
    %dma_wait3A_83 = arith.constant 0 : i32
    %dma_wait3A_84 = tpu.memref_slice %dma_wait3A_82[%dma_wait3A_78, %dma_wait3A_83] : memref<160x128xi32, #tpu.memory_space<hbm>> -> memref<1x128xi32, #tpu.memory_space<hbm>>
    %dma_wait3A_85 = tpu.memref_squeeze %dma_wait3A_84 : memref<1x128xi32, #tpu.memory_space<hbm>> -> memref<128xi32, #tpu.memory_space<hbm>>
    %dma_wait3A_86 = arith.constant 0 : i32
    %dma_wait3A_87 = arith.constant 0 : i32
    %dma_wait3A_88 = tpu.memref_slice %arg5[%arg1, %dma_wait3A_86, %dma_wait3A_87] : memref<16x160x128xi32, #tpu.memory_space<hbm>> -> memref<1x160x128xi32, #tpu.memory_space<hbm>>
    %dma_wait3A_89 = tpu.memref_squeeze %dma_wait3A_88 : memref<1x160x128xi32, #tpu.memory_space<hbm>> -> memref<160x128xi32, #tpu.memory_space<hbm>>
    %dma_wait3A_90 = arith.constant 0 : i32
    %dma_wait3A_91 = tpu.memref_slice %dma_wait3A_89[%dma_wait3A_78, %dma_wait3A_90] : memref<160x128xi32, #tpu.memory_space<hbm>> -> memref<1x128xi32, #tpu.memory_space<hbm>>
    %dma_wait3A_92 = tpu.memref_squeeze %dma_wait3A_91 : memref<1x128xi32, #tpu.memory_space<hbm>> -> memref<128xi32, #tpu.memory_space<hbm>>
    tpu.wait_dma2 semaphore(%arg17 : memref<!tpu.dma_semaphore, #tpu.memory_space<semaphore_mem>>) src(%dma_wait3A_92 : memref<128xi32, #tpu.memory_space<hbm>>) dst(%arg11 : memref<128xi32, #tpu.memory_space<vmem>>)
    "tpu.region"() ({
      %run_scoped3A = tpu.sem_alloc : memref<!tpu.dma_semaphore, #tpu.memory_space<semaphore_mem>>
      %dma_start3A_170 = arith.constant 0 : i32
      %dma_start3A_171 = arith.constant 0 : i32
      %dma_start3A_172 = tpu.memref_slice %arg9[%dma_start3A_170, %dma_start3A_171] : memref<10240x32xf32, #tpu.memory_space<vmem_shared>> -> memref<10240x32xf32, #tpu.memory_space<vmem_shared>>
      tpu.enqueue_indirect_dma source(%arg13 : memref<128x32xf32, #tpu.memory_space<vmem>>) target(%dma_start3A_172 : memref<10240x32xf32, #tpu.memory_space<vmem_shared>>) offsets(%arg11 : memref<128xi32, #tpu.memory_space<vmem>>) semaphore(%run_scoped3A : memref<!tpu.dma_semaphore, #tpu.memory_space<semaphore_mem>>) {add = true}
      %dma_wait3A_173 = arith.constant 0 : i32
      %dma_wait3A_174 = arith.constant 0 : i32
      %dma_wait3A_175 = tpu.memref_slice %arg9[%dma_wait3A_173, %dma_wait3A_174] : memref<10240x32xf32, #tpu.memory_space<vmem_shared>> -> memref<10240x32xf32, #tpu.memory_space<vmem_shared>>
      tpu.wait_indirect_dma semaphore(%run_scoped3A : memref<!tpu.dma_semaphore, #tpu.memory_space<semaphore_mem>>) src(%arg13 : memref<128x32xf32, #tpu.memory_space<vmem>>) dst(%dma_wait3A_175 : memref<10240x32xf32, #tpu.memory_space<vmem_shared>>)
      tpu.yield
    }) : () -> ()
    %dma_wait3A_93 = arith.constant 0 : i32
    %dma_wait3A_94 = arith.constant 0 : i32
    %dma_wait3A_95 = tpu.memref_slice %arg8[%dma_wait3A_93, %dma_wait3A_94] : memref<10240x32xf32, #tpu.memory_space<vmem_shared>> -> memref<128x32xf32, #tpu.memory_space<vmem_shared>>
    %dma_wait3A_96 = arith.constant 0 : i32
    %dma_wait3A_97 = arith.constant 0 : i32
    %dma_wait3A_98 = tpu.memref_slice %arg8[%dma_wait3A_96, %dma_wait3A_97] : memref<10240x32xf32, #tpu.memory_space<vmem_shared>> -> memref<128x32xf32, #tpu.memory_space<vmem_shared>>
    tpu.wait_dma2 semaphore(%arg16 : memref<!tpu.dma_semaphore, #tpu.memory_space<semaphore_mem>>) src(%dma_wait3A_98 : memref<128x32xf32, #tpu.memory_space<vmem_shared>>) dst(%arg14 : memref<128x32xf32, #tpu.memory_space<vmem>>)
    %dma_wait3A_99 = arith.constant 0 : i32
    %dma_wait3A_100 = arith.constant 0 : i32
    %dma_wait3A_101 = arith.constant 0 : i32
    %dma_wait3A_102 = tpu.memref_slice %arg5[%arg1, %dma_wait3A_100, %dma_wait3A_101] : memref<16x160x128xi32, #tpu.memory_space<hbm>> -> memref<1x160x128xi32, #tpu.memory_space<hbm>>
    %dma_wait3A_103 = tpu.memref_squeeze %dma_wait3A_102 : memref<1x160x128xi32, #tpu.memory_space<hbm>> -> memref<160x128xi32, #tpu.memory_space<hbm>>
    %dma_wait3A_104 = arith.constant 0 : i32
    %dma_wait3A_105 = tpu.memref_slice %dma_wait3A_103[%dma_wait3A_99, %dma_wait3A_104] : memref<160x128xi32, #tpu.memory_space<hbm>> -> memref<1x128xi32, #tpu.memory_space<hbm>>
    %dma_wait3A_106 = tpu.memref_squeeze %dma_wait3A_105 : memref<1x128xi32, #tpu.memory_space<hbm>> -> memref<128xi32, #tpu.memory_space<hbm>>
    %dma_wait3A_107 = arith.constant 0 : i32
    %dma_wait3A_108 = arith.constant 0 : i32
    %dma_wait3A_109 = tpu.memref_slice %arg5[%arg1, %dma_wait3A_107, %dma_wait3A_108] : memref<16x160x128xi32, #tpu.memory_space<hbm>> -> memref<1x160x128xi32, #tpu.memory_space<hbm>>
    %dma_wait3A_110 = tpu.memref_squeeze %dma_wait3A_109 : memref<1x160x128xi32, #tpu.memory_space<hbm>> -> memref<160x128xi32, #tpu.memory_space<hbm>>
    %dma_wait3A_111 = arith.constant 0 : i32
    %dma_wait3A_112 = tpu.memref_slice %dma_wait3A_110[%dma_wait3A_99, %dma_wait3A_111] : memref<160x128xi32, #tpu.memory_space<hbm>> -> memref<1x128xi32, #tpu.memory_space<hbm>>
    %dma_wait3A_113 = tpu.memref_squeeze %dma_wait3A_112 : memref<1x128xi32, #tpu.memory_space<hbm>> -> memref<128xi32, #tpu.memory_space<hbm>>
    tpu.wait_dma2 semaphore(%arg18 : memref<!tpu.dma_semaphore, #tpu.memory_space<semaphore_mem>>) src(%dma_wait3A_113 : memref<128xi32, #tpu.memory_space<hbm>>) dst(%arg12 : memref<128xi32, #tpu.memory_space<vmem>>)
    "tpu.region"() ({
      %run_scoped3A = tpu.sem_alloc : memref<!tpu.dma_semaphore, #tpu.memory_space<semaphore_mem>>
      %dma_start3A_170 = arith.constant 0 : i32
      %dma_start3A_171 = arith.constant 0 : i32
      %dma_start3A_172 = tpu.memref_slice %arg9[%dma_start3A_170, %dma_start3A_171] : memref<10240x32xf32, #tpu.memory_space<vmem_shared>> -> memref<10240x32xf32, #tpu.memory_space<vmem_shared>>
      tpu.enqueue_indirect_dma source(%arg14 : memref<128x32xf32, #tpu.memory_space<vmem>>) target(%dma_start3A_172 : memref<10240x32xf32, #tpu.memory_space<vmem_shared>>) offsets(%arg12 : memref<128xi32, #tpu.memory_space<vmem>>) semaphore(%run_scoped3A : memref<!tpu.dma_semaphore, #tpu.memory_space<semaphore_mem>>) {add = true}
      %dma_wait3A_173 = arith.constant 0 : i32
      %dma_wait3A_174 = arith.constant 0 : i32
      %dma_wait3A_175 = tpu.memref_slice %arg9[%dma_wait3A_173, %dma_wait3A_174] : memref<10240x32xf32, #tpu.memory_space<vmem_shared>> -> memref<10240x32xf32, #tpu.memory_space<vmem_shared>>
      tpu.wait_indirect_dma semaphore(%run_scoped3A : memref<!tpu.dma_semaphore, #tpu.memory_space<semaphore_mem>>) src(%arg14 : memref<128x32xf32, #tpu.memory_space<vmem>>) dst(%dma_wait3A_175 : memref<10240x32xf32, #tpu.memory_space<vmem_shared>>)
      tpu.yield
    }) : () -> ()
    %barrier3A_114 = arith.constant 0 : index
    tpu.barrier barrier_id(%barrier3A_114)
    %mul3A_115 = arith.constant 640 : i32
    %mul3A_116 = arith.muli %arg1, %mul3A_115 : i32
    %add3A_117 = arith.constant 0 : i32
    %add3A_118 = arith.addi %mul3A_116, %add3A_117 : i32
    "tpu.region"() ({
      %run_scoped3A = tpu.sem_alloc : memref<!tpu.dma_semaphore, #tpu.memory_space<semaphore_mem>>
      %dma_start3A_170 = arith.constant 0 : i32
      %dma_start3A_171 = tpu.memref_slice %arg9[%add3A_118, %dma_start3A_170] : memref<10240x32xf32, #tpu.memory_space<vmem_shared>> -> memref<128x32xf32, #tpu.memory_space<vmem_shared>>
      %dma_start3A_172 = arith.constant 0 : i32
      %dma_start3A_173 = tpu.memref_slice %arg9[%add3A_118, %dma_start3A_172] : memref<10240x32xf32, #tpu.memory_space<vmem_shared>> -> memref<128x32xf32, #tpu.memory_space<vmem_shared>>
      tpu.enqueue_dma source(%dma_start3A_173 : memref<128x32xf32, #tpu.memory_space<vmem_shared>>) target(%arg13 : memref<128x32xf32, #tpu.memory_space<vmem>>) target_semaphore(%run_scoped3A : memref<!tpu.dma_semaphore, #tpu.memory_space<semaphore_mem>>)
      %dma_wait3A_174 = arith.constant 0 : i32
      %dma_wait3A_175 = tpu.memref_slice %arg9[%add3A_118, %dma_wait3A_174] : memref<10240x32xf32, #tpu.memory_space<vmem_shared>> -> memref<128x32xf32, #tpu.memory_space<vmem_shared>>
      %dma_wait3A_176 = arith.constant 0 : i32
      %dma_wait3A_177 = tpu.memref_slice %arg9[%add3A_118, %dma_wait3A_176] : memref<10240x32xf32, #tpu.memory_space<vmem_shared>> -> memref<128x32xf32, #tpu.memory_space<vmem_shared>>
      tpu.wait_dma2 semaphore(%run_scoped3A : memref<!tpu.dma_semaphore, #tpu.memory_space<semaphore_mem>>) src(%dma_wait3A_177 : memref<128x32xf32, #tpu.memory_space<vmem_shared>>) dst(%arg13 : memref<128x32xf32, #tpu.memory_space<vmem>>)
      tpu.yield
    }) : () -> ()
    %mul3A_119 = arith.constant 10240 : i32
    %mul3A_120 = arith.muli %arg0, %mul3A_119 : i32
    %mul3A_121 = arith.constant 640 : i32
    %mul3A_122 = arith.muli %arg1, %mul3A_121 : i32
    %add3A_123 = arith.addi %mul3A_120, %mul3A_122 : i32
    %add3A_124 = arith.constant 0 : i32
    %add3A_125 = arith.addi %add3A_123, %add3A_124 : i32
    "tpu.region"() ({
      %run_scoped3A = tpu.sem_alloc : memref<!tpu.dma_semaphore, #tpu.memory_space<semaphore_mem>>
      %dma_start3A_170 = arith.constant 0 : i32
      %dma_start3A_171 = tpu.memref_slice %arg7[%add3A_125, %dma_start3A_170] : memref<20480x32xf32, #tpu.memory_space<hbm>> -> memref<128x32xf32, #tpu.memory_space<hbm>>
      %dma_start3A_172 = arith.constant 0 : i32
      %dma_start3A_173 = tpu.memref_slice %arg7[%add3A_125, %dma_start3A_172] : memref<20480x32xf32, #tpu.memory_space<hbm>> -> memref<128x32xf32, #tpu.memory_space<hbm>>
      tpu.enqueue_dma source(%arg13 : memref<128x32xf32, #tpu.memory_space<vmem>>) target(%dma_start3A_173 : memref<128x32xf32, #tpu.memory_space<hbm>>) target_semaphore(%run_scoped3A : memref<!tpu.dma_semaphore, #tpu.memory_space<semaphore_mem>>)
      %dma_wait3A_174 = arith.constant 0 : i32
      %dma_wait3A_175 = tpu.memref_slice %arg7[%add3A_125, %dma_wait3A_174] : memref<20480x32xf32, #tpu.memory_space<hbm>> -> memref<128x32xf32, #tpu.memory_space<hbm>>
      %dma_wait3A_176 = arith.constant 0 : i32
      %dma_wait3A_177 = tpu.memref_slice %arg7[%add3A_125, %dma_wait3A_176] : memref<20480x32xf32, #tpu.memory_space<hbm>> -> memref<128x32xf32, #tpu.memory_space<hbm>>
      tpu.wait_dma2 semaphore(%run_scoped3A : memref<!tpu.dma_semaphore, #tpu.memory_space<semaphore_mem>>) src(%arg13 : memref<128x32xf32, #tpu.memory_space<vmem>>) dst(%dma_wait3A_177 : memref<128x32xf32, #tpu.memory_space<hbm>>)
      tpu.yield
    }) : () -> ()
    %mul3A_126 = arith.constant 640 : i32
    %mul3A_127 = arith.muli %arg1, %mul3A_126 : i32
    %add3A_128 = arith.constant 128 : i32
    %add3A_129 = arith.addi %mul3A_127, %add3A_128 : i32
    "tpu.region"() ({
      %run_scoped3A = tpu.sem_alloc : memref<!tpu.dma_semaphore, #tpu.memory_space<semaphore_mem>>
      %dma_start3A_170 = arith.constant 0 : i32
      %dma_start3A_171 = tpu.memref_slice %arg9[%add3A_129, %dma_start3A_170] : memref<10240x32xf32, #tpu.memory_space<vmem_shared>> -> memref<128x32xf32, #tpu.memory_space<vmem_shared>>
      %dma_start3A_172 = arith.constant 0 : i32
      %dma_start3A_173 = tpu.memref_slice %arg9[%add3A_129, %dma_start3A_172] : memref<10240x32xf32, #tpu.memory_space<vmem_shared>> -> memref<128x32xf32, #tpu.memory_space<vmem_shared>>
      tpu.enqueue_dma source(%dma_start3A_173 : memref<128x32xf32, #tpu.memory_space<vmem_shared>>) target(%arg13 : memref<128x32xf32, #tpu.memory_space<vmem>>) target_semaphore(%run_scoped3A : memref<!tpu.dma_semaphore, #tpu.memory_space<semaphore_mem>>)
      %dma_wait3A_174 = arith.constant 0 : i32
      %dma_wait3A_175 = tpu.memref_slice %arg9[%add3A_129, %dma_wait3A_174] : memref<10240x32xf32, #tpu.memory_space<vmem_shared>> -> memref<128x32xf32, #tpu.memory_space<vmem_shared>>
      %dma_wait3A_176 = arith.constant 0 : i32
      %dma_wait3A_177 = tpu.memref_slice %arg9[%add3A_129, %dma_wait3A_176] : memref<10240x32xf32, #tpu.memory_space<vmem_shared>> -> memref<128x32xf32, #tpu.memory_space<vmem_shared>>
      tpu.wait_dma2 semaphore(%run_scoped3A : memref<!tpu.dma_semaphore, #tpu.memory_space<semaphore_mem>>) src(%dma_wait3A_177 : memref<128x32xf32, #tpu.memory_space<vmem_shared>>) dst(%arg13 : memref<128x32xf32, #tpu.memory_space<vmem>>)
      tpu.yield
    }) : () -> ()
    %mul3A_130 = arith.constant 10240 : i32
    %mul3A_131 = arith.muli %arg0, %mul3A_130 : i32
    %mul3A_132 = arith.constant 640 : i32
    %mul3A_133 = arith.muli %arg1, %mul3A_132 : i32
    %add3A_134 = arith.addi %mul3A_131, %mul3A_133 : i32
    %add3A_135 = arith.constant 128 : i32
    %add3A_136 = arith.addi %add3A_134, %add3A_135 : i32
    "tpu.region"() ({
      %run_scoped3A = tpu.sem_alloc : memref<!tpu.dma_semaphore, #tpu.memory_space<semaphore_mem>>
      %dma_start3A_170 = arith.constant 0 : i32
      %dma_start3A_171 = tpu.memref_slice %arg7[%add3A_136, %dma_start3A_170] : memref<20480x32xf32, #tpu.memory_space<hbm>> -> memref<128x32xf32, #tpu.memory_space<hbm>>
      %dma_start3A_172 = arith.constant 0 : i32
      %dma_start3A_173 = tpu.memref_slice %arg7[%add3A_136, %dma_start3A_172] : memref<20480x32xf32, #tpu.memory_space<hbm>> -> memref<128x32xf32, #tpu.memory_space<hbm>>
      tpu.enqueue_dma source(%arg13 : memref<128x32xf32, #tpu.memory_space<vmem>>) target(%dma_start3A_173 : memref<128x32xf32, #tpu.memory_space<hbm>>) target_semaphore(%run_scoped3A : memref<!tpu.dma_semaphore, #tpu.memory_space<semaphore_mem>>)
      %dma_wait3A_174 = arith.constant 0 : i32
      %dma_wait3A_175 = tpu.memref_slice %arg7[%add3A_136, %dma_wait3A_174] : memref<20480x32xf32, #tpu.memory_space<hbm>> -> memref<128x32xf32, #tpu.memory_space<hbm>>
      %dma_wait3A_176 = arith.constant 0 : i32
      %dma_wait3A_177 = tpu.memref_slice %arg7[%add3A_136, %dma_wait3A_176] : memref<20480x32xf32, #tpu.memory_space<hbm>> -> memref<128x32xf32, #tpu.memory_space<hbm>>
      tpu.wait_dma2 semaphore(%run_scoped3A : memref<!tpu.dma_semaphore, #tpu.memory_space<semaphore_mem>>) src(%arg13 : memref<128x32xf32, #tpu.memory_space<vmem>>) dst(%dma_wait3A_177 : memref<128x32xf32, #tpu.memory_space<hbm>>)
      tpu.yield
    }) : () -> ()
    %mul3A_137 = arith.constant 640 : i32
    %mul3A_138 = arith.muli %arg1, %mul3A_137 : i32
    %add3A_139 = arith.constant 256 : i32
    %add3A_140 = arith.addi %mul3A_138, %add3A_139 : i32
    "tpu.region"() ({
      %run_scoped3A = tpu.sem_alloc : memref<!tpu.dma_semaphore, #tpu.memory_space<semaphore_mem>>
      %dma_start3A_170 = arith.constant 0 : i32
      %dma_start3A_171 = tpu.memref_slice %arg9[%add3A_140, %dma_start3A_170] : memref<10240x32xf32, #tpu.memory_space<vmem_shared>> -> memref<128x32xf32, #tpu.memory_space<vmem_shared>>
      %dma_start3A_172 = arith.constant 0 : i32
      %dma_start3A_173 = tpu.memref_slice %arg9[%add3A_140, %dma_start3A_172] : memref<10240x32xf32, #tpu.memory_space<vmem_shared>> -> memref<128x32xf32, #tpu.memory_space<vmem_shared>>
      tpu.enqueue_dma source(%dma_start3A_173 : memref<128x32xf32, #tpu.memory_space<vmem_shared>>) target(%arg13 : memref<128x32xf32, #tpu.memory_space<vmem>>) target_semaphore(%run_scoped3A : memref<!tpu.dma_semaphore, #tpu.memory_space<semaphore_mem>>)
      %dma_wait3A_174 = arith.constant 0 : i32
      %dma_wait3A_175 = tpu.memref_slice %arg9[%add3A_140, %dma_wait3A_174] : memref<10240x32xf32, #tpu.memory_space<vmem_shared>> -> memref<128x32xf32, #tpu.memory_space<vmem_shared>>
      %dma_wait3A_176 = arith.constant 0 : i32
      %dma_wait3A_177 = tpu.memref_slice %arg9[%add3A_140, %dma_wait3A_176] : memref<10240x32xf32, #tpu.memory_space<vmem_shared>> -> memref<128x32xf32, #tpu.memory_space<vmem_shared>>
      tpu.wait_dma2 semaphore(%run_scoped3A : memref<!tpu.dma_semaphore, #tpu.memory_space<semaphore_mem>>) src(%dma_wait3A_177 : memref<128x32xf32, #tpu.memory_space<vmem_shared>>) dst(%arg13 : memref<128x32xf32, #tpu.memory_space<vmem>>)
      tpu.yield
    }) : () -> ()
    %mul3A_141 = arith.constant 10240 : i32
    %mul3A_142 = arith.muli %arg0, %mul3A_141 : i32
    %mul3A_143 = arith.constant 640 : i32
    %mul3A_144 = arith.muli %arg1, %mul3A_143 : i32
    %add3A_145 = arith.addi %mul3A_142, %mul3A_144 : i32
    %add3A_146 = arith.constant 256 : i32
    %add3A_147 = arith.addi %add3A_145, %add3A_146 : i32
    "tpu.region"() ({
      %run_scoped3A = tpu.sem_alloc : memref<!tpu.dma_semaphore, #tpu.memory_space<semaphore_mem>>
      %dma_start3A_170 = arith.constant 0 : i32
      %dma_start3A_171 = tpu.memref_slice %arg7[%add3A_147, %dma_start3A_170] : memref<20480x32xf32, #tpu.memory_space<hbm>> -> memref<128x32xf32, #tpu.memory_space<hbm>>
      %dma_start3A_172 = arith.constant 0 : i32
      %dma_start3A_173 = tpu.memref_slice %arg7[%add3A_147, %dma_start3A_172] : memref<20480x32xf32, #tpu.memory_space<hbm>> -> memref<128x32xf32, #tpu.memory_space<hbm>>
      tpu.enqueue_dma source(%arg13 : memref<128x32xf32, #tpu.memory_space<vmem>>) target(%dma_start3A_173 : memref<128x32xf32, #tpu.memory_space<hbm>>) target_semaphore(%run_scoped3A : memref<!tpu.dma_semaphore, #tpu.memory_space<semaphore_mem>>)
      %dma_wait3A_174 = arith.constant 0 : i32
      %dma_wait3A_175 = tpu.memref_slice %arg7[%add3A_147, %dma_wait3A_174] : memref<20480x32xf32, #tpu.memory_space<hbm>> -> memref<128x32xf32, #tpu.memory_space<hbm>>
      %dma_wait3A_176 = arith.constant 0 : i32
      %dma_wait3A_177 = tpu.memref_slice %arg7[%add3A_147, %dma_wait3A_176] : memref<20480x32xf32, #tpu.memory_space<hbm>> -> memref<128x32xf32, #tpu.memory_space<hbm>>
      tpu.wait_dma2 semaphore(%run_scoped3A : memref<!tpu.dma_semaphore, #tpu.memory_space<semaphore_mem>>) src(%arg13 : memref<128x32xf32, #tpu.memory_space<vmem>>) dst(%dma_wait3A_177 : memref<128x32xf32, #tpu.memory_space<hbm>>)
      tpu.yield
    }) : () -> ()
    %mul3A_148 = arith.constant 640 : i32
    %mul3A_149 = arith.muli %arg1, %mul3A_148 : i32
    %add3A_150 = arith.constant 384 : i32
    %add3A_151 = arith.addi %mul3A_149, %add3A_150 : i32
    "tpu.region"() ({
      %run_scoped3A = tpu.sem_alloc : memref<!tpu.dma_semaphore, #tpu.memory_space<semaphore_mem>>
      %dma_start3A_170 = arith.constant 0 : i32
      %dma_start3A_171 = tpu.memref_slice %arg9[%add3A_151, %dma_start3A_170] : memref<10240x32xf32, #tpu.memory_space<vmem_shared>> -> memref<128x32xf32, #tpu.memory_space<vmem_shared>>
      %dma_start3A_172 = arith.constant 0 : i32
      %dma_start3A_173 = tpu.memref_slice %arg9[%add3A_151, %dma_start3A_172] : memref<10240x32xf32, #tpu.memory_space<vmem_shared>> -> memref<128x32xf32, #tpu.memory_space<vmem_shared>>
      tpu.enqueue_dma source(%dma_start3A_173 : memref<128x32xf32, #tpu.memory_space<vmem_shared>>) target(%arg13 : memref<128x32xf32, #tpu.memory_space<vmem>>) target_semaphore(%run_scoped3A : memref<!tpu.dma_semaphore, #tpu.memory_space<semaphore_mem>>)
      %dma_wait3A_174 = arith.constant 0 : i32
      %dma_wait3A_175 = tpu.memref_slice %arg9[%add3A_151, %dma_wait3A_174] : memref<10240x32xf32, #tpu.memory_space<vmem_shared>> -> memref<128x32xf32, #tpu.memory_space<vmem_shared>>
      %dma_wait3A_176 = arith.constant 0 : i32
      %dma_wait3A_177 = tpu.memref_slice %arg9[%add3A_151, %dma_wait3A_176] : memref<10240x32xf32, #tpu.memory_space<vmem_shared>> -> memref<128x32xf32, #tpu.memory_space<vmem_shared>>
      tpu.wait_dma2 semaphore(%run_scoped3A : memref<!tpu.dma_semaphore, #tpu.memory_space<semaphore_mem>>) src(%dma_wait3A_177 : memref<128x32xf32, #tpu.memory_space<vmem_shared>>) dst(%arg13 : memref<128x32xf32, #tpu.memory_space<vmem>>)
      tpu.yield
    }) : () -> ()
    %mul3A_152 = arith.constant 10240 : i32
    %mul3A_153 = arith.muli %arg0, %mul3A_152 : i32
    %mul3A_154 = arith.constant 640 : i32
    %mul3A_155 = arith.muli %arg1, %mul3A_154 : i32
    %add3A_156 = arith.addi %mul3A_153, %mul3A_155 : i32
    %add3A_157 = arith.constant 384 : i32
    %add3A_158 = arith.addi %add3A_156, %add3A_157 : i32
    "tpu.region"() ({
      %run_scoped3A = tpu.sem_alloc : memref<!tpu.dma_semaphore, #tpu.memory_space<semaphore_mem>>
      %dma_start3A_170 = arith.constant 0 : i32
      %dma_start3A_171 = tpu.memref_slice %arg7[%add3A_158, %dma_start3A_170] : memref<20480x32xf32, #tpu.memory_space<hbm>> -> memref<128x32xf32, #tpu.memory_space<hbm>>
      %dma_start3A_172 = arith.constant 0 : i32
      %dma_start3A_173 = tpu.memref_slice %arg7[%add3A_158, %dma_start3A_172] : memref<20480x32xf32, #tpu.memory_space<hbm>> -> memref<128x32xf32, #tpu.memory_space<hbm>>
      tpu.enqueue_dma source(%arg13 : memref<128x32xf32, #tpu.memory_space<vmem>>) target(%dma_start3A_173 : memref<128x32xf32, #tpu.memory_space<hbm>>) target_semaphore(%run_scoped3A : memref<!tpu.dma_semaphore, #tpu.memory_space<semaphore_mem>>)
      %dma_wait3A_174 = arith.constant 0 : i32
      %dma_wait3A_175 = tpu.memref_slice %arg7[%add3A_158, %dma_wait3A_174] : memref<20480x32xf32, #tpu.memory_space<hbm>> -> memref<128x32xf32, #tpu.memory_space<hbm>>
      %dma_wait3A_176 = arith.constant 0 : i32
      %dma_wait3A_177 = tpu.memref_slice %arg7[%add3A_158, %dma_wait3A_176] : memref<20480x32xf32, #tpu.memory_space<hbm>> -> memref<128x32xf32, #tpu.memory_space<hbm>>
      tpu.wait_dma2 semaphore(%run_scoped3A : memref<!tpu.dma_semaphore, #tpu.memory_space<semaphore_mem>>) src(%arg13 : memref<128x32xf32, #tpu.memory_space<vmem>>) dst(%dma_wait3A_177 : memref<128x32xf32, #tpu.memory_space<hbm>>)
      tpu.yield
    }) : () -> ()
    %mul3A_159 = arith.constant 640 : i32
    %mul3A_160 = arith.muli %arg1, %mul3A_159 : i32
    %add3A_161 = arith.constant 512 : i32
    %add3A_162 = arith.addi %mul3A_160, %add3A_161 : i32
    "tpu.region"() ({
      %run_scoped3A = tpu.sem_alloc : memref<!tpu.dma_semaphore, #tpu.memory_space<semaphore_mem>>
      %dma_start3A_170 = arith.constant 0 : i32
      %dma_start3A_171 = tpu.memref_slice %arg9[%add3A_162, %dma_start3A_170] : memref<10240x32xf32, #tpu.memory_space<vmem_shared>> -> memref<128x32xf32, #tpu.memory_space<vmem_shared>>
      %dma_start3A_172 = arith.constant 0 : i32
      %dma_start3A_173 = tpu.memref_slice %arg9[%add3A_162, %dma_start3A_172] : memref<10240x32xf32, #tpu.memory_space<vmem_shared>> -> memref<128x32xf32, #tpu.memory_space<vmem_shared>>
      tpu.enqueue_dma source(%dma_start3A_173 : memref<128x32xf32, #tpu.memory_space<vmem_shared>>) target(%arg13 : memref<128x32xf32, #tpu.memory_space<vmem>>) target_semaphore(%run_scoped3A : memref<!tpu.dma_semaphore, #tpu.memory_space<semaphore_mem>>)
      %dma_wait3A_174 = arith.constant 0 : i32
      %dma_wait3A_175 = tpu.memref_slice %arg9[%add3A_162, %dma_wait3A_174] : memref<10240x32xf32, #tpu.memory_space<vmem_shared>> -> memref<128x32xf32, #tpu.memory_space<vmem_shared>>
      %dma_wait3A_176 = arith.constant 0 : i32
      %dma_wait3A_177 = tpu.memref_slice %arg9[%add3A_162, %dma_wait3A_176] : memref<10240x32xf32, #tpu.memory_space<vmem_shared>> -> memref<128x32xf32, #tpu.memory_space<vmem_shared>>
      tpu.wait_dma2 semaphore(%run_scoped3A : memref<!tpu.dma_semaphore, #tpu.memory_space<semaphore_mem>>) src(%dma_wait3A_177 : memref<128x32xf32, #tpu.memory_space<vmem_shared>>) dst(%arg13 : memref<128x32xf32, #tpu.memory_space<vmem>>)
      tpu.yield
    }) : () -> ()
    %mul3A_163 = arith.constant 10240 : i32
    %mul3A_164 = arith.muli %arg0, %mul3A_163 : i32
    %mul3A_165 = arith.constant 640 : i32
    %mul3A_166 = arith.muli %arg1, %mul3A_165 : i32
    %add3A_167 = arith.addi %mul3A_164, %mul3A_166 : i32
    %add3A_168 = arith.constant 512 : i32
    %add3A_169 = arith.addi %add3A_167, %add3A_168 : i32
    "tpu.region"() ({
      %run_scoped3A = tpu.sem_alloc : memref<!tpu.dma_semaphore, #tpu.memory_space<semaphore_mem>>
      %dma_start3A_170 = arith.constant 0 : i32
      %dma_start3A_171 = tpu.memref_slice %arg7[%add3A_169, %dma_start3A_170] : memref<20480x32xf32, #tpu.memory_space<hbm>> -> memref<128x32xf32, #tpu.memory_space<hbm>>
      %dma_start3A_172 = arith.constant 0 : i32
      %dma_start3A_173 = tpu.memref_slice %arg7[%add3A_169, %dma_start3A_172] : memref<20480x32xf32, #tpu.memory_space<hbm>> -> memref<128x32xf32, #tpu.memory_space<hbm>>
      tpu.enqueue_dma source(%arg13 : memref<128x32xf32, #tpu.memory_space<vmem>>) target(%dma_start3A_173 : memref<128x32xf32, #tpu.memory_space<hbm>>) target_semaphore(%run_scoped3A : memref<!tpu.dma_semaphore, #tpu.memory_space<semaphore_mem>>)
      %dma_wait3A_174 = arith.constant 0 : i32
      %dma_wait3A_175 = tpu.memref_slice %arg7[%add3A_169, %dma_wait3A_174] : memref<20480x32xf32, #tpu.memory_space<hbm>> -> memref<128x32xf32, #tpu.memory_space<hbm>>
      %dma_wait3A_176 = arith.constant 0 : i32
      %dma_wait3A_177 = tpu.memref_slice %arg7[%add3A_169, %dma_wait3A_176] : memref<20480x32xf32, #tpu.memory_space<hbm>> -> memref<128x32xf32, #tpu.memory_space<hbm>>
      tpu.wait_dma2 semaphore(%run_scoped3A : memref<!tpu.dma_semaphore, #tpu.memory_space<semaphore_mem>>) src(%arg13 : memref<128x32xf32, #tpu.memory_space<vmem>>) dst(%dma_wait3A_177 : memref<128x32xf32, #tpu.memory_space<hbm>>)
      tpu.yield
    }) : () -> ()
    return
  }
}

module attributes {stable_mosaic.version = 14 : i64} {
  func.func @_tc1_body(%arg0: i32, %arg1: memref<1024x16xf32, #tpu.memory_space<vmem>>, %arg2: memref<1024x16xf32, #tpu.memory_space<vmem>>, %arg3: memref<1024x128xf32, #tpu.memory_space<vmem>>, %arg4: memref<128x128xf32, #tpu.memory_space<vmem>>, %arg5: memref<1024x64xf32, #tpu.memory_space<vmem>>, %arg6: memref<1024x64xf32, #tpu.memory_space<vmem>>) attributes {dimension_semantics = [#tpu.dimension_semantics<arbitrary>], iteration_bounds = array<i64: 10>, scalar_prefetch = 0 : i64, scratch_operands = 0 : i64, tpu.core_type = #tpu.core_type<tc>, window_params = [{transform_indices = @transform_0, window_bounds = array<i64: 1024, 16>}, {transform_indices = @transform_1, window_bounds = array<i64: 1024, 16>}, {transform_indices = @transform_2, window_bounds = array<i64: 1024, 128>}, {pipeline_mode = #tpu.pipeline_mode<synchronous>, transform_indices = @transform_3, window_bounds = array<i64: 128, 128>}, {transform_indices = @transform_4, window_bounds = array<i64: 1024, 64>}, {transform_indices = @transform_5, window_bounds = array<i64: 1024, 64>}]} {
    %get3A = arith.constant 0 : index
    %get3A_0 = arith.constant 0 : index
    %get3A_1 = vector.load %arg1[%get3A, %get3A_0] : memref<1024x16xf32, #tpu.memory_space<vmem>>, vector<1024x1xf32>
    %get3A_2 = arith.constant 0 : index
    %get3A_3 = arith.constant 0 : index
    %get3A_4 = vector.load %arg2[%get3A_2, %get3A_3] : memref<1024x16xf32, #tpu.memory_space<vmem>>, vector<1024x1xf32>
    %add3A = arith.addf %get3A_1, %get3A_4 : vector<1024x1xf32>
    %max3A = arith.constant 1.000000e+00 : f32
    %max3A_5 = vector.broadcast %max3A : f32 to vector<1024x1xf32>
    %max3A_6 = arith.maximumf %add3A, %max3A_5 : vector<1024x1xf32>
    %rsqrt3A = math.rsqrt %max3A_6 : vector<1024x1xf32>
    %get3A_7 = arith.constant 0 : index
    %get3A_8 = arith.constant 0 : index
    %get3A_9 = vector.load %arg3[%get3A_7, %get3A_8] : memref<1024x128xf32, #tpu.memory_space<vmem>>, vector<1024x128xf32>
    %get3A_10 = arith.constant 0 : index
    %get3A_11 = arith.constant 0 : index
    %get3A_12 = vector.load %arg4[%get3A_10, %get3A_11] : memref<128x128xf32, #tpu.memory_space<vmem>>, vector<128x128xf32>
    %dot_general3A = arith.constant dense<0.000000e+00> : vector<1024x128xf32>
    %dot_general3A_13 = tpu.matmul %get3A_9, %get3A_12, %dot_general3A {dimension_numbers = #tpu.dot_dimension_numbers<[1], [0], [0], [1], [0, 0, 1, 1], [], []>, transpose_lhs_hint = false} : vector<1024x128xf32>, vector<128x128xf32>, vector<1024x128xf32> -> vector<1024x128xf32>
    %mul3A = vector.broadcast %rsqrt3A : vector<1024x1xf32> to vector<1024x128xf32>
    %mul3A_14 = arith.mulf %dot_general3A_13, %mul3A : vector<1024x128xf32>
    %slice3A = vector.extract_strided_slice %mul3A_14 {offsets = [0, 0], sizes = [1024, 64], strides = [1, 1]} : vector<1024x128xf32> to vector<1024x64xf32>
    %swap3A = arith.constant 0 : index
    %swap3A_15 = arith.constant 0 : index
    %swap3A_16 = vector.load %arg5[%swap3A, %swap3A_15] : memref<1024x64xf32, #tpu.memory_space<vmem>>, vector<1024x64xf32>
    tpu.vector_store %arg5[%swap3A, %swap3A_15], %slice3A {strides = array<i32>} : memref<1024x64xf32, #tpu.memory_space<vmem>>, vector<1024x64xf32>,
    %slice3A_17 = vector.extract_strided_slice %mul3A_14 {offsets = [0, 64], sizes = [1024, 64], strides = [1, 1]} : vector<1024x128xf32> to vector<1024x64xf32>
    %swap3A_18 = arith.constant 0 : index
    %swap3A_19 = arith.constant 0 : index
    %swap3A_20 = vector.load %arg6[%swap3A_18, %swap3A_19] : memref<1024x64xf32, #tpu.memory_space<vmem>>, vector<1024x64xf32>
    tpu.vector_store %arg6[%swap3A_18, %swap3A_19], %slice3A_17 {strides = array<i32>} : memref<1024x64xf32, #tpu.memory_space<vmem>>, vector<1024x64xf32>,
    return
  }
  func.func @transform_0(%arg0: i32) -> (i32, i32) {
    %c0_i32 = arith.constant 0 : i32
    %c0_i32_0 = arith.constant 0 : i32
    return %arg0, %c0_i32 : i32, i32
  }
  func.func @transform_1(%arg0: i32) -> (i32, i32) {
    %add3A = arith.constant 10 : i32
    %add3A_0 = arith.addi %add3A, %arg0 : i32
    %c0_i32 = arith.constant 0 : i32
    %c0_i32_1 = arith.constant 0 : i32
    return %add3A_0, %c0_i32 : i32, i32
  }
  func.func @transform_2(%arg0: i32) -> (i32, i32) {
    %c0_i32 = arith.constant 0 : i32
    %c0_i32_0 = arith.constant 0 : i32
    return %arg0, %c0_i32 : i32, i32
  }
  func.func @transform_3(%arg0: i32) -> (i32, i32) {
    %c0_i32 = arith.constant 0 : i32
    %c0_i32_0 = arith.constant 0 : i32
    %c0_i32_1 = arith.constant 0 : i32
    return %c0_i32, %c0_i32_0 : i32, i32
  }
  func.func @transform_4(%arg0: i32) -> (i32, i32) {
    %c0_i32 = arith.constant 0 : i32
    %c0_i32_0 = arith.constant 0 : i32
    return %arg0, %c0_i32 : i32, i32
  }
  func.func @transform_5(%arg0: i32) -> (i32, i32) {
    %c0_i32 = arith.constant 0 : i32
    %c0_i32_0 = arith.constant 0 : i32
    return %arg0, %c0_i32 : i32, i32
  }
}

module attributes {stable_mosaic.version = 14 : i64} {
  func.func @_tc2_body(%arg0: i32, %arg1: memref<1024x16xf32, #tpu.memory_space<vmem>>, %arg2: memref<1024x16xf32, #tpu.memory_space<vmem>>, %arg3: memref<1024x64xf32, #tpu.memory_space<vmem>>, %arg4: memref<1024x64xf32, #tpu.memory_space<vmem>>, %arg5: memref<1x128xf32, #tpu.memory_space<vmem>>, %arg6: memref<128x64xf32, #tpu.memory_space<vmem>>, %arg7: memref<1024x32xf32, #tpu.memory_space<vmem>>, %arg8: memref<1024x32xf32, #tpu.memory_space<vmem>>) attributes {dimension_semantics = [#tpu.dimension_semantics<arbitrary>], iteration_bounds = array<i64: 10>, scalar_prefetch = 0 : i64, scratch_operands = 0 : i64, tpu.core_type = #tpu.core_type<tc>, window_params = [{transform_indices = @transform_0, window_bounds = array<i64: 1024, 16>}, {transform_indices = @transform_1, window_bounds = array<i64: 1024, 16>}, {transform_indices = @transform_2, window_bounds = array<i64: 1024, 64>}, {transform_indices = @transform_3, window_bounds = array<i64: 1024, 64>}, {pipeline_mode = #tpu.pipeline_mode<synchronous>, transform_indices = @transform_4, window_bounds = array<i64: 1, 128>}, {pipeline_mode = #tpu.pipeline_mode<synchronous>, transform_indices = @transform_5, window_bounds = array<i64: 128, 64>}, {transform_indices = @transform_6, window_bounds = array<i64: 1024, 32>}, {transform_indices = @transform_7, window_bounds = array<i64: 1024, 32>}]} {
    %get3A = arith.constant 0 : index
    %get3A_0 = arith.constant 0 : index
    %get3A_1 = vector.load %arg1[%get3A, %get3A_0] : memref<1024x16xf32, #tpu.memory_space<vmem>>, vector<1024x1xf32>
    %get3A_2 = arith.constant 0 : index
    %get3A_3 = arith.constant 0 : index
    %get3A_4 = vector.load %arg2[%get3A_2, %get3A_3] : memref<1024x16xf32, #tpu.memory_space<vmem>>, vector<1024x1xf32>
    %add3A = arith.addf %get3A_1, %get3A_4 : vector<1024x1xf32>
    %max3A = arith.constant 1.000000e+00 : f32
    %max3A_5 = vector.broadcast %max3A : f32 to vector<1024x1xf32>
    %max3A_6 = arith.maximumf %add3A, %max3A_5 : vector<1024x1xf32>
    %rsqrt3A = math.rsqrt %max3A_6 : vector<1024x1xf32>
    %get3A_7 = arith.constant 0 : index
    %get3A_8 = arith.constant 0 : index
    %get3A_9 = vector.load %arg3[%get3A_7, %get3A_8] : memref<1024x64xf32, #tpu.memory_space<vmem>>, vector<1024x64xf32>
    %get3A_10 = arith.constant 0 : index
    %get3A_11 = arith.constant 0 : index
    %get3A_12 = vector.load %arg4[%get3A_10, %get3A_11] : memref<1024x64xf32, #tpu.memory_space<vmem>>, vector<1024x64xf32>
    %concatenate3A = tpu.concatenate %get3A_9, %get3A_12 in 1 : vector<1024x64xf32>, vector<1024x64xf32> -> vector<1024x128xf32>
    %mul3A = vector.broadcast %rsqrt3A : vector<1024x1xf32> to vector<1024x128xf32>
    %mul3A_13 = arith.mulf %concatenate3A, %mul3A : vector<1024x128xf32>
    %get3A_14 = arith.constant 0 : index
    %get3A_15 = arith.constant 0 : index
    %get3A_16 = vector.load %arg5[%get3A_14, %get3A_15] : memref<1x128xf32, #tpu.memory_space<vmem>>, vector<1x128xf32>
    %add3A_17 = vector.broadcast %get3A_16 : vector<1x128xf32> to vector<1024x128xf32>
    %add3A_18 = arith.addf %mul3A_13, %add3A_17 : vector<1024x128xf32>
    %gt3A = arith.constant 0.000000e+00 : f32
    %gt3A_19 = vector.broadcast %gt3A : f32 to vector<1024x128xf32>
    %gt3A_20 = arith.cmpf ogt, %add3A_18, %gt3A_19 : vector<1024x128xf32>
    %exp3A = math.exp %add3A_18 : vector<1024x128xf32>
    %sub3A = arith.constant 1.000000e+00 : f32
    %sub3A_21 = vector.broadcast %sub3A : f32 to vector<1024x128xf32>
    %sub3A_22 = arith.subf %exp3A, %sub3A_21 : vector<1024x128xf32>
    %select_n3A = arith.select %gt3A_20, %add3A_18, %sub3A_22 : vector<1024x128xi1>, vector<1024x128xf32>
    %get3A_23 = arith.constant 0 : index
    %get3A_24 = arith.constant 0 : index
    %get3A_25 = vector.load %arg6[%get3A_23, %get3A_24] : memref<128x64xf32, #tpu.memory_space<vmem>>, vector<128x64xf32>
    %dot_general3A = arith.constant dense<0.000000e+00> : vector<1024x64xf32>
    %dot_general3A_26 = tpu.matmul %select_n3A, %get3A_25, %dot_general3A {dimension_numbers = #tpu.dot_dimension_numbers<[1], [0], [0], [1], [0, 0, 1, 1], [], []>, transpose_lhs_hint = false} : vector<1024x128xf32>, vector<128x64xf32>, vector<1024x64xf32> -> vector<1024x64xf32>
    %mul3A_27 = vector.broadcast %rsqrt3A : vector<1024x1xf32> to vector<1024x64xf32>
    %mul3A_28 = arith.mulf %dot_general3A_26, %mul3A_27 : vector<1024x64xf32>
    %slice3A = vector.extract_strided_slice %mul3A_28 {offsets = [0, 0], sizes = [1024, 32], strides = [1, 1]} : vector<1024x64xf32> to vector<1024x32xf32>
    %swap3A = arith.constant 0 : index
    %swap3A_29 = arith.constant 0 : index
    %swap3A_30 = vector.load %arg7[%swap3A, %swap3A_29] : memref<1024x32xf32, #tpu.memory_space<vmem>>, vector<1024x32xf32>
    tpu.vector_store %arg7[%swap3A, %swap3A_29], %slice3A {strides = array<i32>} : memref<1024x32xf32, #tpu.memory_space<vmem>>, vector<1024x32xf32>,
    %slice3A_31 = vector.extract_strided_slice %mul3A_28 {offsets = [0, 32], sizes = [1024, 32], strides = [1, 1]} : vector<1024x64xf32> to vector<1024x32xf32>
    %swap3A_32 = arith.constant 0 : index
    %swap3A_33 = arith.constant 0 : index
    %swap3A_34 = vector.load %arg8[%swap3A_32, %swap3A_33] : memref<1024x32xf32, #tpu.memory_space<vmem>>, vector<1024x32xf32>
    tpu.vector_store %arg8[%swap3A_32, %swap3A_33], %slice3A_31 {strides = array<i32>} : memref<1024x32xf32, #tpu.memory_space<vmem>>, vector<1024x32xf32>,
    return
  }
  func.func @transform_0(%arg0: i32) -> (i32, i32) {
    %c0_i32 = arith.constant 0 : i32
    %c0_i32_0 = arith.constant 0 : i32
    return %arg0, %c0_i32 : i32, i32
  }
  func.func @transform_1(%arg0: i32) -> (i32, i32) {
    %add3A = arith.constant 10 : i32
    %add3A_0 = arith.addi %add3A, %arg0 : i32
    %c0_i32 = arith.constant 0 : i32
    %c0_i32_1 = arith.constant 0 : i32
    return %add3A_0, %c0_i32 : i32, i32
  }
  func.func @transform_2(%arg0: i32) -> (i32, i32) {
    %c0_i32 = arith.constant 0 : i32
    %c0_i32_0 = arith.constant 0 : i32
    return %arg0, %c0_i32 : i32, i32
  }
  func.func @transform_3(%arg0: i32) -> (i32, i32) {
    %add3A = arith.constant 10 : i32
    %add3A_0 = arith.addi %add3A, %arg0 : i32
    %c0_i32 = arith.constant 0 : i32
    %c0_i32_1 = arith.constant 0 : i32
    return %add3A_0, %c0_i32 : i32, i32
  }
  func.func @transform_4(%arg0: i32) -> (i32, i32) {
    %c0_i32 = arith.constant 0 : i32
    %c0_i32_0 = arith.constant 0 : i32
    %c0_i32_1 = arith.constant 0 : i32
    return %c0_i32, %c0_i32_0 : i32, i32
  }
  func.func @transform_5(%arg0: i32) -> (i32, i32) {
    %c0_i32 = arith.constant 0 : i32
    %c0_i32_0 = arith.constant 0 : i32
    %c0_i32_1 = arith.constant 0 : i32
    return %c0_i32, %c0_i32_0 : i32, i32
  }
  func.func @transform_6(%arg0: i32) -> (i32, i32) {
    %c0_i32 = arith.constant 0 : i32
    %c0_i32_0 = arith.constant 0 : i32
    return %arg0, %c0_i32 : i32, i32
  }
  func.func @transform_7(%arg0: i32) -> (i32, i32) {
    %c0_i32 = arith.constant 0 : i32
    %c0_i32_0 = arith.constant 0 : i32
    return %arg0, %c0_i32 : i32, i32
  }
}

module attributes {stable_mosaic.version = 14 : i64} {
  func.func @_tc3_body(%arg0: i32, %arg1: memref<1024x16xf32, #tpu.memory_space<vmem>>, %arg2: memref<1024x16xf32, #tpu.memory_space<vmem>>, %arg3: memref<1024x32xf32, #tpu.memory_space<vmem>>, %arg4: memref<1024x32xf32, #tpu.memory_space<vmem>>, %arg5: memref<1x64xf32, #tpu.memory_space<vmem>>, %arg6: memref<1024x64xf32, #tpu.memory_space<vmem>>) attributes {dimension_semantics = [#tpu.dimension_semantics<arbitrary>], iteration_bounds = array<i64: 10>, scalar_prefetch = 0 : i64, scratch_operands = 0 : i64, tpu.core_type = #tpu.core_type<tc>, window_params = [{transform_indices = @transform_0, window_bounds = array<i64: 1024, 16>}, {transform_indices = @transform_1, window_bounds = array<i64: 1024, 16>}, {transform_indices = @transform_2, window_bounds = array<i64: 1024, 32>}, {transform_indices = @transform_3, window_bounds = array<i64: 1024, 32>}, {pipeline_mode = #tpu.pipeline_mode<synchronous>, transform_indices = @transform_4, window_bounds = array<i64: 1, 64>}, {transform_indices = @transform_5, window_bounds = array<i64: 1024, 64>}]} {
    %get3A = arith.constant 0 : index
    %get3A_0 = arith.constant 0 : index
    %get3A_1 = vector.load %arg1[%get3A, %get3A_0] : memref<1024x16xf32, #tpu.memory_space<vmem>>, vector<1024x1xf32>
    %get3A_2 = arith.constant 0 : index
    %get3A_3 = arith.constant 0 : index
    %get3A_4 = vector.load %arg2[%get3A_2, %get3A_3] : memref<1024x16xf32, #tpu.memory_space<vmem>>, vector<1024x1xf32>
    %add3A = arith.addf %get3A_1, %get3A_4 : vector<1024x1xf32>
    %max3A = arith.constant 1.000000e+00 : f32
    %max3A_5 = vector.broadcast %max3A : f32 to vector<1024x1xf32>
    %max3A_6 = arith.maximumf %add3A, %max3A_5 : vector<1024x1xf32>
    %rsqrt3A = math.rsqrt %max3A_6 : vector<1024x1xf32>
    %get3A_7 = arith.constant 0 : index
    %get3A_8 = arith.constant 0 : index
    %get3A_9 = vector.load %arg3[%get3A_7, %get3A_8] : memref<1024x32xf32, #tpu.memory_space<vmem>>, vector<1024x32xf32>
    %get3A_10 = arith.constant 0 : index
    %get3A_11 = arith.constant 0 : index
    %get3A_12 = vector.load %arg4[%get3A_10, %get3A_11] : memref<1024x32xf32, #tpu.memory_space<vmem>>, vector<1024x32xf32>
    %concatenate3A = tpu.concatenate %get3A_9, %get3A_12 in 1 : vector<1024x32xf32>, vector<1024x32xf32> -> vector<1024x64xf32>
    %mul3A = vector.broadcast %rsqrt3A : vector<1024x1xf32> to vector<1024x64xf32>
    %mul3A_13 = arith.mulf %concatenate3A, %mul3A : vector<1024x64xf32>
    %get3A_14 = arith.constant 0 : index
    %get3A_15 = arith.constant 0 : index
    %get3A_16 = vector.load %arg5[%get3A_14, %get3A_15] : memref<1x64xf32, #tpu.memory_space<vmem>>, vector<1x64xf32>
    %add3A_17 = vector.broadcast %get3A_16 : vector<1x64xf32> to vector<1024x64xf32>
    %add3A_18 = arith.addf %mul3A_13, %add3A_17 : vector<1024x64xf32>
    %swap3A = arith.constant 0 : index
    %swap3A_19 = arith.constant 0 : index
    %swap3A_20 = vector.load %arg6[%swap3A, %swap3A_19] : memref<1024x64xf32, #tpu.memory_space<vmem>>, vector<1024x64xf32>
    tpu.vector_store %arg6[%swap3A, %swap3A_19], %add3A_18 {strides = array<i32>} : memref<1024x64xf32, #tpu.memory_space<vmem>>, vector<1024x64xf32>,
    return
  }
  func.func @transform_0(%arg0: i32) -> (i32, i32) {
    %c0_i32 = arith.constant 0 : i32
    %c0_i32_0 = arith.constant 0 : i32
    return %arg0, %c0_i32 : i32, i32
  }
  func.func @transform_1(%arg0: i32) -> (i32, i32) {
    %add3A = arith.constant 10 : i32
    %add3A_0 = arith.addi %add3A, %arg0 : i32
    %c0_i32 = arith.constant 0 : i32
    %c0_i32_1 = arith.constant 0 : i32
    return %add3A_0, %c0_i32 : i32, i32
  }
  func.func @transform_2(%arg0: i32) -> (i32, i32) {
    %c0_i32 = arith.constant 0 : i32
    %c0_i32_0 = arith.constant 0 : i32
    return %arg0, %c0_i32 : i32, i32
  }
  func.func @transform_3(%arg0: i32) -> (i32, i32) {
    %add3A = arith.constant 10 : i32
    %add3A_0 = arith.addi %add3A, %arg0 : i32
    %c0_i32 = arith.constant 0 : i32
    %c0_i32_1 = arith.constant 0 : i32
    return %add3A_0, %c0_i32 : i32, i32
  }
  func.func @transform_4(%arg0: i32) -> (i32, i32) {
    %c0_i32 = arith.constant 0 : i32
    %c0_i32_0 = arith.constant 0 : i32
    %c0_i32_1 = arith.constant 0 : i32
    return %c0_i32, %c0_i32_0 : i32, i32
  }
  func.func @transform_5(%arg0: i32) -> (i32, i32) {
    %c0_i32 = arith.constant 0 : i32
    %c0_i32_0 = arith.constant 0 : i32
    return %arg0, %c0_i32 : i32, i32
  }
}

</mosaic_0001>

<sc_bundles>
// kernel: kernel.11.cloned.1.call-start
scs
__scs_entry_jumppad:
0x0: {  	(pc) =	sbr.rel $0x88, $3  }
0x1: {  	(tag) =	ssettag $0x0;
	lr =	simm.s32 $0x1  }
0x2: {  	[smem:$0x3F9B] =	sst lr;
	_ =	strace $0xD0000000  }
0x3: {  	_ = 	snop  }
0x4: {  	_ = 	snop  }
0x5: {  	_ = 	snop  }
0x6: {  	_ = 	snop  }
0x7: {  	_ = 	snop  }
__scs_overlays_trampoline_lowered:
0x8: {  	[smem:$0x3FAA] =	sst s0  }
0x9: {  	[smem:$0x3FAB] =	sst s1  }
0xa: {  	[smem:$0x3FAC] =	sst s2  }
0xb: {  	[smem:$0x3FAD] =	sst s3  }
0xc: {  	[smem:$0x3FAE] =	sst s4  }
0xd: {  	[smem:$0x3FAF] =	sst s5  }
0xe: {  	[smem:$0x3FB0] =	sst s6  }
0xf: {  	[smem:$0x3FB1] =	sst s7  }
0x10: {  	[smem:$0x3FB2] =	sst s8  }
0x11: {  	[smem:$0x3FB3] =	sst s9;
	s0 =	simm.s32 @!p0 $0x0  }
0x12: {  	s1 =	sld [smem:$0x3F99];
	s0 =	simm.s32 @p0 $0x1  }
0x13: {  	[smem:$0x3FB4] =	sst s0;
	s0 =	simm.s32 @!p1 $0x0  }
0x14: {  	s2 =	sld [smem:$0x3F98];
	s0 =	simm.s32 @p1 $0x1  }
0x15: {  	[smem:$0x3FB5] =	sst s0;
	s0 =	simm.s32 @!p2 $0x0  }
0x16: {  	s3 =	sld [smem:$0x3FDB];
	s0 =	simm.s32 @p2 $0x1  }
0x17: {  	s4 =	simm.s32 $0x1BF5;
	[smem:$0x3FB7] =	sst s0  }
0x18: {  	s0 =	sld [smem:$0x3F9A];
	_ =	swait.ge [sflag:s4], $0x0  }
0x19: {  	s7 =	sld [smem:$0x3F9B]  }
0x1a: {  	s8 =	sadd.s32 $0xFFFFE003, lr  }
0x1b: {  	s9 =	sadd.s32 $0xFFFFFEF7, lr;
	s5 =	simm.s32 $0xFFFFFFFF;
	p2 =	slt.u32 s8, $0xFFFFF086  }
0x1c: {  	p1 =	slt.u32 s9, $0xF7A;
	s5 =	simm.s32 @!p2 $0x0  }
0x1d: {  	s5 =	simm.s32 @p1 $0x1;
	p0 =	seq.s32 s7, s2  }
0x1e: {  	s7 =	smul.u32 @!p0 $0xF7A, s2;
	p2 =	seq.s32 @!p0 s5, $0x0  }
0x1f: {  	s9 =	smul.u32 $0xF7A, s1;
	s8 =	simm.s32 @!p0 $0x1BF5;
	p2 =	por !p2, p0  }
0x20: {  	[sflag:s8] =	ssyncset.s32 @!p0 $0xFFFFF086;
	s6 =	sadd.s32 @!p0 s3, s7;
	s7 =	simm.s32 @!p0 $0x108  }
0x21: {  	s3 =	sadd.s32 s3, s9;
	s6 =	sadd.s32 @!p0 $0x88, s6;
	s7 =	simm.s32 @p2 $0x1082  }
0x22: {  	[simem:s7], [sflag:s8] =	dma.local @!p0 [hbm:s6], $0xF7A  }
0x23: {  	s9 =	sor.u32 $0xD0000000, s2;
	s6 =	simm.s32 $0x108;
	_ =	swait.ge @!p0 [sflag:s8], $0x0  }
0x24: {  	s3 =	sadd.s32 $0x88, s3;
	s6 =	simm.s32 @!p1 $0x1082;
	[sflag:s4] =	ssyncset.s32 $0xFFFFF086  }
0x25: {  	[simem:s6], [sflag:s4] =	dma.local [hbm:s3], $0xF7A  }
0x26: {  	[smem:$0x3F9B] =	sst s1;
	(tag) =	ssettag s2;
	_ =	strace s9  }
0x27: {  	s1 =	sld [smem:$0x3FAB]  }
0x28: {  	s2 =	sld [smem:$0x3FAC]  }
0x29: {  	s4 =	sld [smem:$0x3FAE]  }
0x2a: {  	p0 =	seq.s32 s5, $0x0;
	s5 =	sld [smem:$0x3FAF]  }
0x2b: {  	s6 =	sld [smem:$0x3FB0]  }
0x2c: {  	s7 =	sld [smem:$0x3FB1]  }
0x2d: {  	s3 =	simm.s32 $0x108;
	s8 =	sld [smem:$0x3FB2]  }
0x2e: {  	s3 =	simm.s32 @!p0 $0x1082;
	s9 =	sld [smem:$0x3FB3]  }
0x2f: {  	lr =	sadd.s32 s0, s3;
	s0 =	sld [smem:$0x3FAA]  }
0x30: {  	s3 =	sld [smem:$0x3FAD]  }
0x31: {  	[smem:$0x3FB6] =	sst s10  }
0x32: {  	s10 =	sld [smem:$0x3FB4];
	_ =	sdelay $0x3  }
0x33: {  	p0 =	seq.s32 s10, $0x1;
	s10 =	sld [smem:$0x3FB6];
	_ =	sdelay $0x3  }
0x34: {  	[smem:$0x3FB6] =	sst s10  }
0x35: {  	s10 =	sld [smem:$0x3FB5];
	_ =	sdelay $0x3  }
0x36: {  	p1 =	seq.s32 s10, $0x1;
	s10 =	sld [smem:$0x3FB6];
	_ =	sdelay $0x3  }
0x37: {  	[smem:$0x3FB6] =	sst s10  }
0x38: {  	s10 =	sld [smem:$0x3FB7]  }
0x39: {  	_ = 	snop;
	(pc) =	sbr.ind lr, $3  }
0x3a: {  	_ = 	snop  }
0x3b: {  	_ = 	snop  }
0x3c: {  	p2 =	seq.s32 s10, $0x1;
	s10 =	sld [smem:$0x3FB6]  }
0x3d: {  	_ =	shalt  }
0x3e: {  	_ =	shalt  }
0x3f: {  	_ =	shalt  }
0x40: {  	_ =	shalt  }
0x41: {  	_ =	shalt  }
0x42: {  	_ =	shalt  }
0x43: {  	_ =	shalt  }
0x44: {  	_ =	shalt  }
0x45: {  	_ =	shalt  }
0x46: {  	_ =	shalt  }
0x47: {  	_ =	shalt  }
0x48: {  	_ =	shalt  }
0x49: {  	_ =	shalt  }
0x4a: {  	_ =	shalt  }
0x4b: {  	_ =	shalt  }
0x4c: {  	_ =	shalt  }
0x4d: {  	_ =	shalt  }
0x4e: {  	_ =	shalt  }
0x4f: {  	_ =	shalt  }
0x50: {  	_ =	shalt  }
0x51: {  	_ =	shalt  }
0x52: {  	_ =	shalt  }
0x53: {  	_ =	shalt  }
0x54: {  	_ =	shalt  }
0x55: {  	_ =	shalt  }
0x56: {  	_ =	shalt  }
0x57: {  	_ =	shalt  }
0x58: {  	_ =	shalt  }
0x59: {  	_ =	shalt  }
0x5a: {  	_ =	shalt  }
0x5b: {  	_ =	shalt  }
0x5c: {  	_ =	shalt  }
0x5d: {  	_ =	shalt  }
0x5e: {  	_ =	shalt  }
0x5f: {  	_ =	shalt  }
0x60: {  	_ =	shalt  }
0x61: {  	_ =	shalt  }
0x62: {  	_ =	shalt  }
0x63: {  	_ =	shalt  }
0x64: {  	_ =	shalt  }
0x65: {  	_ =	shalt  }
0x66: {  	_ =	shalt  }
0x67: {  	_ =	shalt  }
0x68: {  	_ =	shalt  }
0x69: {  	_ =	shalt  }
0x6a: {  	_ =	shalt  }
0x6b: {  	_ =	shalt  }
0x6c: {  	_ =	shalt  }
0x6d: {  	_ =	shalt  }
0x6e: {  	_ =	shalt  }
0x6f: {  	_ =	shalt  }
0x70: {  	_ =	shalt  }
0x71: {  	_ =	shalt  }
0x72: {  	_ =	shalt  }
0x73: {  	_ =	shalt  }
0x74: {  	_ =	shalt  }
0x75: {  	_ =	shalt  }
0x76: {  	_ =	shalt  }
0x77: {  	_ =	shalt  }
0x78: {  	_ =	shalt  }
0x79: {  	_ =	shalt  }
0x7a: {  	_ =	shalt  }
0x7b: {  	_ =	shalt  }
0x7c: {  	_ =	shalt  }
0x7d: {  	_ =	shalt  }
0x7e: {  	_ =	shalt  }
0x7f: {  	_ =	shalt  }
0x80: {  	_ =	shalt  }
0x81: {  	_ =	shalt  }
0x82: {  	_ =	shalt  }
0x83: {  	_ =	shalt  }
0x84: {  	_ =	shalt  }
0x85: {  	_ =	shalt  }
0x86: {  	_ =	shalt  }
0x87: {  	_ =	shalt  }
.Lfunc_end0:
.L_simem_size_0:
called_computation.1_lowered:
.L_overlay_start_0:
0x88: {  	s2 =	sld [smem:$0x3FD9]  }
0x89: {  	s3 =	sld [smem:$0x3FFE];
	_ =	sdelay $0x1  }
0x8a: {  	s1 =	srdreg.scid  }
0x8b: {  	s0 =	sand.u32 $0x1, s1  }
0x8c: {  	s17 =	sshll.u32 s0, $0xA;
	s2 =	sadd.s32 s3, s2  }
0x8d: {  	s2 =	sadd.s32 s2, s17  }
0x8e: {  	[smem:$0x3FC2] =	sst s2  }
0x8f: {  	_ = 	snop  }
0x90: {  	s2 =	sld [smem:$0x3FD0];
	(tm) =	ssettm $0x1  }
0x91: {  	s18 =	sld [smem:$0x3FFB];
	_ =	sdelay $0x3  }
0x92: {  	_ =	strace s18  }
0x93: {  	s3 =	sld [smem:$0x3FFC];
	_ =	sdelay $0x3  }
0x94: {  	_ =	strace s3  }
0x95: {  	s3 =	sld [smem:$0x3FFD];
	_ =	sdelay $0x3  }
0x96: {  	_ =	strace s3  }
0x97: {  	_ =	strace $0x8FFFFFFF  }
0x98: {  	s19 =	sld [smem:$0x3FDB];
	_ =	sdelay $0x1  }
0x99: {  	s4 =	simm.s32 $_scs_section_size  }
0x9a: {  	s5 =	simm.s32 $_size__tile_overlayer_lowered;
	s6 =	simm.s32 $_tile_overlayer_lowered  }
0x9b: {  	s22 =	simm.s32 $0x1BFF;
	s21 =	sshll.u32 s6, $0x1;
	s3 =	sadd.s32 s4, s19  }
0x9c: {  	s7 =	simm.s32 $0x0;
	s20 =	sshll.u32 s5, $0x1;
	s5 =	sadd.s32 s21, s3  }
0x9d: {  	[timem:s7], [sflag:s22] =	dma.local [hbm:s5], s20  }
0x9e: {  	_ =	swait.ge [sflag:s22], s20  }
0x9f: {  	s4 =	ssub.s32 $0x0, s20;
	[sflag:s22] =	ssyncset.done $0x0  }
0xa0: {  	[sflag:s22] =	ssyncadd.s32 s4;
	_ =	sdelay $0x1  }
0xa1: {  	s23 =	simm.s32 $0x1B8B  }
0xa2: {  	_ =	swait.ge [sflag:s23], $0x1  }
0xa3: {  	[sflag:s23] =	ssyncset.done $0x0  }
0xa4: {  	s25 =	simm.s32 $0x1B8E;
	s24 =	sld [smem:$0x3FFE];
	[sflag:s23] =	ssyncadd.s32 $0xFFFFFFFF  }
0xa5: {  	s26 =	simm.s32 $execute0_lowered;
	[smem:$0x3FD2] =	sst s25  }
0xa6: {  	s5 =	sshll.u32 s26, $0x1;
	_ =	strace $0x80000049;
	[dreg:$0x1] =	wrdreg $0xFFFFFFFF  }
0xa7: {  	s28 =	simm.s32 $_size_execute0_lowered;
	s3 =	sadd.s32 s3, s5;
	[dreg:$0x0] =	wrdreg $0x0  }
0xa8: {  	s5 =	sshll.u32 s28, $0x1;
	[dreg:$0x2] =	wrdreg s3  }
0xa9: {  	[dreg:$0x3] =	wrdreg s5  }
0xaa: {  	[dreg:$0x4] =	wrdreg $0xC0  }
0xab: {  	_ =	task [dreg:s7], $0x5FFFF  }
0xac: {  	[dreg:$0x1] =	wrdreg $0xFFFFFFFF  }
0xad: {  	[dreg:$0x0] =	wrdreg $0x60  }
0xae: {  	[dreg:$0x2] =	wrdreg s24  }
0xaf: {  	[dreg:$0x3] =	wrdreg s2  }
0xb0: {  	[dreg:$0x4] =	wrdreg $0x0  }
0xb1: {  	[dreg:$0x5] =	wrdreg $0xA0000  }
0xb2: {  	[dreg:$0x6] =	wrdreg $0x9  }
0xb3: {  	_ =	task.clear_ibuf [dreg:s7], $0x7FFFF;
	_ =	strace $0x90000049  }
0xb4: {  	s29 =	simm.s32 $0x9;
	_ =	strace $0x8000004B  }
0xb5: {  	_ =	swait.ge [sflag:s29], $0x1  }
0xb6: {  	[sflag:s29] =	ssyncadd.s32 $0xFFFFFFFF  }
0xb7: {  	_ =	strace $0x9000004B  }
0xb8: {  	_ =	sfence  }
0xb9: {  	s30 =	sld [smem:$0x0];
	_ =	sdelay $0x2  }
0xba: {  	s31 =	sshll.u32 s1, $0xD;
	s1 =	sshrl.u32 s1, $0x2  }
0xbb: {  	s3 =	sand.u32 $0x4000, s31;
	s1 =	sadd.s32 s1, s30  }
0xbc: {  	s0 =	sor.u32 s3, s0;
	s1 =	sshll.u32 s1, $0x11  }
0xbd: {  	s0 =	sor.u32 s1, s0  }
0xbe: {  	s0 =	sadd.s32 $0x8F2B, s0  }
0xbf: {  	[sflag:s0] =	ssyncadd.remote.s32 $0x1  }
0xc0: {  	_ =	sfence.sel $0xFFFF  }
0xc1: {  	[dreg:$0x0] =	wrdreg $0xFFFFFFFF;
	(pc) =	sbr.abs _section_cstart, $3  }
0xc2: {  	[dreg:$0x1] =	wrdreg $0xFFFFFFFF  }
0xc3: {  	_ =	task.clear_ibuf [dreg:s7], $0x2FFFF;
	_ =	strace $0x9FFFFFFF  }
0xc4: {  	(tm) =	ssettm $0x7FFFFFFF  }
0xc5: {  	_ =	shalt  }
tec
execute0_lowered:
.L_overlay_start_1:
0x0: {  	(tag) =	ssettag $0x1  }
0x1: {  	s0 =	rddreg [dreg:$0x0]  }
0x2: {  	s1 =	rddreg [dreg:$0x1]  }
0x3: {  	s2 =	rddreg [dreg:$0x2]  }
0x4: {  	s3 =	rddreg [dreg:$0x3];
	s11 =	stileid.u32  }
0x5: {  	s6 =	srdreg.scid;
	s5 =	smul.u32 $0xA00, s11  }
0x6: {  	s4 =	simm.s32 $0x0;
	s28 =	simm.s32 $0x1B100;
	s7 =	smul.u32 $0x280, s11  }
0x7: {  	s29 =	simm.s32 $0x19080;
	s30 =	simm.s32 $0x1;
	s20 =	smul.u32 $0x28000, s11  }
0x8: {  	s31 =	simm.s32 $0x3;
	s6 =	sand.u32 $0x1, s6;
	s11 =	smul.u32 $0xA000, s11  }
0x9: {  	[smem:$0x7FF] =	sst s4;
	s10 =	sadd.s32 $0x2400, s0;
	s8 =	smul.u32 $0x2800, s6  }
0xa: {  	_ =	strace $0x8000004A;
	[dreg:$0x5] =	wrdreg s10;
	s19 =	ssub.s32 $0x2, s6  }
0xb: {  	p0 =	seq.s32 s6, $0x1;
	s9 =	sadd.s32 s5, s0;
	s21 =	sshrl.u32 s19, $0x1  }
0xc: {  	s23 =	sshrl.u32 s20, $0x2;
	s24 =	sadd.s32 s11, s2;
	s12 =	sadd.s32 s1, s5  }
0xd: {  	s1 =	simm.s32 $0x66800;
	s20 =	simm.s32 $0x19100;
	s7 =	sadd.s32 s7, s8  }
0xe: {  	s18 =	ssub.s32 s19, s21;
	s22 =	sadd.s32 $0xC800, s9;
	s19 =	sshrl.u32 s11, $0x3  }
0xf: {  	s1 =	simm.s32 @!p0 $0x7A800;
	s21 =	simm.s32 $0x5;
	s7 =	sshll.u32 s7, $0x3  }
0x10: {  	[dreg:$0x6] =	wrdreg s22;
	s18 =	smax.u32 s18, $0x1;
	s22 =	simm.s32 $0x14000  }
0x11: {  	s13 =	sadd.s32 s7, s0;
	s7 =	sadd.s32 s23, s3;
	s0 =	sadd.s32 s1, s0  }
0x12: {  	s23 =	sshrl.u32 s24, $0x3;
	s24 =	simm.s32 $0x80;
	s1 =	simm.s32 $0x4  }
0x13: {  	s8 =	sadd.s32 $0x2000, s7;
	s9 =	sadd.s32 $0x4000, s7;
	s10 =	sadd.s32 $0x6000, s7  }
0x14: {  	s11 =	sadd.s32 $0x8000, s7;
	s25 =	sadd.s32 $0x8E800, s13;
	s26 =	sadd.s32 $0x8EC00, s13  }
0x15: {  	s15 =	sadd.s32 $0x8F000, s13;
	s16 =	sadd.s32 $0x8F400, s13;
	s17 =	sadd.s32 $0x8F800, s13  }
0x16: {  	s19 =	sadd.s32 s0, s19;
	s0 =	simm.s32 $0x2;
	[dreg:$0x7] =	wrdreg s25  }
0x17: {  	[dreg:$0x8] =	wrdreg s26;
	s25 =	simm.s32 $0x19000;
	s26 =	simm.s32 $0x0  }
.LBB2_1:
0x18: {  	s5 =	rddreg [dreg:$0x5]  }
0x19: {  	[tilespmem:s20], [sflag:$0x5] =	stream.linear.gather [hbm4b:s5+s4], $0x2000, $0x38;
	[tilespmem:$0x1D100] =	vst v63  }
0x1a: {  	_ =	swait.ge [sflag:s21], $0x2000  }
0x1b: {  	[sflag:s21] =	ssyncset.done $0x0  }
0x1c: {  	s6 =	rddreg [dreg:$0x6];
	[sflag:s21] =	ssyncadd.s32 $0xFFFFE000  }
0x1d: {  	[tilespmem:s22], [sflag:$0x5] =	stream.linear.gather [hbm4b:s6+s4], $0x5000, $0x38;
	[tilespmem:$0x1D100] =	vst v63  }
0x1e: {  	s13 =	stileid.u32;
	_ =	swait.ge [sflag:s21], $0x5000  }
0x1f: {  	s5 =	sshll.u32 s13, $0x6;
	[sflag:s21] =	ssyncset.done $0x0  }
0x20: {  	s5 =	sor.u32 $0x1C05, s5;
	[sflag:s21] =	ssyncadd.s32 $0xFFFFB000  }
0x21: {  	[spmem:s23], [sflag:s5] =	dma.local [hbm:s19], $0x1400  }
0x22: {  	_ =	swait.ge [sflag:s21], $0x1400  }
0x23: {  	[sflag:s21] =	ssyncset.done $0x0  }
0x24: {  	[sflag:s21] =	ssyncadd.s32 $0xFFFFEC00  }
0x25: {  	[spmem:s7] =	stream.linear.scatter [tilespmem:s20], [sflag:$0x5], $0x2000, $0x38;
	[tilespmem:$0x1D100] =	vst v63  }
0x26: {  	_ =	swait.ge [sflag:s21], $0x2000  }
0x27: {  	[sflag:s21] =	ssyncset.done $0x0  }
0x28: {  	[sflag:s21] =	ssyncadd.s32 $0xFFFFE000  }
0x29: {  	[spmem:s8] =	stream.linear.scatter [tilespmem:s20], [sflag:$0x5], $0x2000, $0x38;
	[tilespmem:$0x1D100] =	vst v63  }
0x2a: {  	_ =	swait.ge [sflag:s21], $0x2000  }
0x2b: {  	[sflag:s21] =	ssyncset.done $0x0  }
0x2c: {  	[sflag:s21] =	ssyncadd.s32 $0xFFFFE000  }
0x2d: {  	[spmem:s9] =	stream.linear.scatter [tilespmem:s20], [sflag:$0x5], $0x2000, $0x38;
	[tilespmem:$0x1D100] =	vst v63  }
0x2e: {  	_ =	swait.ge [sflag:s21], $0x2000  }
0x2f: {  	[sflag:s21] =	ssyncset.done $0x0  }
0x30: {  	[sflag:s21] =	ssyncadd.s32 $0xFFFFE000  }
0x31: {  	[spmem:s10] =	stream.linear.scatter [tilespmem:s20], [sflag:$0x5], $0x2000, $0x38;
	[tilespmem:$0x1D100] =	vst v63  }
0x32: {  	_ =	swait.ge [sflag:s21], $0x2000  }
0x33: {  	[sflag:s21] =	ssyncset.done $0x0  }
0x34: {  	[sflag:s21] =	ssyncadd.s32 $0xFFFFE000  }
0x35: {  	[spmem:s11] =	stream.linear.scatter [tilespmem:s20], [sflag:$0x5], $0x2000, $0x38;
	[tilespmem:$0x1D100] =	vst v63  }
0x36: {  	_ =	swait.ge [sflag:s21], $0x2000  }
0x37: {  	[sflag:s21] =	ssyncset.done $0x0  }
0x38: {  	[sflag:s21] =	ssyncadd.s32 $0xFFFFE000  }
0x39: {  	[bflag:$0x0] =	sbarrier.arrive $0xFFFF  }
0x3a: {  	[tilespmem:s20], [sflag:$0x1] =	stream.indirect.gather [spmem:s2], $0x40, s22, s24, $0xb8;
	[tilespmem:$0x1D100] =	vst v63  }
0x3b: {  	_ = 	snop  }
0x3c: {  	[tilespmem:s25], [sflag:$0x3] =	stream.linear.gather [hbm4b:s12+s4], $0x80, $0x38;
	[tilespmem:$0x1D100] =	vst v63  }
0x3d: {  	s14 =	simm.s32 $0x14080  }
0x3e: {  	[tilespmem:s28], [sflag:$0x2] =	stream.indirect.gather [spmem:s2], $0x40, s14, s24, $0xb8;
	[tilespmem:$0x1D100] =	vst v63  }
0x3f: {  	s6 =	sadd.s32 $0x10, s12  }
0x40: {  	[tilespmem:s29], [sflag:$0x4] =	stream.linear.gather [hbm4b:s6+s4], $0x80, $0x38;
	[tilespmem:$0x1D100] =	vst v63  }
0x41: {  	_ =	swait.ge [sflag:s30], $0x2000  }
0x42: {  	[sflag:s30] =	ssyncset.done $0x0  }
0x43: {  	[sflag:s30] =	ssyncadd.s32 $0xFFFFE000  }
0x44: {  	_ =	swait.ge [sflag:s31], $0x80  }
0x45: {  	[sflag:s31] =	ssyncset.done $0x0  }
0x46: {  	[sflag:s31] =	ssyncadd.s32 $0xFFFFFF80  }
0x47: {  	[spmem:s3] =	stream.indirect.scatter.add.f32 [tilespmem:s20], [sflag:$0x5], $0x40, s25, s24, $0xb8;
	[tilespmem:$0x1D100] =	vst v63  }
0x48: {  	_ =	swait.ge [sflag:s21], $0x2000  }
0x49: {  	[sflag:s21] =	ssyncset.done $0x0  }
0x4a: {  	s13 =	simm.s32 $0x14100;
	[sflag:s21] =	ssyncadd.s32 $0xFFFFE000  }
0x4b: {  	[tilespmem:s20], [sflag:$0x1] =	stream.indirect.gather [spmem:s2], $0x40, s13, s24, $0xb8;
	[tilespmem:$0x1D100] =	vst v63  }
0x4c: {  	s6 =	sadd.s32 $0x20, s12  }
0x4d: {  	[tilespmem:s25], [sflag:$0x3] =	stream.linear.gather [hbm4b:s6+s4], $0x80, $0x38;
	[tilespmem:$0x1D100] =	vst v63  }
0x4e: {  	_ =	swait.ge [sflag:s0], $0x2000  }
0x4f: {  	[sflag:s0] =	ssyncset.done $0x0  }
0x50: {  	[sflag:s0] =	ssyncadd.s32 $0xFFFFE000  }
0x51: {  	_ =	swait.ge [sflag:s1], $0x80  }
0x52: {  	[sflag:s1] =	ssyncset.done $0x0  }
0x53: {  	[sflag:s1] =	ssyncadd.s32 $0xFFFFFF80  }
0x54: {  	[spmem:s3] =	stream.indirect.scatter.add.f32 [tilespmem:s28], [sflag:$0x5], $0x40, s29, s24, $0xb8;
	[tilespmem:$0x1D100] =	vst v63  }
0x55: {  	_ =	swait.ge [sflag:s21], $0x2000  }
0x56: {  	s5 =	simm.s32 $0xFFFEC800;
	s14 =	simm.s32 $0x14180;
	[sflag:s21] =	ssyncset.done $0x0  }
0x57: {  	s13 =	sadd.s32 $0x10, s6;
	s6 =	sadd.s32 $0x20, s6;
	[sflag:s21] =	ssyncadd.s32 $0xFFFFE000  }
0x58: {  	[tilespmem:s28], [sflag:$0x2] =	stream.indirect.gather [spmem:s2], $0x40, s14, s24, $0xb8;
	[tilespmem:$0x1D100] =	vst v63  }
.LBB2_2:
0x59: {  	[tilespmem:s29], [sflag:$0x4] =	stream.linear.gather [hbm4b:s13+s4], $0x80, $0x38;
	[tilespmem:$0x1D100] =	vst v63  }
0x5a: {  	s13 =	smov.u32 s5  }
0x5b: {  	p0 =	sne.s32 s5, $0xFFFFFC00;
	s5 =	sadd.s32 $0x400, s5;
	_ =	swait.ge [sflag:s30], $0x2000  }
0x5c: {  	[sflag:s30] =	ssyncset.done $0x0  }
0x5d: {  	[sflag:s30] =	ssyncadd.s32 $0xFFFFE000  }
0x5e: {  	_ =	swait.ge [sflag:s31], $0x80  }
0x5f: {  	[sflag:s31] =	ssyncset.done $0x0  }
0x60: {  	[sflag:s31] =	ssyncadd.s32 $0xFFFFFF80  }
0x61: {  	[spmem:s3] =	stream.indirect.scatter.add.f32 [tilespmem:s20], [sflag:$0x5], $0x40, s25, s24, $0xb8;
	[tilespmem:$0x1D100] =	vst v63  }
0x62: {  	_ =	swait.ge [sflag:s21], $0x2000  }
0x63: {  	s13 =	sshra.s32 s13, $0x2;
	[sflag:s21] =	ssyncset.done $0x0  }
0x64: {  	s14 =	sadd.s32 $0x19000, s13;
	[sflag:s21] =	ssyncadd.s32 $0xFFFFE000  }
0x65: {  	[tilespmem:s20], [sflag:$0x1] =	stream.indirect.gather [spmem:s2], $0x40, s14, s24, $0xb8;
	[tilespmem:$0x1D100] =	vst v63  }
0x66: {  	_ = 	snop  }
0x67: {  	[tilespmem:s25], [sflag:$0x3] =	stream.linear.gather [hbm4b:s6+s4], $0x80, $0x38;
	[tilespmem:$0x1D100] =	vst v63  }
0x68: {  	_ =	swait.ge [sflag:s0], $0x2000  }
0x69: {  	[sflag:s0] =	ssyncset.done $0x0  }
0x6a: {  	[sflag:s0] =	ssyncadd.s32 $0xFFFFE000  }
0x6b: {  	_ =	swait.ge [sflag:s1], $0x80  }
0x6c: {  	[sflag:s1] =	ssyncset.done $0x0  }
0x6d: {  	[sflag:s1] =	ssyncadd.s32 $0xFFFFFF80  }
0x6e: {  	[spmem:s3] =	stream.indirect.scatter.add.f32 [tilespmem:s28], [sflag:$0x5], $0x40, s29, s24, $0xb8;
	[tilespmem:$0x1D100] =	vst v63  }
.Ltmp0:
0x6f: {  	_ =	swait.ge [sflag:s21], $0x2000;
	(pc) =	sbr.rel @p0 .LBB2_2-.Ltmp0, $4  }
0x70: {  	[sflag:s21] =	ssyncset.done $0x0  }
0x71: {  	s13 =	sadd.s32 $0x19080, s13;
	[sflag:s21] =	ssyncadd.s32 $0xFFFFE000  }
0x72: {  	[tilespmem:s28], [sflag:$0x2] =	stream.indirect.gather [spmem:s2], $0x40, s13, s24, $0xb8;
	[tilespmem:$0x1D100] =	vst v63  }
0x73: {  	s13 =	sadd.s32 $0x10, s6;
	s6 =	sadd.s32 $0x20, s6  }
0x74: {  	[tilespmem:s29], [sflag:$0x4] =	stream.linear.gather [hbm4b:s13+s4], $0x80, $0x38;
	[tilespmem:$0x1D100] =	vst v63  }
0x75: {  	_ =	swait.ge [sflag:s30], $0x2000  }
0x76: {  	[sflag:s30] =	ssyncset.done $0x0  }
0x77: {  	[sflag:s30] =	ssyncadd.s32 $0xFFFFE000  }
0x78: {  	_ =	swait.ge [sflag:s31], $0x80  }
0x79: {  	[sflag:s31] =	ssyncset.done $0x0  }
0x7a: {  	[sflag:s31] =	ssyncadd.s32 $0xFFFFFF80  }
0x7b: {  	[spmem:s3] =	stream.indirect.scatter.add.f32 [tilespmem:s20], [sflag:$0x5], $0x40, s25, s24, $0xb8;
	[tilespmem:$0x1D100] =	vst v63  }
0x7c: {  	_ =	swait.ge [sflag:s21], $0x2000  }
0x7d: {  	[sflag:s21] =	ssyncset.done $0x0  }
0x7e: {  	[sflag:s21] =	ssyncadd.s32 $0xFFFFE000  }
0x7f: {  	_ =	swait.ge [sflag:s0], $0x2000  }
0x80: {  	[sflag:s0] =	ssyncset.done $0x0  }
0x81: {  	[sflag:s0] =	ssyncadd.s32 $0xFFFFE000  }
0x82: {  	_ =	swait.ge [sflag:s1], $0x80  }
0x83: {  	[sflag:s1] =	ssyncset.done $0x0  }
0x84: {  	[sflag:s1] =	ssyncadd.s32 $0xFFFFFF80  }
0x85: {  	[spmem:s3] =	stream.indirect.scatter.add.f32 [tilespmem:s28], [sflag:$0x5], $0x40, s29, s24, $0xb8;
	[tilespmem:$0x1D100] =	vst v63  }
0x86: {  	_ =	swait.ge [sflag:s21], $0x2000  }
0x87: {  	[sflag:s21] =	ssyncset.done $0x0  }
0x88: {  	[sflag:s21] =	ssyncadd.s32 $0xFFFFE000  }
0x89: {  	[bflag:$0x0] =	sbarrier.arrive $0xFFFF  }
0x8a: {  	[tilespmem:s20], [sflag:$0x5] =	stream.linear.gather [spmem:s7], $0x2000, $0x38;
	[tilespmem:$0x1D100] =	vst v63  }
0x8b: {  	_ =	swait.ge [sflag:s21], $0x2000  }
0x8c: {  	[sflag:s21] =	ssyncset.done $0x0  }
0x8d: {  	s5 =	rddreg [dreg:$0x7];
	[sflag:s21] =	ssyncadd.s32 $0xFFFFE000  }
0x8e: {  	[hbm4b:s5+s4] =	stream.linear.scatter [tilespmem:s20], [sflag:$0x5], $0x2000, $0x38;
	[tilespmem:$0x1D100] =	vst v63  }
0x8f: {  	_ =	swait.ge [sflag:s21], $0x2000  }
0x90: {  	[sflag:s21] =	ssyncset.done $0x0  }
0x91: {  	[sflag:s21] =	ssyncadd.s32 $0xFFFFE000  }
0x92: {  	[tilespmem:s20], [sflag:$0x5] =	stream.linear.gather [spmem:s8], $0x2000, $0x38;
	[tilespmem:$0x1D100] =	vst v63  }
0x93: {  	_ =	swait.ge [sflag:s21], $0x2000  }
0x94: {  	[sflag:s21] =	ssyncset.done $0x0  }
0x95: {  	s14 =	rddreg [dreg:$0x8];
	[sflag:s21] =	ssyncadd.s32 $0xFFFFE000  }
0x96: {  	[hbm4b:s14+s4] =	stream.linear.scatter [tilespmem:s20], [sflag:$0x5], $0x2000, $0x38;
	[tilespmem:$0x1D100] =	vst v63  }
0x97: {  	_ =	swait.ge [sflag:s21], $0x2000  }
0x98: {  	[sflag:s21] =	ssyncset.done $0x0  }
0x99: {  	[sflag:s21] =	ssyncadd.s32 $0xFFFFE000  }
0x9a: {  	[tilespmem:s20], [sflag:$0x5] =	stream.linear.gather [spmem:s9], $0x2000, $0x38;
	[tilespmem:$0x1D100] =	vst v63  }
0x9b: {  	_ =	swait.ge [sflag:s21], $0x2000  }
0x9c: {  	[sflag:s21] =	ssyncset.done $0x0  }
0x9d: {  	[sflag:s21] =	ssyncadd.s32 $0xFFFFE000  }
0x9e: {  	[hbm4b:s15+s4] =	stream.linear.scatter [tilespmem:s20], [sflag:$0x5], $0x2000, $0x38;
	[tilespmem:$0x1D100] =	vst v63  }
0x9f: {  	_ =	swait.ge [sflag:s21], $0x2000  }
0xa0: {  	[sflag:s21] =	ssyncset.done $0x0  }
0xa1: {  	[sflag:s21] =	ssyncadd.s32 $0xFFFFE000  }
0xa2: {  	[tilespmem:s20], [sflag:$0x5] =	stream.linear.gather [spmem:s10], $0x2000, $0x38;
	[tilespmem:$0x1D100] =	vst v63  }
0xa3: {  	_ =	swait.ge [sflag:s21], $0x2000  }
0xa4: {  	[sflag:s21] =	ssyncset.done $0x0  }
0xa5: {  	[sflag:s21] =	ssyncadd.s32 $0xFFFFE000  }
0xa6: {  	[hbm4b:s16+s4] =	stream.linear.scatter [tilespmem:s20], [sflag:$0x5], $0x2000, $0x38;
	[tilespmem:$0x1D100] =	vst v63  }
0xa7: {  	_ =	swait.ge [sflag:s21], $0x2000  }
0xa8: {  	[sflag:s21] =	ssyncset.done $0x0  }
0xa9: {  	[sflag:s21] =	ssyncadd.s32 $0xFFFFE000  }
0xaa: {  	[tilespmem:s20], [sflag:$0x5] =	stream.linear.gather [spmem:s11], $0x2000, $0x38;
	[tilespmem:$0x1D100] =	vst v63  }
0xab: {  	s26 =	sadd.s32 $0x1, s26;
	_ =	swait.ge [sflag:s21], $0x2000  }
0xac: {  	p0 =	sne.s32 s26, s18;
	[sflag:s21] =	ssyncset.done $0x0  }
.Ltmp1:
0xad: {  	[sflag:s21] =	ssyncadd.s32 $0xFFFFE000;
	(pc) =	sbr.rel @p0 .LBB2_1-.Ltmp1, $4  }
0xae: {  	[hbm4b:s17+s4] =	stream.linear.scatter [tilespmem:s20], [sflag:$0x5], $0x2000, $0x38;
	[tilespmem:$0x1D100] =	vst v63  }
0xaf: {  	_ =	swait.ge [sflag:s21], $0x2000  }
0xb0: {  	[sflag:s21] =	ssyncset.done $0x0  }
0xb1: {  	[sflag:s21] =	ssyncadd.s32 $0xFFFFE000  }
0xb2: {  	_ =	sfence.sel $0x180000  }
0xb3: {  	[bflag:$0x0] =	sbarrier.arrive $0xFFFF  }
0xb4: {  	_ =	strace $0x9000004A  }
0xb5: {  	s0 =	stileid.u32;
	[bflag:$0x2] =	sbarrier.arrive $0xFFFF  }
0xb6: {  	p0 =	sne.s32 s0, $0x0;
	s0 =	rddreg [dreg:$0x4]  }
0xb7: {  	s0 =	sadd.s32 @!p0 $0x100000, s0  }
0xb8: {  	[sflag:s0] =	ssyncadd.tile.s32 @!p0 $0x1;
	_ =	shalt  }
.Lfunc_end2:
_tile_overlayer_lowered:
.L_overlay_start_2:
0xb9: {  	(tag) =	ssettag $0x2  }
0xba: {  	s0 =	rddreg [dreg:$0x0];
	s2 =	stileid.u32  }
0xbb: {  	s1 =	rddreg [dreg:$0x1];
	p0 =	sne.s32 s2, $0x0  }
0xbc: {  	s3 =	rddreg [dreg:$0x2];
	[bflag:$0x3] =	sbarrier.arrive $0xFFFF;
	s2 =	simm.s32 @!p0 $0x1C05  }
0xbd: {  	[timem:s3], [sflag:s2] =	dma.local @!p0 [hbm:s0], s1  }
0xbe: {  	s0 =	simm.s32 @!p0 $0x5  }
0xbf: {  	_ =	swait.ge @!p0 [sflag:s0], s1  }
0xc0: {  	s1 =	ssub.s32 @!p0 $0x0, s1;
	[sflag:s0] =	ssyncset.done @!p0 $0x0  }
0xc1: {  	[sflag:s0] =	ssyncadd.s32 @!p0 s1  }
0xc2: {  	[bflag:$0x3] =	sbarrier.arrive $0xFFFF  }
0xc3: {  	_ =	shalt  }

// kernel: kernel.14.cloned.1.call-start
scs
__scs_entry_jumppad:
0x0: {  	(pc) =	sbr.rel $0x88, $3  }
0x1: {  	(tag) =	ssettag $0x0;
	lr =	simm.s32 $0x1  }
0x2: {  	[smem:$0x3F9B] =	sst lr;
	_ =	strace $0xD0000000  }
0x3: {  	_ = 	snop  }
0x4: {  	_ = 	snop  }
0x5: {  	_ = 	snop  }
0x6: {  	_ = 	snop  }
0x7: {  	_ = 	snop  }
__scs_overlays_trampoline_lowered:
0x8: {  	[smem:$0x3FAA] =	sst s0  }
0x9: {  	[smem:$0x3FAB] =	sst s1  }
0xa: {  	[smem:$0x3FAC] =	sst s2  }
0xb: {  	[smem:$0x3FAD] =	sst s3  }
0xc: {  	[smem:$0x3FAE] =	sst s4  }
0xd: {  	[smem:$0x3FAF] =	sst s5  }
0xe: {  	[smem:$0x3FB0] =	sst s6  }
0xf: {  	[smem:$0x3FB1] =	sst s7  }
0x10: {  	[smem:$0x3FB2] =	sst s8  }
0x11: {  	[smem:$0x3FB3] =	sst s9;
	s0 =	simm.s32 @!p0 $0x0  }
0x12: {  	s1 =	sld [smem:$0x3F99];
	s0 =	simm.s32 @p0 $0x1  }
0x13: {  	[smem:$0x3FB4] =	sst s0;
	s0 =	simm.s32 @!p1 $0x0  }
0x14: {  	s2 =	sld [smem:$0x3F98];
	s0 =	simm.s32 @p1 $0x1  }
0x15: {  	[smem:$0x3FB5] =	sst s0;
	s0 =	simm.s32 @!p2 $0x0  }
0x16: {  	s3 =	sld [smem:$0x3FDB];
	s0 =	simm.s32 @p2 $0x1  }
0x17: {  	s4 =	simm.s32 $0x1BF5;
	[smem:$0x3FB7] =	sst s0  }
0x18: {  	s0 =	sld [smem:$0x3F9A];
	_ =	swait.ge [sflag:s4], $0x0  }
0x19: {  	s7 =	sld [smem:$0x3F9B]  }
0x1a: {  	s8 =	sadd.s32 $0xFFFFE003, lr  }
0x1b: {  	s9 =	sadd.s32 $0xFFFFFEF7, lr;
	s5 =	simm.s32 $0xFFFFFFFF;
	p2 =	slt.u32 s8, $0xFFFFF086  }
0x1c: {  	p1 =	slt.u32 s9, $0xF7A;
	s5 =	simm.s32 @!p2 $0x0  }
0x1d: {  	s5 =	simm.s32 @p1 $0x1;
	p0 =	seq.s32 s7, s2  }
0x1e: {  	s7 =	smul.u32 @!p0 $0xF7A, s2;
	p2 =	seq.s32 @!p0 s5, $0x0  }
0x1f: {  	s9 =	smul.u32 $0xF7A, s1;
	s8 =	simm.s32 @!p0 $0x1BF5;
	p2 =	por !p2, p0  }
0x20: {  	[sflag:s8] =	ssyncset.s32 @!p0 $0xFFFFF086;
	s6 =	sadd.s32 @!p0 s3, s7;
	s7 =	simm.s32 @!p0 $0x108  }
0x21: {  	s3 =	sadd.s32 s3, s9;
	s6 =	sadd.s32 @!p0 $0x88, s6;
	s7 =	simm.s32 @p2 $0x1082  }
0x22: {  	[simem:s7], [sflag:s8] =	dma.local @!p0 [hbm:s6], $0xF7A  }
0x23: {  	s9 =	sor.u32 $0xD0000000, s2;
	s6 =	simm.s32 $0x108;
	_ =	swait.ge @!p0 [sflag:s8], $0x0  }
0x24: {  	s3 =	sadd.s32 $0x88, s3;
	s6 =	simm.s32 @!p1 $0x1082;
	[sflag:s4] =	ssyncset.s32 $0xFFFFF086  }
0x25: {  	[simem:s6], [sflag:s4] =	dma.local [hbm:s3], $0xF7A  }
0x26: {  	[smem:$0x3F9B] =	sst s1;
	(tag) =	ssettag s2;
	_ =	strace s9  }
0x27: {  	s1 =	sld [smem:$0x3FAB]  }
0x28: {  	s2 =	sld [smem:$0x3FAC]  }
0x29: {  	s4 =	sld [smem:$0x3FAE]  }
0x2a: {  	p0 =	seq.s32 s5, $0x0;
	s5 =	sld [smem:$0x3FAF]  }
0x2b: {  	s6 =	sld [smem:$0x3FB0]  }
0x2c: {  	s7 =	sld [smem:$0x3FB1]  }
0x2d: {  	s3 =	simm.s32 $0x108;
	s8 =	sld [smem:$0x3FB2]  }
0x2e: {  	s3 =	simm.s32 @!p0 $0x1082;
	s9 =	sld [smem:$0x3FB3]  }
0x2f: {  	lr =	sadd.s32 s0, s3;
	s0 =	sld [smem:$0x3FAA]  }
0x30: {  	s3 =	sld [smem:$0x3FAD]  }
0x31: {  	[smem:$0x3FB6] =	sst s10  }
0x32: {  	s10 =	sld [smem:$0x3FB4];
	_ =	sdelay $0x3  }
0x33: {  	p0 =	seq.s32 s10, $0x1;
	s10 =	sld [smem:$0x3FB6];
	_ =	sdelay $0x3  }
0x34: {  	[smem:$0x3FB6] =	sst s10  }
0x35: {  	s10 =	sld [smem:$0x3FB5];
	_ =	sdelay $0x3  }
0x36: {  	p1 =	seq.s32 s10, $0x1;
	s10 =	sld [smem:$0x3FB6];
	_ =	sdelay $0x3  }
0x37: {  	[smem:$0x3FB6] =	sst s10  }
0x38: {  	s10 =	sld [smem:$0x3FB7]  }
0x39: {  	_ = 	snop;
	(pc) =	sbr.ind lr, $3  }
0x3a: {  	_ = 	snop  }
0x3b: {  	_ = 	snop  }
0x3c: {  	p2 =	seq.s32 s10, $0x1;
	s10 =	sld [smem:$0x3FB6]  }
0x3d: {  	_ =	shalt  }
0x3e: {  	_ =	shalt  }
0x3f: {  	_ =	shalt  }
0x40: {  	_ =	shalt  }
0x41: {  	_ =	shalt  }
0x42: {  	_ =	shalt  }
0x43: {  	_ =	shalt  }
0x44: {  	_ =	shalt  }
0x45: {  	_ =	shalt  }
0x46: {  	_ =	shalt  }
0x47: {  	_ =	shalt  }
0x48: {  	_ =	shalt  }
0x49: {  	_ =	shalt  }
0x4a: {  	_ =	shalt  }
0x4b: {  	_ =	shalt  }
0x4c: {  	_ =	shalt  }
0x4d: {  	_ =	shalt  }
0x4e: {  	_ =	shalt  }
0x4f: {  	_ =	shalt  }
0x50: {  	_ =	shalt  }
0x51: {  	_ =	shalt  }
0x52: {  	_ =	shalt  }
0x53: {  	_ =	shalt  }
0x54: {  	_ =	shalt  }
0x55: {  	_ =	shalt  }
0x56: {  	_ =	shalt  }
0x57: {  	_ =	shalt  }
0x58: {  	_ =	shalt  }
0x59: {  	_ =	shalt  }
0x5a: {  	_ =	shalt  }
0x5b: {  	_ =	shalt  }
0x5c: {  	_ =	shalt  }
0x5d: {  	_ =	shalt  }
0x5e: {  	_ =	shalt  }
0x5f: {  	_ =	shalt  }
0x60: {  	_ =	shalt  }
0x61: {  	_ =	shalt  }
0x62: {  	_ =	shalt  }
0x63: {  	_ =	shalt  }
0x64: {  	_ =	shalt  }
0x65: {  	_ =	shalt  }
0x66: {  	_ =	shalt  }
0x67: {  	_ =	shalt  }
0x68: {  	_ =	shalt  }
0x69: {  	_ =	shalt  }
0x6a: {  	_ =	shalt  }
0x6b: {  	_ =	shalt  }
0x6c: {  	_ =	shalt  }
0x6d: {  	_ =	shalt  }
0x6e: {  	_ =	shalt  }
0x6f: {  	_ =	shalt  }
0x70: {  	_ =	shalt  }
0x71: {  	_ =	shalt  }
0x72: {  	_ =	shalt  }
0x73: {  	_ =	shalt  }
0x74: {  	_ =	shalt  }
0x75: {  	_ =	shalt  }
0x76: {  	_ =	shalt  }
0x77: {  	_ =	shalt  }
0x78: {  	_ =	shalt  }
0x79: {  	_ =	shalt  }
0x7a: {  	_ =	shalt  }
0x7b: {  	_ =	shalt  }
0x7c: {  	_ =	shalt  }
0x7d: {  	_ =	shalt  }
0x7e: {  	_ =	shalt  }
0x7f: {  	_ =	shalt  }
0x80: {  	_ =	shalt  }
0x81: {  	_ =	shalt  }
0x82: {  	_ =	shalt  }
0x83: {  	_ =	shalt  }
0x84: {  	_ =	shalt  }
0x85: {  	_ =	shalt  }
0x86: {  	_ =	shalt  }
0x87: {  	_ =	shalt  }
.Lfunc_end0:
.L_simem_size_0:
called_computation.2_lowered:
.L_overlay_start_0:
0x88: {  	s2 =	sld [smem:$0x3FD9]  }
0x89: {  	s3 =	sld [smem:$0x3FFE];
	_ =	sdelay $0x1  }
0x8a: {  	s1 =	srdreg.scid  }
0x8b: {  	s0 =	sand.u32 $0x1, s1  }
0x8c: {  	s17 =	sshll.u32 s0, $0xA;
	s2 =	sadd.s32 s3, s2  }
0x8d: {  	s2 =	sadd.s32 s2, s17  }
0x8e: {  	[smem:$0x3FC2] =	sst s2  }
0x8f: {  	_ = 	snop  }
0x90: {  	s2 =	sld [smem:$0x3FD0];
	(tm) =	ssettm $0x1  }
0x91: {  	s18 =	sld [smem:$0x3FFB];
	_ =	sdelay $0x3  }
0x92: {  	_ =	strace s18  }
0x93: {  	s3 =	sld [smem:$0x3FFC];
	_ =	sdelay $0x3  }
0x94: {  	_ =	strace s3  }
0x95: {  	s3 =	sld [smem:$0x3FFD];
	_ =	sdelay $0x3  }
0x96: {  	_ =	strace s3  }
0x97: {  	_ =	strace $0x8FFFFFFF  }
0x98: {  	s19 =	sld [smem:$0x3FDB];
	_ =	sdelay $0x1  }
0x99: {  	s4 =	simm.s32 $_scs_section_size  }
0x9a: {  	s5 =	simm.s32 $_size__tile_overlayer_lowered;
	s6 =	simm.s32 $_tile_overlayer_lowered  }
0x9b: {  	s22 =	simm.s32 $0x1BFF;
	s21 =	sshll.u32 s6, $0x1;
	s3 =	sadd.s32 s4, s19  }
0x9c: {  	s7 =	simm.s32 $0x0;
	s20 =	sshll.u32 s5, $0x1;
	s5 =	sadd.s32 s21, s3  }
0x9d: {  	[timem:s7], [sflag:s22] =	dma.local [hbm:s5], s20  }
0x9e: {  	_ =	swait.ge [sflag:s22], s20  }
0x9f: {  	s4 =	ssub.s32 $0x0, s20;
	[sflag:s22] =	ssyncset.done $0x0  }
0xa0: {  	[sflag:s22] =	ssyncadd.s32 s4;
	_ =	sdelay $0x1  }
0xa1: {  	s23 =	simm.s32 $0x1B8B  }
0xa2: {  	_ =	swait.ge [sflag:s23], $0x1  }
0xa3: {  	[sflag:s23] =	ssyncset.done $0x0  }
0xa4: {  	s25 =	simm.s32 $0x1B8E;
	s24 =	sld [smem:$0x3FFE];
	[sflag:s23] =	ssyncadd.s32 $0xFFFFFFFF  }
0xa5: {  	s26 =	simm.s32 $execute0_lowered;
	[smem:$0x3FD2] =	sst s25  }
0xa6: {  	s5 =	sshll.u32 s26, $0x1;
	_ =	strace $0x8000004C;
	[dreg:$0x1] =	wrdreg $0xFFFFFFFF  }
0xa7: {  	s28 =	simm.s32 $_size_execute0_lowered;
	s3 =	sadd.s32 s3, s5;
	[dreg:$0x0] =	wrdreg $0x0  }
0xa8: {  	s5 =	sshll.u32 s28, $0x1;
	[dreg:$0x2] =	wrdreg s3  }
0xa9: {  	[dreg:$0x3] =	wrdreg s5  }
0xaa: {  	[dreg:$0x4] =	wrdreg $0xC0  }
0xab: {  	_ =	task [dreg:s7], $0x5FFFF  }
0xac: {  	[dreg:$0x1] =	wrdreg $0xFFFFFFFF  }
0xad: {  	[dreg:$0x0] =	wrdreg $0x60  }
0xae: {  	[dreg:$0x2] =	wrdreg s24  }
0xaf: {  	[dreg:$0x3] =	wrdreg s2  }
0xb0: {  	[dreg:$0x4] =	wrdreg $0x0  }
0xb1: {  	[dreg:$0x5] =	wrdreg $0x50000  }
0xb2: {  	[dreg:$0x6] =	wrdreg $0x9  }
0xb3: {  	_ =	task.clear_ibuf [dreg:s7], $0x7FFFF;
	_ =	strace $0x9000004C  }
0xb4: {  	s29 =	simm.s32 $0x9;
	_ =	strace $0x8000004E  }
0xb5: {  	_ =	swait.ge [sflag:s29], $0x1  }
0xb6: {  	[sflag:s29] =	ssyncadd.s32 $0xFFFFFFFF  }
0xb7: {  	_ =	strace $0x9000004E  }
0xb8: {  	_ =	sfence  }
0xb9: {  	s30 =	sld [smem:$0x0];
	_ =	sdelay $0x2  }
0xba: {  	s31 =	sshll.u32 s1, $0xD;
	s1 =	sshrl.u32 s1, $0x2  }
0xbb: {  	s3 =	sand.u32 $0x4000, s31;
	s1 =	sadd.s32 s1, s30  }
0xbc: {  	s0 =	sor.u32 s3, s0;
	s1 =	sshll.u32 s1, $0x11  }
0xbd: {  	s0 =	sor.u32 s1, s0  }
0xbe: {  	s0 =	sadd.s32 $0x8F2B, s0  }
0xbf: {  	[sflag:s0] =	ssyncadd.remote.s32 $0x1  }
0xc0: {  	_ =	sfence.sel $0xFFFF  }
0xc1: {  	[dreg:$0x0] =	wrdreg $0xFFFFFFFF;
	(pc) =	sbr.abs _section_cstart, $3  }
0xc2: {  	[dreg:$0x1] =	wrdreg $0xFFFFFFFF  }
0xc3: {  	_ =	task.clear_ibuf [dreg:s7], $0x2FFFF;
	_ =	strace $0x9FFFFFFF  }
0xc4: {  	(tm) =	ssettm $0x7FFFFFFF  }
0xc5: {  	_ =	shalt  }
tec
execute0_lowered:
.L_overlay_start_1:
0x0: {  	(tag) =	ssettag $0x1  }
0x1: {  	s0 =	rddreg [dreg:$0x0]  }
0x2: {  	s1 =	rddreg [dreg:$0x1]  }
0x3: {  	s2 =	rddreg [dreg:$0x2]  }
0x4: {  	s3 =	rddreg [dreg:$0x3];
	s11 =	stileid.u32  }
0x5: {  	s6 =	srdreg.scid;
	s5 =	smul.u32 $0xA00, s11  }
0x6: {  	s4 =	simm.s32 $0x0;
	s28 =	simm.s32 $0x10100;
	s7 =	smul.u32 $0x280, s11  }
0x7: {  	s29 =	simm.s32 $0xF080;
	s30 =	simm.s32 $0x1;
	s20 =	smul.u32 $0x14000, s11  }
0x8: {  	s31 =	simm.s32 $0x3;
	s6 =	sand.u32 $0x1, s6;
	s11 =	smul.u32 $0x5000, s11  }
0x9: {  	[smem:$0x7FF] =	sst s4;
	s10 =	sadd.s32 $0xC400, s0;
	s8 =	smul.u32 $0x2800, s6  }
0xa: {  	_ =	strace $0x8000004D;
	[dreg:$0x5] =	wrdreg s10;
	s19 =	ssub.s32 $0x2, s6  }
0xb: {  	p0 =	seq.s32 s6, $0x1;
	s9 =	sadd.s32 s5, s0;
	s21 =	sshrl.u32 s19, $0x1  }
0xc: {  	s23 =	sshrl.u32 s20, $0x2;
	s24 =	sadd.s32 s11, s2;
	s12 =	sadd.s32 s1, s5  }
0xd: {  	s1 =	simm.s32 $0x2400;
	s20 =	simm.s32 $0xF100;
	s7 =	sadd.s32 s7, s8  }
0xe: {  	s18 =	ssub.s32 s19, s21;
	s22 =	sadd.s32 $0xC800, s9;
	s19 =	sshrl.u32 s11, $0x3  }
0xf: {  	s1 =	simm.s32 @!p0 $0x16800;
	s21 =	simm.s32 $0x5;
	s7 =	sshll.u32 s7, $0x2  }
0x10: {  	[dreg:$0x6] =	wrdreg s22;
	s18 =	smax.u32 s18, $0x1;
	s22 =	simm.s32 $0xA000  }
0x11: {  	s13 =	sadd.s32 s7, s0;
	s7 =	sadd.s32 s23, s3;
	s0 =	sadd.s32 s1, s0  }
0x12: {  	s23 =	sshrl.u32 s24, $0x3;
	s24 =	simm.s32 $0x80;
	s1 =	simm.s32 $0x4  }
0x13: {  	s8 =	sadd.s32 $0x1000, s7;
	s9 =	sadd.s32 $0x2000, s7;
	s10 =	sadd.s32 $0x3000, s7  }
0x14: {  	s11 =	sadd.s32 $0x4000, s7;
	s25 =	sadd.s32 $0x20800, s13;
	s26 =	sadd.s32 $0x20A00, s13  }
0x15: {  	s15 =	sadd.s32 $0x20C00, s13;
	s16 =	sadd.s32 $0x20E00, s13;
	s17 =	sadd.s32 $0x21000, s13  }
0x16: {  	s19 =	sadd.s32 s0, s19;
	s0 =	simm.s32 $0x2;
	[dreg:$0x7] =	wrdreg s25  }
0x17: {  	[dreg:$0x8] =	wrdreg s26;
	s25 =	simm.s32 $0xF000;
	s26 =	simm.s32 $0x0  }
.LBB2_1:
0x18: {  	s5 =	rddreg [dreg:$0x5]  }
0x19: {  	[tilespmem:s20], [sflag:$0x5] =	stream.linear.gather [hbm4b:s5+s4], $0x1000, $0x38;
	[tilespmem:$0x11100] =	vst v63  }
0x1a: {  	_ =	swait.ge [sflag:s21], $0x1000  }
0x1b: {  	[sflag:s21] =	ssyncset.done $0x0  }
0x1c: {  	s6 =	rddreg [dreg:$0x6];
	[sflag:s21] =	ssyncadd.s32 $0xFFFFF000  }
0x1d: {  	[tilespmem:s22], [sflag:$0x5] =	stream.linear.gather [hbm4b:s6+s4], $0x5000, $0x38;
	[tilespmem:$0x11100] =	vst v63  }
0x1e: {  	s13 =	stileid.u32;
	_ =	swait.ge [sflag:s21], $0x5000  }
0x1f: {  	s5 =	sshll.u32 s13, $0x6;
	[sflag:s21] =	ssyncset.done $0x0  }
0x20: {  	s5 =	sor.u32 $0x1C05, s5;
	[sflag:s21] =	ssyncadd.s32 $0xFFFFB000  }
0x21: {  	[spmem:s23], [sflag:s5] =	dma.local [hbm:s19], $0xA00  }
0x22: {  	_ =	swait.ge [sflag:s21], $0xA00  }
0x23: {  	[sflag:s21] =	ssyncset.done $0x0  }
0x24: {  	[sflag:s21] =	ssyncadd.s32 $0xFFFFF600  }
0x25: {  	[spmem:s7] =	stream.linear.scatter [tilespmem:s20], [sflag:$0x5], $0x1000, $0x38;
	[tilespmem:$0x11100] =	vst v63  }
0x26: {  	_ =	swait.ge [sflag:s21], $0x1000  }
0x27: {  	[sflag:s21] =	ssyncset.done $0x0  }
0x28: {  	[sflag:s21] =	ssyncadd.s32 $0xFFFFF000  }
0x29: {  	[spmem:s8] =	stream.linear.scatter [tilespmem:s20], [sflag:$0x5], $0x1000, $0x38;
	[tilespmem:$0x11100] =	vst v63  }
0x2a: {  	_ =	swait.ge [sflag:s21], $0x1000  }
0x2b: {  	[sflag:s21] =	ssyncset.done $0x0  }
0x2c: {  	[sflag:s21] =	ssyncadd.s32 $0xFFFFF000  }
0x2d: {  	[spmem:s9] =	stream.linear.scatter [tilespmem:s20], [sflag:$0x5], $0x1000, $0x38;
	[tilespmem:$0x11100] =	vst v63  }
0x2e: {  	_ =	swait.ge [sflag:s21], $0x1000  }
0x2f: {  	[sflag:s21] =	ssyncset.done $0x0  }
0x30: {  	[sflag:s21] =	ssyncadd.s32 $0xFFFFF000  }
0x31: {  	[spmem:s10] =	stream.linear.scatter [tilespmem:s20], [sflag:$0x5], $0x1000, $0x38;
	[tilespmem:$0x11100] =	vst v63  }
0x32: {  	_ =	swait.ge [sflag:s21], $0x1000  }
0x33: {  	[sflag:s21] =	ssyncset.done $0x0  }
0x34: {  	[sflag:s21] =	ssyncadd.s32 $0xFFFFF000  }
0x35: {  	[spmem:s11] =	stream.linear.scatter [tilespmem:s20], [sflag:$0x5], $0x1000, $0x38;
	[tilespmem:$0x11100] =	vst v63  }
0x36: {  	_ =	swait.ge [sflag:s21], $0x1000  }
0x37: {  	[sflag:s21] =	ssyncset.done $0x0  }
0x38: {  	[sflag:s21] =	ssyncadd.s32 $0xFFFFF000  }
0x39: {  	[bflag:$0x0] =	sbarrier.arrive $0xFFFF  }
0x3a: {  	[tilespmem:s20], [sflag:$0x1] =	stream.indirect.gather [spmem:s2], $0x20, s22, s24, $0xb8;
	[tilespmem:$0x11100] =	vst v63  }
0x3b: {  	_ = 	snop  }
0x3c: {  	[tilespmem:s25], [sflag:$0x3] =	stream.linear.gather [hbm4b:s12+s4], $0x80, $0x38;
	[tilespmem:$0x11100] =	vst v63  }
0x3d: {  	s14 =	simm.s32 $0xA080  }
0x3e: {  	[tilespmem:s28], [sflag:$0x2] =	stream.indirect.gather [spmem:s2], $0x20, s14, s24, $0xb8;
	[tilespmem:$0x11100] =	vst v63  }
0x3f: {  	s6 =	sadd.s32 $0x10, s12  }
0x40: {  	[tilespmem:s29], [sflag:$0x4] =	stream.linear.gather [hbm4b:s6+s4], $0x80, $0x38;
	[tilespmem:$0x11100] =	vst v63  }
0x41: {  	_ =	swait.ge [sflag:s30], $0x1000  }
0x42: {  	[sflag:s30] =	ssyncset.done $0x0  }
0x43: {  	[sflag:s30] =	ssyncadd.s32 $0xFFFFF000  }
0x44: {  	_ =	swait.ge [sflag:s31], $0x80  }
0x45: {  	[sflag:s31] =	ssyncset.done $0x0  }
0x46: {  	[sflag:s31] =	ssyncadd.s32 $0xFFFFFF80  }
0x47: {  	[spmem:s3] =	stream.indirect.scatter.add.f32 [tilespmem:s20], [sflag:$0x5], $0x20, s25, s24, $0xb8;
	[tilespmem:$0x11100] =	vst v63  }
0x48: {  	_ =	swait.ge [sflag:s21], $0x1000  }
0x49: {  	[sflag:s21] =	ssyncset.done $0x0  }
0x4a: {  	s13 =	simm.s32 $0xA100;
	[sflag:s21] =	ssyncadd.s32 $0xFFFFF000  }
0x4b: {  	[tilespmem:s20], [sflag:$0x1] =	stream.indirect.gather [spmem:s2], $0x20, s13, s24, $0xb8;
	[tilespmem:$0x11100] =	vst v63  }
0x4c: {  	s6 =	sadd.s32 $0x20, s12  }
0x4d: {  	[tilespmem:s25], [sflag:$0x3] =	stream.linear.gather [hbm4b:s6+s4], $0x80, $0x38;
	[tilespmem:$0x11100] =	vst v63  }
0x4e: {  	_ =	swait.ge [sflag:s0], $0x1000  }
0x4f: {  	[sflag:s0] =	ssyncset.done $0x0  }
0x50: {  	[sflag:s0] =	ssyncadd.s32 $0xFFFFF000  }
0x51: {  	_ =	swait.ge [sflag:s1], $0x80  }
0x52: {  	[sflag:s1] =	ssyncset.done $0x0  }
0x53: {  	[sflag:s1] =	ssyncadd.s32 $0xFFFFFF80  }
0x54: {  	[spmem:s3] =	stream.indirect.scatter.add.f32 [tilespmem:s28], [sflag:$0x5], $0x20, s29, s24, $0xb8;
	[tilespmem:$0x11100] =	vst v63  }
0x55: {  	_ =	swait.ge [sflag:s21], $0x1000  }
0x56: {  	s5 =	simm.s32 $0xFFFEC800;
	s14 =	simm.s32 $0xA180;
	[sflag:s21] =	ssyncset.done $0x0  }
0x57: {  	s13 =	sadd.s32 $0x10, s6;
	s6 =	sadd.s32 $0x20, s6;
	[sflag:s21] =	ssyncadd.s32 $0xFFFFF000  }
0x58: {  	[tilespmem:s28], [sflag:$0x2] =	stream.indirect.gather [spmem:s2], $0x20, s14, s24, $0xb8;
	[tilespmem:$0x11100] =	vst v63  }
.LBB2_2:
0x59: {  	[tilespmem:s29], [sflag:$0x4] =	stream.linear.gather [hbm4b:s13+s4], $0x80, $0x38;
	[tilespmem:$0x11100] =	vst v63  }
0x5a: {  	s13 =	smov.u32 s5  }
0x5b: {  	p0 =	sne.s32 s5, $0xFFFFFC00;
	s5 =	sadd.s32 $0x400, s5;
	_ =	swait.ge [sflag:s30], $0x1000  }
0x5c: {  	[sflag:s30] =	ssyncset.done $0x0  }
0x5d: {  	[sflag:s30] =	ssyncadd.s32 $0xFFFFF000  }
0x5e: {  	_ =	swait.ge [sflag:s31], $0x80  }
0x5f: {  	[sflag:s31] =	ssyncset.done $0x0  }
0x60: {  	[sflag:s31] =	ssyncadd.s32 $0xFFFFFF80  }
0x61: {  	[spmem:s3] =	stream.indirect.scatter.add.f32 [tilespmem:s20], [sflag:$0x5], $0x20, s25, s24, $0xb8;
	[tilespmem:$0x11100] =	vst v63  }
0x62: {  	_ =	swait.ge [sflag:s21], $0x1000  }
0x63: {  	s13 =	sshra.s32 s13, $0x2;
	[sflag:s21] =	ssyncset.done $0x0  }
0x64: {  	s14 =	sadd.s32 $0xF000, s13;
	[sflag:s21] =	ssyncadd.s32 $0xFFFFF000  }
0x65: {  	[tilespmem:s20], [sflag:$0x1] =	stream.indirect.gather [spmem:s2], $0x20, s14, s24, $0xb8;
	[tilespmem:$0x11100] =	vst v63  }
0x66: {  	_ = 	snop  }
0x67: {  	[tilespmem:s25], [sflag:$0x3] =	stream.linear.gather [hbm4b:s6+s4], $0x80, $0x38;
	[tilespmem:$0x11100] =	vst v63  }
0x68: {  	_ =	swait.ge [sflag:s0], $0x1000  }
0x69: {  	[sflag:s0] =	ssyncset.done $0x0  }
0x6a: {  	[sflag:s0] =	ssyncadd.s32 $0xFFFFF000  }
0x6b: {  	_ =	swait.ge [sflag:s1], $0x80  }
0x6c: {  	[sflag:s1] =	ssyncset.done $0x0  }
0x6d: {  	[sflag:s1] =	ssyncadd.s32 $0xFFFFFF80  }
0x6e: {  	[spmem:s3] =	stream.indirect.scatter.add.f32 [tilespmem:s28], [sflag:$0x5], $0x20, s29, s24, $0xb8;
	[tilespmem:$0x11100] =	vst v63  }
.Ltmp0:
0x6f: {  	_ =	swait.ge [sflag:s21], $0x1000;
	(pc) =	sbr.rel @p0 .LBB2_2-.Ltmp0, $4  }
0x70: {  	[sflag:s21] =	ssyncset.done $0x0  }
0x71: {  	s13 =	sadd.s32 $0xF080, s13;
	[sflag:s21] =	ssyncadd.s32 $0xFFFFF000  }
0x72: {  	[tilespmem:s28], [sflag:$0x2] =	stream.indirect.gather [spmem:s2], $0x20, s13, s24, $0xb8;
	[tilespmem:$0x11100] =	vst v63  }
0x73: {  	s13 =	sadd.s32 $0x10, s6;
	s6 =	sadd.s32 $0x20, s6  }
0x74: {  	[tilespmem:s29], [sflag:$0x4] =	stream.linear.gather [hbm4b:s13+s4], $0x80, $0x38;
	[tilespmem:$0x11100] =	vst v63  }
0x75: {  	_ =	swait.ge [sflag:s30], $0x1000  }
0x76: {  	[sflag:s30] =	ssyncset.done $0x0  }
0x77: {  	[sflag:s30] =	ssyncadd.s32 $0xFFFFF000  }
0x78: {  	_ =	swait.ge [sflag:s31], $0x80  }
0x79: {  	[sflag:s31] =	ssyncset.done $0x0  }
0x7a: {  	[sflag:s31] =	ssyncadd.s32 $0xFFFFFF80  }
0x7b: {  	[spmem:s3] =	stream.indirect.scatter.add.f32 [tilespmem:s20], [sflag:$0x5], $0x20, s25, s24, $0xb8;
	[tilespmem:$0x11100] =	vst v63  }
0x7c: {  	_ =	swait.ge [sflag:s21], $0x1000  }
0x7d: {  	[sflag:s21] =	ssyncset.done $0x0  }
0x7e: {  	[sflag:s21] =	ssyncadd.s32 $0xFFFFF000  }
0x7f: {  	_ =	swait.ge [sflag:s0], $0x1000  }
0x80: {  	[sflag:s0] =	ssyncset.done $0x0  }
0x81: {  	[sflag:s0] =	ssyncadd.s32 $0xFFFFF000  }
0x82: {  	_ =	swait.ge [sflag:s1], $0x80  }
0x83: {  	[sflag:s1] =	ssyncset.done $0x0  }
0x84: {  	[sflag:s1] =	ssyncadd.s32 $0xFFFFFF80  }
0x85: {  	[spmem:s3] =	stream.indirect.scatter.add.f32 [tilespmem:s28], [sflag:$0x5], $0x20, s29, s24, $0xb8;
	[tilespmem:$0x11100] =	vst v63  }
0x86: {  	_ =	swait.ge [sflag:s21], $0x1000  }
0x87: {  	[sflag:s21] =	ssyncset.done $0x0  }
0x88: {  	[sflag:s21] =	ssyncadd.s32 $0xFFFFF000  }
0x89: {  	[bflag:$0x0] =	sbarrier.arrive $0xFFFF  }
0x8a: {  	[tilespmem:s20], [sflag:$0x5] =	stream.linear.gather [spmem:s7], $0x1000, $0x38;
	[tilespmem:$0x11100] =	vst v63  }
0x8b: {  	_ =	swait.ge [sflag:s21], $0x1000  }
0x8c: {  	[sflag:s21] =	ssyncset.done $0x0  }
0x8d: {  	s5 =	rddreg [dreg:$0x7];
	[sflag:s21] =	ssyncadd.s32 $0xFFFFF000  }
0x8e: {  	[hbm4b:s5+s4] =	stream.linear.scatter [tilespmem:s20], [sflag:$0x5], $0x1000, $0x38;
	[tilespmem:$0x11100] =	vst v63  }
0x8f: {  	_ =	swait.ge [sflag:s21], $0x1000  }
0x90: {  	[sflag:s21] =	ssyncset.done $0x0  }
0x91: {  	[sflag:s21] =	ssyncadd.s32 $0xFFFFF000  }
0x92: {  	[tilespmem:s20], [sflag:$0x5] =	stream.linear.gather [spmem:s8], $0x1000, $0x38;
	[tilespmem:$0x11100] =	vst v63  }
0x93: {  	_ =	swait.ge [sflag:s21], $0x1000  }
0x94: {  	[sflag:s21] =	ssyncset.done $0x0  }
0x95: {  	s14 =	rddreg [dreg:$0x8];
	[sflag:s21] =	ssyncadd.s32 $0xFFFFF000  }
0x96: {  	[hbm4b:s14+s4] =	stream.linear.scatter [tilespmem:s20], [sflag:$0x5], $0x1000, $0x38;
	[tilespmem:$0x11100] =	vst v63  }
0x97: {  	_ =	swait.ge [sflag:s21], $0x1000  }
0x98: {  	[sflag:s21] =	ssyncset.done $0x0  }
0x99: {  	[sflag:s21] =	ssyncadd.s32 $0xFFFFF000  }
0x9a: {  	[tilespmem:s20], [sflag:$0x5] =	stream.linear.gather [spmem:s9], $0x1000, $0x38;
	[tilespmem:$0x11100] =	vst v63  }
0x9b: {  	_ =	swait.ge [sflag:s21], $0x1000  }
0x9c: {  	[sflag:s21] =	ssyncset.done $0x0  }
0x9d: {  	[sflag:s21] =	ssyncadd.s32 $0xFFFFF000  }
0x9e: {  	[hbm4b:s15+s4] =	stream.linear.scatter [tilespmem:s20], [sflag:$0x5], $0x1000, $0x38;
	[tilespmem:$0x11100] =	vst v63  }
0x9f: {  	_ =	swait.ge [sflag:s21], $0x1000  }
0xa0: {  	[sflag:s21] =	ssyncset.done $0x0  }
0xa1: {  	[sflag:s21] =	ssyncadd.s32 $0xFFFFF000  }
0xa2: {  	[tilespmem:s20], [sflag:$0x5] =	stream.linear.gather [spmem:s10], $0x1000, $0x38;
	[tilespmem:$0x11100] =	vst v63  }
0xa3: {  	_ =	swait.ge [sflag:s21], $0x1000  }
0xa4: {  	[sflag:s21] =	ssyncset.done $0x0  }
0xa5: {  	[sflag:s21] =	ssyncadd.s32 $0xFFFFF000  }
0xa6: {  	[hbm4b:s16+s4] =	stream.linear.scatter [tilespmem:s20], [sflag:$0x5], $0x1000, $0x38;
	[tilespmem:$0x11100] =	vst v63  }
0xa7: {  	_ =	swait.ge [sflag:s21], $0x1000  }
0xa8: {  	[sflag:s21] =	ssyncset.done $0x0  }
0xa9: {  	[sflag:s21] =	ssyncadd.s32 $0xFFFFF000  }
0xaa: {  	[tilespmem:s20], [sflag:$0x5] =	stream.linear.gather [spmem:s11], $0x1000, $0x38;
	[tilespmem:$0x11100] =	vst v63  }
0xab: {  	s26 =	sadd.s32 $0x1, s26;
	_ =	swait.ge [sflag:s21], $0x1000  }
0xac: {  	p0 =	sne.s32 s26, s18;
	[sflag:s21] =	ssyncset.done $0x0  }
.Ltmp1:
0xad: {  	[sflag:s21] =	ssyncadd.s32 $0xFFFFF000;
	(pc) =	sbr.rel @p0 .LBB2_1-.Ltmp1, $4  }
0xae: {  	[hbm4b:s17+s4] =	stream.linear.scatter [tilespmem:s20], [sflag:$0x5], $0x1000, $0x38;
	[tilespmem:$0x11100] =	vst v63  }
0xaf: {  	_ =	swait.ge [sflag:s21], $0x1000  }
0xb0: {  	[sflag:s21] =	ssyncset.done $0x0  }
0xb1: {  	[sflag:s21] =	ssyncadd.s32 $0xFFFFF000  }
0xb2: {  	_ =	sfence.sel $0x180000  }
0xb3: {  	[bflag:$0x0] =	sbarrier.arrive $0xFFFF  }
0xb4: {  	_ =	strace $0x9000004D  }
0xb5: {  	s0 =	stileid.u32;
	[bflag:$0x2] =	sbarrier.arrive $0xFFFF  }
0xb6: {  	p0 =	sne.s32 s0, $0x0;
	s0 =	rddreg [dreg:$0x4]  }
0xb7: {  	s0 =	sadd.s32 @!p0 $0x100000, s0  }
0xb8: {  	[sflag:s0] =	ssyncadd.tile.s32 @!p0 $0x1;
	_ =	shalt  }
.Lfunc_end2:
_tile_overlayer_lowered:
.L_overlay_start_2:
0xb9: {  	(tag) =	ssettag $0x2  }
0xba: {  	s0 =	rddreg [dreg:$0x0];
	s2 =	stileid.u32  }
0xbb: {  	s1 =	rddreg [dreg:$0x1];
	p0 =	sne.s32 s2, $0x0  }
0xbc: {  	s3 =	rddreg [dreg:$0x2];
	[bflag:$0x3] =	sbarrier.arrive $0xFFFF;
	s2 =	simm.s32 @!p0 $0x1C05  }
0xbd: {  	[timem:s3], [sflag:s2] =	dma.local @!p0 [hbm:s0], s1  }
0xbe: {  	s0 =	simm.s32 @!p0 $0x5  }
0xbf: {  	_ =	swait.ge @!p0 [sflag:s0], s1  }
0xc0: {  	s1 =	ssub.s32 @!p0 $0x0, s1;
	[sflag:s0] =	ssyncset.done @!p0 $0x0  }
0xc1: {  	[sflag:s0] =	ssyncadd.s32 @!p0 s1  }
0xc2: {  	[bflag:$0x3] =	sbarrier.arrive $0xFFFF  }
0xc3: {  	_ =	shalt  }

// kernel: kernel.8.cloned.1.call-start
scs
__scs_entry_jumppad:
0x0: {  	(pc) =	sbr.rel $0x88, $3  }
0x1: {  	(tag) =	ssettag $0x0;
	lr =	simm.s32 $0x1  }
0x2: {  	[smem:$0x3F9B] =	sst lr;
	_ =	strace $0xD0000000  }
0x3: {  	_ = 	snop  }
0x4: {  	_ = 	snop  }
0x5: {  	_ = 	snop  }
0x6: {  	_ = 	snop  }
0x7: {  	_ = 	snop  }
__scs_overlays_trampoline_lowered:
0x8: {  	[smem:$0x3FAA] =	sst s0  }
0x9: {  	[smem:$0x3FAB] =	sst s1  }
0xa: {  	[smem:$0x3FAC] =	sst s2  }
0xb: {  	[smem:$0x3FAD] =	sst s3  }
0xc: {  	[smem:$0x3FAE] =	sst s4  }
0xd: {  	[smem:$0x3FAF] =	sst s5  }
0xe: {  	[smem:$0x3FB0] =	sst s6  }
0xf: {  	[smem:$0x3FB1] =	sst s7  }
0x10: {  	[smem:$0x3FB2] =	sst s8  }
0x11: {  	[smem:$0x3FB3] =	sst s9;
	s0 =	simm.s32 @!p0 $0x0  }
0x12: {  	s1 =	sld [smem:$0x3F99];
	s0 =	simm.s32 @p0 $0x1  }
0x13: {  	[smem:$0x3FB4] =	sst s0;
	s0 =	simm.s32 @!p1 $0x0  }
0x14: {  	s2 =	sld [smem:$0x3F98];
	s0 =	simm.s32 @p1 $0x1  }
0x15: {  	[smem:$0x3FB5] =	sst s0;
	s0 =	simm.s32 @!p2 $0x0  }
0x16: {  	s3 =	sld [smem:$0x3FDB];
	s0 =	simm.s32 @p2 $0x1  }
0x17: {  	s4 =	simm.s32 $0x1BF5;
	[smem:$0x3FB7] =	sst s0  }
0x18: {  	s0 =	sld [smem:$0x3F9A];
	_ =	swait.ge [sflag:s4], $0x0  }
0x19: {  	s7 =	sld [smem:$0x3F9B]  }
0x1a: {  	s8 =	sadd.s32 $0xFFFFE003, lr  }
0x1b: {  	s9 =	sadd.s32 $0xFFFFFEF7, lr;
	s5 =	simm.s32 $0xFFFFFFFF;
	p2 =	slt.u32 s8, $0xFFFFF086  }
0x1c: {  	p1 =	slt.u32 s9, $0xF7A;
	s5 =	simm.s32 @!p2 $0x0  }
0x1d: {  	s5 =	simm.s32 @p1 $0x1;
	p0 =	seq.s32 s7, s2  }
0x1e: {  	s7 =	smul.u32 @!p0 $0xF7A, s2;
	p2 =	seq.s32 @!p0 s5, $0x0  }
0x1f: {  	s9 =	smul.u32 $0xF7A, s1;
	s8 =	simm.s32 @!p0 $0x1BF5;
	p2 =	por !p2, p0  }
0x20: {  	[sflag:s8] =	ssyncset.s32 @!p0 $0xFFFFF086;
	s6 =	sadd.s32 @!p0 s3, s7;
	s7 =	simm.s32 @!p0 $0x108  }
0x21: {  	s3 =	sadd.s32 s3, s9;
	s6 =	sadd.s32 @!p0 $0x88, s6;
	s7 =	simm.s32 @p2 $0x1082  }
0x22: {  	[simem:s7], [sflag:s8] =	dma.local @!p0 [hbm:s6], $0xF7A  }
0x23: {  	s9 =	sor.u32 $0xD0000000, s2;
	s6 =	simm.s32 $0x108;
	_ =	swait.ge @!p0 [sflag:s8], $0x0  }
0x24: {  	s3 =	sadd.s32 $0x88, s3;
	s6 =	simm.s32 @!p1 $0x1082;
	[sflag:s4] =	ssyncset.s32 $0xFFFFF086  }
0x25: {  	[simem:s6], [sflag:s4] =	dma.local [hbm:s3], $0xF7A  }
0x26: {  	[smem:$0x3F9B] =	sst s1;
	(tag) =	ssettag s2;
	_ =	strace s9  }
0x27: {  	s1 =	sld [smem:$0x3FAB]  }
0x28: {  	s2 =	sld [smem:$0x3FAC]  }
0x29: {  	s4 =	sld [smem:$0x3FAE]  }
0x2a: {  	p0 =	seq.s32 s5, $0x0;
	s5 =	sld [smem:$0x3FAF]  }
0x2b: {  	s6 =	sld [smem:$0x3FB0]  }
0x2c: {  	s7 =	sld [smem:$0x3FB1]  }
0x2d: {  	s3 =	simm.s32 $0x108;
	s8 =	sld [smem:$0x3FB2]  }
0x2e: {  	s3 =	simm.s32 @!p0 $0x1082;
	s9 =	sld [smem:$0x3FB3]  }
0x2f: {  	lr =	sadd.s32 s0, s3;
	s0 =	sld [smem:$0x3FAA]  }
0x30: {  	s3 =	sld [smem:$0x3FAD]  }
0x31: {  	[smem:$0x3FB6] =	sst s10  }
0x32: {  	s10 =	sld [smem:$0x3FB4];
	_ =	sdelay $0x3  }
0x33: {  	p0 =	seq.s32 s10, $0x1;
	s10 =	sld [smem:$0x3FB6];
	_ =	sdelay $0x3  }
0x34: {  	[smem:$0x3FB6] =	sst s10  }
0x35: {  	s10 =	sld [smem:$0x3FB5];
	_ =	sdelay $0x3  }
0x36: {  	p1 =	seq.s32 s10, $0x1;
	s10 =	sld [smem:$0x3FB6];
	_ =	sdelay $0x3  }
0x37: {  	[smem:$0x3FB6] =	sst s10  }
0x38: {  	s10 =	sld [smem:$0x3FB7]  }
0x39: {  	_ = 	snop;
	(pc) =	sbr.ind lr, $3  }
0x3a: {  	_ = 	snop  }
0x3b: {  	_ = 	snop  }
0x3c: {  	p2 =	seq.s32 s10, $0x1;
	s10 =	sld [smem:$0x3FB6]  }
0x3d: {  	_ =	shalt  }
0x3e: {  	_ =	shalt  }
0x3f: {  	_ =	shalt  }
0x40: {  	_ =	shalt  }
0x41: {  	_ =	shalt  }
0x42: {  	_ =	shalt  }
0x43: {  	_ =	shalt  }
0x44: {  	_ =	shalt  }
0x45: {  	_ =	shalt  }
0x46: {  	_ =	shalt  }
0x47: {  	_ =	shalt  }
0x48: {  	_ =	shalt  }
0x49: {  	_ =	shalt  }
0x4a: {  	_ =	shalt  }
0x4b: {  	_ =	shalt  }
0x4c: {  	_ =	shalt  }
0x4d: {  	_ =	shalt  }
0x4e: {  	_ =	shalt  }
0x4f: {  	_ =	shalt  }
0x50: {  	_ =	shalt  }
0x51: {  	_ =	shalt  }
0x52: {  	_ =	shalt  }
0x53: {  	_ =	shalt  }
0x54: {  	_ =	shalt  }
0x55: {  	_ =	shalt  }
0x56: {  	_ =	shalt  }
0x57: {  	_ =	shalt  }
0x58: {  	_ =	shalt  }
0x59: {  	_ =	shalt  }
0x5a: {  	_ =	shalt  }
0x5b: {  	_ =	shalt  }
0x5c: {  	_ =	shalt  }
0x5d: {  	_ =	shalt  }
0x5e: {  	_ =	shalt  }
0x5f: {  	_ =	shalt  }
0x60: {  	_ =	shalt  }
0x61: {  	_ =	shalt  }
0x62: {  	_ =	shalt  }
0x63: {  	_ =	shalt  }
0x64: {  	_ =	shalt  }
0x65: {  	_ =	shalt  }
0x66: {  	_ =	shalt  }
0x67: {  	_ =	shalt  }
0x68: {  	_ =	shalt  }
0x69: {  	_ =	shalt  }
0x6a: {  	_ =	shalt  }
0x6b: {  	_ =	shalt  }
0x6c: {  	_ =	shalt  }
0x6d: {  	_ =	shalt  }
0x6e: {  	_ =	shalt  }
0x6f: {  	_ =	shalt  }
0x70: {  	_ =	shalt  }
0x71: {  	_ =	shalt  }
0x72: {  	_ =	shalt  }
0x73: {  	_ =	shalt  }
0x74: {  	_ =	shalt  }
0x75: {  	_ =	shalt  }
0x76: {  	_ =	shalt  }
0x77: {  	_ =	shalt  }
0x78: {  	_ =	shalt  }
0x79: {  	_ =	shalt  }
0x7a: {  	_ =	shalt  }
0x7b: {  	_ =	shalt  }
0x7c: {  	_ =	shalt  }
0x7d: {  	_ =	shalt  }
0x7e: {  	_ =	shalt  }
0x7f: {  	_ =	shalt  }
0x80: {  	_ =	shalt  }
0x81: {  	_ =	shalt  }
0x82: {  	_ =	shalt  }
0x83: {  	_ =	shalt  }
0x84: {  	_ =	shalt  }
0x85: {  	_ =	shalt  }
0x86: {  	_ =	shalt  }
0x87: {  	_ =	shalt  }
.Lfunc_end0:
.L_simem_size_0:
called_computation_lowered:
.L_overlay_start_0:
0x88: {  	s2 =	sld [smem:$0x3FD9]  }
0x89: {  	s3 =	sld [smem:$0x3FFE];
	_ =	sdelay $0x1  }
0x8a: {  	s1 =	srdreg.scid  }
0x8b: {  	s0 =	sand.u32 $0x1, s1  }
0x8c: {  	s17 =	sshll.u32 s0, $0xA;
	s2 =	sadd.s32 s3, s2  }
0x8d: {  	s2 =	sadd.s32 s2, s17  }
0x8e: {  	[smem:$0x3FC2] =	sst s2  }
0x8f: {  	_ = 	snop  }
0x90: {  	s2 =	sld [smem:$0x3FD0];
	(tm) =	ssettm $0x1  }
0x91: {  	s18 =	sld [smem:$0x3FFB];
	_ =	sdelay $0x3  }
0x92: {  	_ =	strace s18  }
0x93: {  	s3 =	sld [smem:$0x3FFC];
	_ =	sdelay $0x3  }
0x94: {  	_ =	strace s3  }
0x95: {  	s3 =	sld [smem:$0x3FFD];
	_ =	sdelay $0x3  }
0x96: {  	_ =	strace s3  }
0x97: {  	_ =	strace $0x8FFFFFFF  }
0x98: {  	s19 =	sld [smem:$0x3FDB];
	_ =	sdelay $0x1  }
0x99: {  	s4 =	simm.s32 $_scs_section_size  }
0x9a: {  	s5 =	simm.s32 $_size__tile_overlayer_lowered;
	s6 =	simm.s32 $_tile_overlayer_lowered  }
0x9b: {  	s22 =	simm.s32 $0x1BFF;
	s21 =	sshll.u32 s6, $0x1;
	s3 =	sadd.s32 s4, s19  }
0x9c: {  	s7 =	simm.s32 $0x0;
	s20 =	sshll.u32 s5, $0x1;
	s5 =	sadd.s32 s21, s3  }
0x9d: {  	[timem:s7], [sflag:s22] =	dma.local [hbm:s5], s20  }
0x9e: {  	_ =	swait.ge [sflag:s22], s20  }
0x9f: {  	s4 =	ssub.s32 $0x0, s20;
	[sflag:s22] =	ssyncset.done $0x0  }
0xa0: {  	[sflag:s22] =	ssyncadd.s32 s4;
	_ =	sdelay $0x1  }
0xa1: {  	s23 =	simm.s32 $0x1B8B  }
0xa2: {  	_ =	swait.ge [sflag:s23], $0x1  }
0xa3: {  	[sflag:s23] =	ssyncset.done $0x0  }
0xa4: {  	s25 =	simm.s32 $0x1B8E;
	s24 =	sld [smem:$0x3FFE];
	[sflag:s23] =	ssyncadd.s32 $0xFFFFFFFF  }
0xa5: {  	s26 =	simm.s32 $execute0_lowered;
	[smem:$0x3FD2] =	sst s25  }
0xa6: {  	s5 =	sshll.u32 s26, $0x1;
	_ =	strace $0x80000046;
	[dreg:$0x1] =	wrdreg $0xFFFFFFFF  }
0xa7: {  	s28 =	simm.s32 $_size_execute0_lowered;
	s3 =	sadd.s32 s3, s5;
	[dreg:$0x0] =	wrdreg $0x0  }
0xa8: {  	s5 =	sshll.u32 s28, $0x1;
	[dreg:$0x2] =	wrdreg s3  }
0xa9: {  	[dreg:$0x3] =	wrdreg s5  }
0xaa: {  	[dreg:$0x4] =	wrdreg $0xC0  }
0xab: {  	_ =	task [dreg:s7], $0x5FFFF  }
0xac: {  	[dreg:$0x1] =	wrdreg $0xFFFFFFFF  }
0xad: {  	[dreg:$0x0] =	wrdreg $0x60  }
0xae: {  	[dreg:$0x2] =	wrdreg s2  }
0xaf: {  	[dreg:$0x3] =	wrdreg s24  }
0xb0: {  	[dreg:$0x4] =	wrdreg $0x0  }
0xb1: {  	[dreg:$0x5] =	wrdreg $0x9  }
0xb2: {  	_ =	task.clear_ibuf [dreg:s7], $0x6FFFF;
	_ =	strace $0x90000046  }
0xb3: {  	s29 =	simm.s32 $0x9;
	_ =	strace $0x80000048  }
0xb4: {  	_ =	swait.ge [sflag:s29], $0x1  }
0xb5: {  	[sflag:s29] =	ssyncadd.s32 $0xFFFFFFFF  }
0xb6: {  	_ =	strace $0x90000048  }
0xb7: {  	_ =	sfence  }
0xb8: {  	s30 =	sld [smem:$0x0];
	_ =	sdelay $0x2  }
0xb9: {  	s31 =	sshll.u32 s1, $0xD;
	s1 =	sshrl.u32 s1, $0x2  }
0xba: {  	s3 =	sand.u32 $0x4000, s31;
	s1 =	sadd.s32 s1, s30  }
0xbb: {  	s0 =	sor.u32 s3, s0;
	s1 =	sshll.u32 s1, $0x11  }
0xbc: {  	s0 =	sor.u32 s1, s0  }
0xbd: {  	s0 =	sadd.s32 $0x8F2B, s0  }
0xbe: {  	[sflag:s0] =	ssyncadd.remote.s32 $0x1  }
0xbf: {  	_ =	sfence.sel $0xFFFF  }
0xc0: {  	[dreg:$0x0] =	wrdreg $0xFFFFFFFF;
	(pc) =	sbr.abs _section_cstart, $3  }
0xc1: {  	[dreg:$0x1] =	wrdreg $0xFFFFFFFF  }
0xc2: {  	_ =	task.clear_ibuf [dreg:s7], $0x2FFFF;
	_ =	strace $0x9FFFFFFF  }
0xc3: {  	(tm) =	ssettm $0x7FFFFFFF  }
tec
execute0_lowered:
.L_overlay_start_1:
0x0: {  	(tag) =	ssettag $0x1  }
0x1: {  	s6 =	rddreg [dreg:$0x0]  }
0x2: {  	s7 =	rddreg [dreg:$0x1]  }
0x3: {  	s2 =	rddreg [dreg:$0x2]  }
0x4: {  	s0 =	rddreg [dreg:$0x3]  }
0x5: {  	s4 =	srdreg.scid;
	s1 =	stileid.u32;
	s3 =	simm.s32 $0x0  }
0x6: {  	s17 =	simm.s32 $0x5800;
	s18 =	simm.s32 $0x1;
	s19 =	simm.s32 $0x5000  }
0x7: {  	s22 =	simm.s32 $0x80;
	s23 =	simm.s32 $0x0;
	s9 =	smul.u32 $0x280, s1  }
0x8: {  	s8 =	sand.u32 $0x1, s4;
	[smem:$0x7FF] =	sst s3;
	s29 =	smul.u32 $0xA000, s1  }
0x9: {  	s4 =	sadd.s32 $0x2600, s7;
	s5 =	sadd.s32 $0x2400, s7;
	s12 =	smul.u32 $0xA00, s1  }
0xa: {  	s10 =	smul.u32 $0x2800, s8;
	_ =	strace $0x80000047;
	s11 =	ssub.s32 $0x2, s8  }
0xb: {  	s21 =	smul.u32 $0x500, s8;
	s30 =	sshrl.u32 s11, $0x1;
	s31 =	sshrl.u32 s29, $0x2  }
0xc: {  	s20 =	sadd.s32 s6, s12;
	s9 =	sadd.s32 s9, s10;
	s16 =	ssub.s32 s11, s30  }
0xd: {  	s6 =	sadd.s32 s31, s2;
	s20 =	sadd.s32 s21, s20;
	s21 =	simm.s32 $0x2800  }
0xe: {  	s9 =	sshll.u32 s9, $0x1;
	s8 =	sadd.s32 $0x1000, s6;
	s10 =	sadd.s32 $0x2000, s6  }
0xf: {  	s16 =	smax.u32 s16, $0x1;
	s15 =	sadd.s32 s9, s7;
	s7 =	sadd.s32 $0x800, s6  }
0x10: {  	s9 =	sadd.s32 $0x1800, s6;
	s11 =	sadd.s32 $0x2800, s15;
	s12 =	sadd.s32 $0x2900, s15  }
0x11: {  	s13 =	sadd.s32 $0x2A00, s15;
	s14 =	sadd.s32 $0x2B00, s15;
	s15 =	sadd.s32 $0x2C00, s15  }
.LBB2_1:
0x12: {  	[tilespmem:s17], [sflag:$0x1] =	stream.linear.gather [hbm4b:s5+s3], $0x800, $0x38;
	[tilespmem:$0x6000] =	vst v63  }
0x13: {  	_ =	swait.ge [sflag:s18], $0x800  }
0x14: {  	[sflag:s18] =	ssyncset.done $0x0  }
0x15: {  	[sflag:s18] =	ssyncadd.s32 $0xFFFFF800  }
0x16: {  	[tilespmem:s19], [sflag:$0x1] =	stream.linear.gather [hbm4b:s4+s3], $0x800, $0x38;
	[tilespmem:$0x6000] =	vst v63  }
0x17: {  	_ =	swait.ge [sflag:s18], $0x800  }
0x18: {  	[sflag:s18] =	ssyncset.done $0x0  }
0x19: {  	[sflag:s18] =	ssyncadd.s32 $0xFFFFF800  }
0x1a: {  	[tilespmem:s21], [sflag:$0x1] =	stream.linear.gather [hbm4b:s20+s3], $0x2800, $0x38;
	[tilespmem:$0x6000] =	vst v63  }
0x1b: {  	_ =	swait.ge [sflag:s18], $0x2800  }
0x1c: {  	[sflag:s18] =	ssyncset.done $0x0  }
0x1d: {  	[sflag:s18] =	ssyncadd.s32 $0xFFFFD800  }
0x1e: {  	[spmem:s6] =	stream.linear.scatter [tilespmem:s17], [sflag:$0x1], $0x800, $0x38;
	[tilespmem:$0x6000] =	vst v63  }
0x1f: {  	_ =	swait.ge [sflag:s18], $0x800  }
0x20: {  	[sflag:s18] =	ssyncset.done $0x0  }
0x21: {  	[sflag:s18] =	ssyncadd.s32 $0xFFFFF800  }
0x22: {  	[spmem:s7] =	stream.linear.scatter [tilespmem:s17], [sflag:$0x1], $0x800, $0x38;
	[tilespmem:$0x6000] =	vst v63  }
0x23: {  	_ =	swait.ge [sflag:s18], $0x800  }
0x24: {  	[sflag:s18] =	ssyncset.done $0x0  }
0x25: {  	[sflag:s18] =	ssyncadd.s32 $0xFFFFF800  }
0x26: {  	[spmem:s8] =	stream.linear.scatter [tilespmem:s17], [sflag:$0x1], $0x800, $0x38;
	[tilespmem:$0x6000] =	vst v63  }
0x27: {  	_ =	swait.ge [sflag:s18], $0x800  }
0x28: {  	[sflag:s18] =	ssyncset.done $0x0  }
0x29: {  	[sflag:s18] =	ssyncadd.s32 $0xFFFFF800  }
0x2a: {  	[spmem:s9] =	stream.linear.scatter [tilespmem:s17], [sflag:$0x1], $0x800, $0x38;
	[tilespmem:$0x6000] =	vst v63  }
0x2b: {  	_ =	swait.ge [sflag:s18], $0x800  }
0x2c: {  	[sflag:s18] =	ssyncset.done $0x0  }
0x2d: {  	[sflag:s18] =	ssyncadd.s32 $0xFFFFF800  }
0x2e: {  	[spmem:s10] =	stream.linear.scatter [tilespmem:s17], [sflag:$0x1], $0x800, $0x38;
	[tilespmem:$0x6000] =	vst v63  }
0x2f: {  	_ =	swait.ge [sflag:s18], $0x800  }
0x30: {  	[sflag:s18] =	ssyncset.done $0x0  }
0x31: {  	[sflag:s18] =	ssyncadd.s32 $0xFFFFF800  }
0x32: {  	s24 =	simm.s32 $0x2800;
	[bflag:$0x0] =	sbarrier.arrive $0xFFFF  }
0x33: {  	[spmem:s2] =	stream.indirect.scatter.add.f32 [tilespmem:s19], [sflag:$0x1], $0x10, s24, s22, $0xb8;
	[tilespmem:$0x6000] =	vst v63  }
0x34: {  	s24 =	simm.s32 $0x200;
	_ =	swait.ge [sflag:s18], $0x800  }
.LBB2_2:
0x35: {  	s25 =	sshra.s32 s24, $0x2;
	[sflag:s18] =	ssyncset.done $0x0;
	p0 =	sne.s32 s24, $0x9E00  }
.Ltmp0:
0x36: {  	s25 =	sadd.s32 $0x2800, s25;
	[sflag:s18] =	ssyncadd.s32 $0xFFFFF800;
	(pc) =	sbr.rel @p0 .LBB2_2-.Ltmp0, $3  }
0x37: {  	[spmem:s2] =	stream.indirect.scatter.add.f32 [tilespmem:s19], [sflag:$0x1], $0x10, s25, s22, $0xb8;
	[tilespmem:$0x6000] =	vst v63  }
0x38: {  	s24 =	sadd.s32 $0x200, s24;
	_ =	sdelay $0x1  }
0x39: {  	_ =	swait.ge [sflag:s18], $0x800  }
0x3a: {  	[sflag:s18] =	ssyncset.done $0x0  }
0x3b: {  	[sflag:s18] =	ssyncadd.s32 $0xFFFFF800  }
0x3c: {  	[bflag:$0x0] =	sbarrier.arrive $0xFFFF  }
0x3d: {  	[tilespmem:s17], [sflag:$0x1] =	stream.linear.gather [spmem:s6], $0x800, $0x38;
	[tilespmem:$0x6000] =	vst v63  }
0x3e: {  	_ =	swait.ge [sflag:s18], $0x800  }
0x3f: {  	[sflag:s18] =	ssyncset.done $0x0  }
0x40: {  	[sflag:s18] =	ssyncadd.s32 $0xFFFFF800  }
0x41: {  	[hbm4b:s11+s3] =	stream.linear.scatter [tilespmem:s17], [sflag:$0x1], $0x800, $0x38;
	[tilespmem:$0x6000] =	vst v63  }
0x42: {  	_ =	swait.ge [sflag:s18], $0x800  }
0x43: {  	[sflag:s18] =	ssyncset.done $0x0  }
0x44: {  	[sflag:s18] =	ssyncadd.s32 $0xFFFFF800  }
0x45: {  	[tilespmem:s17], [sflag:$0x1] =	stream.linear.gather [spmem:s7], $0x800, $0x38;
	[tilespmem:$0x6000] =	vst v63  }
0x46: {  	_ =	swait.ge [sflag:s18], $0x800  }
0x47: {  	[sflag:s18] =	ssyncset.done $0x0  }
0x48: {  	[sflag:s18] =	ssyncadd.s32 $0xFFFFF800  }
0x49: {  	[hbm4b:s12+s3] =	stream.linear.scatter [tilespmem:s17], [sflag:$0x1], $0x800, $0x38;
	[tilespmem:$0x6000] =	vst v63  }
0x4a: {  	_ =	swait.ge [sflag:s18], $0x800  }
0x4b: {  	[sflag:s18] =	ssyncset.done $0x0  }
0x4c: {  	[sflag:s18] =	ssyncadd.s32 $0xFFFFF800  }
0x4d: {  	[tilespmem:s17], [sflag:$0x1] =	stream.linear.gather [spmem:s8], $0x800, $0x38;
	[tilespmem:$0x6000] =	vst v63  }
0x4e: {  	_ =	swait.ge [sflag:s18], $0x800  }
0x4f: {  	[sflag:s18] =	ssyncset.done $0x0  }
0x50: {  	[sflag:s18] =	ssyncadd.s32 $0xFFFFF800  }
0x51: {  	[hbm4b:s13+s3] =	stream.linear.scatter [tilespmem:s17], [sflag:$0x1], $0x800, $0x38;
	[tilespmem:$0x6000] =	vst v63  }
0x52: {  	_ =	swait.ge [sflag:s18], $0x800  }
0x53: {  	[sflag:s18] =	ssyncset.done $0x0  }
0x54: {  	[sflag:s18] =	ssyncadd.s32 $0xFFFFF800  }
0x55: {  	[tilespmem:s17], [sflag:$0x1] =	stream.linear.gather [spmem:s9], $0x800, $0x38;
	[tilespmem:$0x6000] =	vst v63  }
0x56: {  	_ =	swait.ge [sflag:s18], $0x800  }
0x57: {  	[sflag:s18] =	ssyncset.done $0x0  }
0x58: {  	[sflag:s18] =	ssyncadd.s32 $0xFFFFF800  }
0x59: {  	[hbm4b:s14+s3] =	stream.linear.scatter [tilespmem:s17], [sflag:$0x1], $0x800, $0x38;
	[tilespmem:$0x6000] =	vst v63  }
0x5a: {  	_ =	swait.ge [sflag:s18], $0x800  }
0x5b: {  	[sflag:s18] =	ssyncset.done $0x0  }
0x5c: {  	[sflag:s18] =	ssyncadd.s32 $0xFFFFF800  }
0x5d: {  	[tilespmem:s17], [sflag:$0x1] =	stream.linear.gather [spmem:s10], $0x800, $0x38;
	[tilespmem:$0x6000] =	vst v63  }
0x5e: {  	s23 =	sadd.s32 $0x1, s23;
	_ =	swait.ge [sflag:s18], $0x800  }
0x5f: {  	p0 =	sne.s32 s23, s16;
	[sflag:s18] =	ssyncset.done $0x0  }
.Ltmp1:
0x60: {  	[sflag:s18] =	ssyncadd.s32 $0xFFFFF800;
	(pc) =	sbr.rel @p0 .LBB2_1-.Ltmp1, $4  }
0x61: {  	[hbm4b:s15+s3] =	stream.linear.scatter [tilespmem:s17], [sflag:$0x1], $0x800, $0x38;
	[tilespmem:$0x6000] =	vst v63  }
0x62: {  	_ =	swait.ge [sflag:s18], $0x800  }
0x63: {  	[sflag:s18] =	ssyncset.done $0x0  }
0x64: {  	[sflag:s18] =	ssyncadd.s32 $0xFFFFF800  }
0x65: {  	_ =	sfence.sel $0x180000  }
0x66: {  	[bflag:$0x0] =	sbarrier.arrive $0xFFFF  }
0x67: {  	p0 =	sne.s32 s1, $0x0;
	_ =	strace $0x90000047  }
0x68: {  	s0 =	sadd.s32 @!p0 $0x100000, s0;
	[bflag:$0x2] =	sbarrier.arrive $0xFFFF  }
0x69: {  	[sflag:s0] =	ssyncadd.tile.s32 @!p0 $0x1;
	_ =	shalt  }
.Lfunc_end2:
_tile_overlayer_lowered:
.L_overlay_start_2:
0x6a: {  	(tag) =	ssettag $0x2  }
0x6b: {  	s0 =	rddreg [dreg:$0x0];
	s2 =	stileid.u32  }
0x6c: {  	s1 =	rddreg [dreg:$0x1];
	p0 =	sne.s32 s2, $0x0  }
0x6d: {  	s3 =	rddreg [dreg:$0x2];
	[bflag:$0x3] =	sbarrier.arrive $0xFFFF;
	s2 =	simm.s32 @!p0 $0x1C01  }
0x6e: {  	[timem:s3], [sflag:s2] =	dma.local @!p0 [hbm:s0], s1  }
0x6f: {  	s0 =	simm.s32 @!p0 $0x1  }
0x70: {  	_ =	swait.ge @!p0 [sflag:s0], s1  }
0x71: {  	s1 =	ssub.s32 @!p0 $0x0, s1;
	[sflag:s0] =	ssyncset.done @!p0 $0x0  }
0x72: {  	[sflag:s0] =	ssyncadd.s32 @!p0 s1  }
0x73: {  	[bflag:$0x3] =	sbarrier.arrive $0xFFFF  }
0x74: {  	_ =	shalt  }

</sc_bundles>
